<compile_context>
chip_gen: v7x
topology: tpu7x:2x2x1
jax: 0.10.2.dev20260603
libtpu: 0.0.44.dev20260713+nightly
codegen_flags: <defaults>
</compile_context>

<pallas_src>
import functools

import jax
import jax.numpy as jnp
from jax import lax
from jax.experimental import pallas as pl
from jax.experimental.pallas import tpu as pltpu
from jax.experimental.pallas import tpu_sc as plsc

N = 10000
D = 128
E = 320000

NC = 2
NS = 16
NW = NC * NS

NROW = 10112
SCRAP = 10100

CH = 128
CPT = 80
CPT0 = 128
CPT1 = 2 * CPT - CPT0
CPTMX = max(CPT0, CPT1)
EPAD = NW * CPT * CH

_MESH = plsc.VectorSubcoreMesh(core_axis_name="c", subcore_axis_name="s")


@functools.partial(
    pl.kernel,
    mesh=_MESH,
    out_type=jax.ShapeDtypeStruct((NC, NROW, D), jnp.float32),
    scratch_types=[
        pltpu.VMEM((CH, D), jnp.float32),
        pltpu.VMEM((CH, D), jnp.float32),
        pltpu.VMEM((CPT, CH), jnp.int32),
        pltpu.VMEM_SHARED((NROW, D), jnp.float32),
        pltpu.SemaphoreType.DMA,
    ],
)
def _hist_kernel(idx_hbm, out_hbm, zbuf_v, obuf_v, hidx_v, tab_s, sem):
    core = lax.axis_index("c")
    sub = lax.axis_index("s")
    tid = core * NS + sub

    def fillz(r, c):
        for j in range(D // 16):
            zbuf_v[r, pl.ds(j * 16, 16)] = jnp.zeros((16,), jnp.float32)
            obuf_v[r, pl.ds(j * 16, 16)] = jnp.full((16,), 1.0, jnp.float32)
        return c
    lax.fori_loop(0, CH, fillz, None)
    pltpu.async_copy(idx_hbm.at[pl.ds(tid * CPT, CPT)], hidx_v, sem)
    zrows = NROW // NS

    def zbody(k, c):
        pltpu.sync_copy(zbuf_v, tab_s.at[pl.ds(sub * zrows + k * CH, CH)])
        return c
    lax.fori_loop(0, zrows // CH, zbody, None)
    zrem = zrows % CH
    pltpu.sync_copy(
        zbuf_v.at[pl.ds(0, zrem)],
        tab_s.at[pl.ds(sub * zrows + zrows - zrem, zrem)],
    )
    pltpu.make_async_copy(idx_hbm.at[pl.ds(tid * CPT, CPT)], hidx_v, sem).wait()
    plsc.subcore_barrier()

    def chunk(k, c):
        pltpu.sync_copy(obuf_v, tab_s.at[hidx_v.at[k]], add=True)
        return c
    lax.fori_loop(0, CPT, chunk, None)
    plsc.subcore_barrier()

    pltpu.sync_copy(
        tab_s.at[pl.ds(sub * zrows, zrows)],
        out_hbm.at[core, pl.ds(sub * zrows, zrows)],
    )


@functools.partial(
    pl.kernel,
    mesh=_MESH,
    out_type=jax.ShapeDtypeStruct((NC, NROW, D), jnp.float32),
    scratch_types=[
        pltpu.VMEM((CH, D), jnp.float32),
        pltpu.VMEM((CH, D), jnp.float32),
        pltpu.VMEM((CPTMX, CH), jnp.int32),
        pltpu.VMEM((CH,), jnp.int32),
        pltpu.VMEM((CH,), jnp.int32),
        pltpu.VMEM_SHARED((NROW, D), jnp.float32),
        pltpu.SemaphoreType.DMA,
        pltpu.SemaphoreType.DMA,
        pltpu.SemaphoreType.DMA,
        pltpu.SemaphoreType.DMA,
    ],
)
def _scatter_kernel(hp_hbm, src_hbm, dst_hbm, out_hbm,
                    rows0_v, rows1_v, sidx_v, d0_v, d1_v, acc_s,
                    sem0, sem1, dsem0, dsem1):
    core = lax.axis_index("c")
    sub = lax.axis_index("s")
    my_cpt = jnp.where(core == 0, CPT0, CPT1)
    cbase = jnp.where(core == 0, sub * CPT0, NS * CPT0 + sub * CPT1)
    half = my_cpt // 2

    pltpu.async_copy(src_hbm.at[pl.ds(cbase, CPTMX)], sidx_v, sem0)

    def zfill(r, c):
        for j in range(D // 16):
            rows0_v[r, pl.ds(j * 16, 16)] = jnp.zeros((16,), jnp.float32)
        return c
    lax.fori_loop(0, CH, zfill, None)
    zrows = NROW // NS

    def zbody(k, c):
        pltpu.sync_copy(rows0_v, acc_s.at[pl.ds(sub * zrows + k * CH, CH)])
        return c
    lax.fori_loop(0, zrows // CH, zbody, None)
    zrem = zrows % CH
    pltpu.sync_copy(
        rows0_v.at[pl.ds(0, zrem)],
        acc_s.at[pl.ds(sub * zrows + zrows - zrem, zrem)],
    )
    pltpu.make_async_copy(src_hbm.at[pl.ds(cbase, CPTMX)], sidx_v, sem0).wait()
    plsc.subcore_barrier()

    dbase = cbase

    @pl.when(half > 0)
    def _():
        pltpu.async_copy(hp_hbm.at[sidx_v.at[0]], rows0_v, sem0)
        pltpu.async_copy(dst_hbm.at[dbase], d0_v, dsem0)
        pltpu.async_copy(dst_hbm.at[dbase + 1], d1_v, dsem1)

    def pipe(k, c):
        last = k >= half - 1

        pltpu.make_async_copy(hp_hbm.at[pl.ds(0, CH)], rows0_v, sem0).wait()
        pltpu.async_copy(hp_hbm.at[sidx_v.at[2 * k + 1]], rows1_v, sem1)
        pltpu.make_async_copy(dst_hbm.at[dbase], d0_v, dsem0).wait()
        pltpu.sync_copy(rows0_v, acc_s.at[d0_v], add=True)

        pltpu.make_async_copy(hp_hbm.at[pl.ds(0, CH)], rows1_v, sem1).wait()

        @pl.when(jnp.logical_not(last))
        def _():
            pltpu.async_copy(hp_hbm.at[sidx_v.at[2 * k + 2]], rows0_v, sem0)
            pltpu.async_copy(dst_hbm.at[dbase + 2 * k + 2], d0_v, dsem0)
        pltpu.make_async_copy(dst_hbm.at[dbase], d1_v, dsem1).wait()
        pltpu.sync_copy(rows1_v, acc_s.at[d1_v], add=True)

        @pl.when(jnp.logical_not(last))
        def _():
            pltpu.async_copy(dst_hbm.at[dbase + 2 * k + 3], d1_v, dsem1)
        return c
    lax.fori_loop(0, half, pipe, None)
    plsc.subcore_barrier()

    pltpu.sync_copy(
        acc_s.at[pl.ds(sub * zrows, zrows)],
        out_hbm.at[core, pl.ds(sub * zrows, zrows)],
    )


_BLK = 1000
_GRID = N // _BLK

_row_spec = pl.BlockSpec((_BLK, D), lambda i: (i, 0))
_cnt_spec = pl.BlockSpec((_BLK, 1), lambda i: (i, 0))
_mat_spec = pl.BlockSpec((D, D), lambda i: (0, 0))
_bias_spec = pl.BlockSpec((1, D), lambda i: (0, 0))


def _tc1_body(x_ref, w_ref, ca_ref, cb_ref, o_ref):
    dis = lax.rsqrt(1.0 + ca_ref[...] + cb_ref[...])
    o_ref[...] = jnp.dot(x_ref[...], w_ref[...],
                         preferred_element_type=jnp.float32) * dis


def _tc1(x, w1, c1a, c1b):
    return pl.pallas_call(
        _tc1_body,
        grid=(_GRID,),
        in_specs=[_row_spec, _mat_spec, _cnt_spec, _cnt_spec],
        out_specs=_row_spec,
        out_shape=jax.ShapeDtypeStruct((N, D), jnp.float32),
    )(x, w1, c1a, c1b)


def _tc2_body(p0_ref, p1_ref, hp_ref, c1a_ref, c1b_ref, bias_ref,
              w2_ref, c0a_ref, c0b_ref, o_ref):
    dis1 = lax.rsqrt(1.0 + c1a_ref[...] + c1b_ref[...])
    h = dis1 * (p0_ref[...] + p1_ref[...] + hp_ref[...]) + bias_ref[...]
    h = jnp.maximum(h, 0.0)
    dis0 = lax.rsqrt(1.0 + c0a_ref[...] + c0b_ref[...])
    o_ref[...] = jnp.dot(h, w2_ref[...],
                         preferred_element_type=jnp.float32) * dis0


def _tc2(p0, p1, hp, c1a, c1b, b1, w2, c0a, c0b):
    return pl.pallas_call(
        _tc2_body,
        grid=(_GRID,),
        in_specs=[_row_spec, _row_spec, _row_spec, _cnt_spec, _cnt_spec,
                  _bias_spec, _mat_spec, _cnt_spec, _cnt_spec],
        out_specs=_row_spec,
        out_shape=jax.ShapeDtypeStruct((N, D), jnp.float32),
    )(p0, p1, hp, c1a, c1b, b1, w2, c0a, c0b)


def _tc3_body(p0_ref, p1_ref, hp_ref, ca_ref, cb_ref, bias_ref, o_ref):
    dis = lax.rsqrt(1.0 + ca_ref[...] + cb_ref[...])
    o_ref[...] = dis * (p0_ref[...] + p1_ref[...] + hp_ref[...]) + bias_ref[...]


def _tc3(p0, p1, hp, c0a, c0b, b2):
    return pl.pallas_call(
        _tc3_body,
        grid=(_GRID,),
        in_specs=[_row_spec, _row_spec, _row_spec, _cnt_spec, _cnt_spec,
                  _bias_spec],
        out_specs=_row_spec,
        out_shape=jax.ShapeDtypeStruct((N, D), jnp.float32),
    )(p0, p1, hp, c0a, c0b, b2)


def _pad_edges(src, dst):
    pad = EPAD + CPTMX * CH - E
    srcp = jnp.concatenate([src, jnp.zeros((pad,), jnp.int32)])
    dstp = jnp.concatenate([dst, jnp.full((pad,), SCRAP, jnp.int32)])
    return (srcp.reshape(NW * CPT + CPTMX, CH),
            dstp.reshape(NW * CPT + CPTMX, CH))


@jax.jit
def kernel(x, edge_index0, edge_index1, W1, b1, W2, b2):
    ei0 = edge_index0.astype(jnp.int32)
    ei1 = edge_index1.astype(jnp.int32)
    src1, dst1 = ei1[0], ei1[1]
    src0, dst0 = ei0[0], ei0[1]

    srcp1, dstp1 = _pad_edges(src1, dst1)
    srcp0, dstp0 = _pad_edges(src0, dst0)

    hist1 = _hist_kernel(dstp1)
    hist0 = _hist_kernel(dstp0)
    c1a = hist1[0, :, 0:1]
    c1b = hist1[1, :, 0:1]
    c0a = hist0[0, :, 0:1]
    c0b = hist0[1, :, 0:1]

    hp1 = _tc1(x, W1, c1a, c1b)

    acc1 = _scatter_kernel(hp1, srcp1, dstp1)

    hp2 = _tc2(acc1[0, :N], acc1[1, :N], hp1, c1a, c1b,
               b1.reshape(1, D), W2, c0a, c0b)

    acc2 = _scatter_kernel(hp2, srcp0, dstp0)

    return _tc3(acc2[0, :N], acc2[1, :N], hp2, c0a, c0b, b2.reshape(1, D))

# --- scband reference (transcript-rebuilt; emitter-appended) ---
"""Pipeline reference for scband-gcn-55009941127898 (READ-ONLY COPY).

The authoritative reference and input builder live on the scoring server;
editing this copy changes nothing except your own understanding.
"""

import jax, jax.numpy as jnp
import numpy as np

N_NODES = 10000
N_EDGES = 320000
IN_DIM = 128
HIDDEN_DIM = 128
OUT_DIM = 128


def _gcn_conv(x, edge_index, W, b, num_nodes):
    # Faithful GCNConv with normalize=True: add self-loops, symmetric normalization,
    # linear transform, scatter-add aggregation, bias.
    loop = jnp.arange(num_nodes, dtype=edge_index.dtype)
    src = jnp.concatenate([edge_index[0], loop])
    dst = jnp.concatenate([edge_index[1], loop])
    deg = jnp.zeros((num_nodes,), dtype=x.dtype).at[dst].add(1.0)
    deg_inv_sqrt = jnp.where(deg > 0, jax.lax.rsqrt(deg), 0.0)
    norm = deg_inv_sqrt[src] * deg_inv_sqrt[dst]
    h = x @ W
    msg = h[src] * norm[:, None]
    out = jnp.zeros((num_nodes, W.shape[1]), dtype=x.dtype).at[dst].add(msg)
    return out + b


def setup_inputs(seed: int = 0) -> dict:
    key = jax.random.key(seed)
    k1, k2, k3, k4, k5 = jax.random.split(key, 5)
    x = jax.random.normal(k1, (N_NODES, IN_DIM), dtype=jnp.float32)
    edge_index0 = jax.random.randint(k2, (2, N_EDGES), 0, N_NODES, dtype=jnp.int64)
    edge_index1 = jax.random.randint(k3, (2, N_EDGES), 0, N_NODES, dtype=jnp.int64)
    s1 = 1.0 / np.sqrt(IN_DIM)
    s2 = 1.0 / np.sqrt(HIDDEN_DIM)
    W1 = jax.random.uniform(k4, (IN_DIM, HIDDEN_DIM), dtype=jnp.float32, minval=-s1, maxval=s1)
    b1 = jnp.zeros((HIDDEN_DIM,), dtype=jnp.float32)
    W2 = jax.random.uniform(k5, (HIDDEN_DIM, OUT_DIM), dtype=jnp.float32, minval=-s2, maxval=s2)
    b2 = jnp.zeros((OUT_DIM,), dtype=jnp.float32)
    return {"x": x, "edge_index0": edge_index0, "edge_index1": edge_index1,
            "W1": W1, "b1": b1, "W2": W2, "b2": b2}


def reference(x, edge_index0, edge_index1, W1, b1, W2, b2):
    # Eval mode: F.dropout(training=False) is identity.
    # forward uses adjs[1] for conv1 and adjs[0] for conv2.
    h = _gcn_conv(x, edge_index1, W1, b1, N_NODES)
    h = jax.nn.relu(h)
    out = _gcn_conv(h, edge_index0, W2, b2, N_NODES)
    return out

if __name__ == "__main__":
    import jax
    _d = setup_inputs()
    print(jax.jit(kernel)(*tuple(_d.values())))

</pallas_src>

<mosaic_0001>
#map = affine_map<(d0, d1) -> (0, 0)>
#map1 = affine_map<(d0, d1) -> (0, 0, 0)>
module attributes {stable_mosaic.version = 14 : i64} {
  func.func @_hist_kernel(%arg0: i32, %arg1: i32, %arg2: memref<2688x128xi32, #tpu.memory_space<hbm>>, %arg3: memref<2x10112x128xf32, #tpu.memory_space<hbm>>, %arg4: memref<128x128xf32, #tpu.memory_space<vmem>>, %arg5: memref<128x128xf32, #tpu.memory_space<vmem>>, %arg6: memref<80x128xi32, #tpu.memory_space<vmem>>, %arg7: memref<10112x128xf32, #tpu.memory_space<vmem_shared>>, %arg8: memref<!tpu.dma_semaphore, #tpu.memory_space<semaphore_mem>>) attributes {dimension_semantics = [#tpu.dimension_semantics<core_parallel>, #tpu.dimension_semantics<subcore_parallel>], iteration_bounds = array<i64: 2, 16>, scalar_prefetch = 0 : i64, scratch_operands = 5 : i64, tpu.core_type = #tpu.core_type<sc_vector_subcore>, window_params = [{transform_indices = #map}, {transform_indices = #map1}]} {
    %mul3A = arith.constant 16 : i32
    %mul3A_0 = arith.muli %arg0, %mul3A : i32
    %add3A = arith.addi %mul3A_0, %arg1 : i32
    %scan3A = arith.constant 0 : i32
    %scan3A_1 = arith.constant 128 : i32
    %scan3A_2 = arith.addi %scan3A, %scan3A_1 : i32
    %scan3A_3 = arith.constant 1 : i32
    scf.for %scan3A_35 = %scan3A to %scan3A_2 step %scan3A_3  : i32 {
      %broadcast_in_dim3A = arith.constant 0.000000e+00 : f32
      %broadcast_in_dim3A_36 = vector.broadcast %broadcast_in_dim3A : f32 to vector<16xf32>
      %swap3A = arith.index_cast %scan3A_35 : i32 to index
      %swap3A_37 = arith.constant 0 : index
      %swap3A_38 = tpu.vector_load %arg4[%swap3A, %swap3A_37] {strides = array<i32>} : memref<128x128xf32, #tpu.memory_space<vmem>>, vector<1x16xf32>,
      %swap3A_39 = vector.shape_cast %swap3A_38 : vector<1x16xf32> to vector<16xf32>
      %swap3A_40 = vector.shape_cast %broadcast_in_dim3A_36 : vector<16xf32> to vector<1x16xf32>
      tpu.vector_store %arg4[%swap3A, %swap3A_37], %swap3A_40 {strides = array<i32>} : memref<128x128xf32, #tpu.memory_space<vmem>>, vector<1x16xf32>,
      %broadcast_in_dim3A_41 = arith.constant 1.000000e+00 : f32
      %broadcast_in_dim3A_42 = vector.broadcast %broadcast_in_dim3A_41 : f32 to vector<16xf32>
      %swap3A_43 = arith.index_cast %scan3A_35 : i32 to index
      %swap3A_44 = arith.constant 0 : index
      %swap3A_45 = tpu.vector_load %arg5[%swap3A_43, %swap3A_44] {strides = array<i32>} : memref<128x128xf32, #tpu.memory_space<vmem>>, vector<1x16xf32>,
      %swap3A_46 = vector.shape_cast %swap3A_45 : vector<1x16xf32> to vector<16xf32>
      %swap3A_47 = vector.shape_cast %broadcast_in_dim3A_42 : vector<16xf32> to vector<1x16xf32>
      tpu.vector_store %arg5[%swap3A_43, %swap3A_44], %swap3A_47 {strides = array<i32>} : memref<128x128xf32, #tpu.memory_space<vmem>>, vector<1x16xf32>,
      %broadcast_in_dim3A_48 = arith.constant 0.000000e+00 : f32
      %broadcast_in_dim3A_49 = vector.broadcast %broadcast_in_dim3A_48 : f32 to vector<16xf32>
      %swap3A_50 = arith.index_cast %scan3A_35 : i32 to index
      %swap3A_51 = arith.constant 16 : index
      %swap3A_52 = tpu.vector_load %arg4[%swap3A_50, %swap3A_51] {strides = array<i32>} : memref<128x128xf32, #tpu.memory_space<vmem>>, vector<1x16xf32>,
      %swap3A_53 = vector.shape_cast %swap3A_52 : vector<1x16xf32> to vector<16xf32>
      %swap3A_54 = vector.shape_cast %broadcast_in_dim3A_49 : vector<16xf32> to vector<1x16xf32>
      tpu.vector_store %arg4[%swap3A_50, %swap3A_51], %swap3A_54 {strides = array<i32>} : memref<128x128xf32, #tpu.memory_space<vmem>>, vector<1x16xf32>,
      %broadcast_in_dim3A_55 = arith.constant 1.000000e+00 : f32
      %broadcast_in_dim3A_56 = vector.broadcast %broadcast_in_dim3A_55 : f32 to vector<16xf32>
      %swap3A_57 = arith.index_cast %scan3A_35 : i32 to index
      %swap3A_58 = arith.constant 16 : index
      %swap3A_59 = tpu.vector_load %arg5[%swap3A_57, %swap3A_58] {strides = array<i32>} : memref<128x128xf32, #tpu.memory_space<vmem>>, vector<1x16xf32>,
      %swap3A_60 = vector.shape_cast %swap3A_59 : vector<1x16xf32> to vector<16xf32>
      %swap3A_61 = vector.shape_cast %broadcast_in_dim3A_56 : vector<16xf32> to vector<1x16xf32>
      tpu.vector_store %arg5[%swap3A_57, %swap3A_58], %swap3A_61 {strides = array<i32>} : memref<128x128xf32, #tpu.memory_space<vmem>>, vector<1x16xf32>,
      %broadcast_in_dim3A_62 = arith.constant 0.000000e+00 : f32
      %broadcast_in_dim3A_63 = vector.broadcast %broadcast_in_dim3A_62 : f32 to vector<16xf32>
      %swap3A_64 = arith.index_cast %scan3A_35 : i32 to index
      %swap3A_65 = arith.constant 32 : index
      %swap3A_66 = tpu.vector_load %arg4[%swap3A_64, %swap3A_65] {strides = array<i32>} : memref<128x128xf32, #tpu.memory_space<vmem>>, vector<1x16xf32>,
      %swap3A_67 = vector.shape_cast %swap3A_66 : vector<1x16xf32> to vector<16xf32>
      %swap3A_68 = vector.shape_cast %broadcast_in_dim3A_63 : vector<16xf32> to vector<1x16xf32>
      tpu.vector_store %arg4[%swap3A_64, %swap3A_65], %swap3A_68 {strides = array<i32>} : memref<128x128xf32, #tpu.memory_space<vmem>>, vector<1x16xf32>,
      %broadcast_in_dim3A_69 = arith.constant 1.000000e+00 : f32
      %broadcast_in_dim3A_70 = vector.broadcast %broadcast_in_dim3A_69 : f32 to vector<16xf32>
      %swap3A_71 = arith.index_cast %scan3A_35 : i32 to index
      %swap3A_72 = arith.constant 32 : index
      %swap3A_73 = tpu.vector_load %arg5[%swap3A_71, %swap3A_72] {strides = array<i32>} : memref<128x128xf32, #tpu.memory_space<vmem>>, vector<1x16xf32>,
      %swap3A_74 = vector.shape_cast %swap3A_73 : vector<1x16xf32> to vector<16xf32>
      %swap3A_75 = vector.shape_cast %broadcast_in_dim3A_70 : vector<16xf32> to vector<1x16xf32>
      tpu.vector_store %arg5[%swap3A_71, %swap3A_72], %swap3A_75 {strides = array<i32>} : memref<128x128xf32, #tpu.memory_space<vmem>>, vector<1x16xf32>,
      %broadcast_in_dim3A_76 = arith.constant 0.000000e+00 : f32
      %broadcast_in_dim3A_77 = vector.broadcast %broadcast_in_dim3A_76 : f32 to vector<16xf32>
      %swap3A_78 = arith.index_cast %scan3A_35 : i32 to index
      %swap3A_79 = arith.constant 48 : index
      %swap3A_80 = tpu.vector_load %arg4[%swap3A_78, %swap3A_79] {strides = array<i32>} : memref<128x128xf32, #tpu.memory_space<vmem>>, vector<1x16xf32>,
      %swap3A_81 = vector.shape_cast %swap3A_80 : vector<1x16xf32> to vector<16xf32>
      %swap3A_82 = vector.shape_cast %broadcast_in_dim3A_77 : vector<16xf32> to vector<1x16xf32>
      tpu.vector_store %arg4[%swap3A_78, %swap3A_79], %swap3A_82 {strides = array<i32>} : memref<128x128xf32, #tpu.memory_space<vmem>>, vector<1x16xf32>,
      %broadcast_in_dim3A_83 = arith.constant 1.000000e+00 : f32
      %broadcast_in_dim3A_84 = vector.broadcast %broadcast_in_dim3A_83 : f32 to vector<16xf32>
      %swap3A_85 = arith.index_cast %scan3A_35 : i32 to index
      %swap3A_86 = arith.constant 48 : index
      %swap3A_87 = tpu.vector_load %arg5[%swap3A_85, %swap3A_86] {strides = array<i32>} : memref<128x128xf32, #tpu.memory_space<vmem>>, vector<1x16xf32>,
      %swap3A_88 = vector.shape_cast %swap3A_87 : vector<1x16xf32> to vector<16xf32>
      %swap3A_89 = vector.shape_cast %broadcast_in_dim3A_84 : vector<16xf32> to vector<1x16xf32>
      tpu.vector_store %arg5[%swap3A_85, %swap3A_86], %swap3A_89 {strides = array<i32>} : memref<128x128xf32, #tpu.memory_space<vmem>>, vector<1x16xf32>,
      %broadcast_in_dim3A_90 = arith.constant 0.000000e+00 : f32
      %broadcast_in_dim3A_91 = vector.broadcast %broadcast_in_dim3A_90 : f32 to vector<16xf32>
      %swap3A_92 = arith.index_cast %scan3A_35 : i32 to index
      %swap3A_93 = arith.constant 64 : index
      %swap3A_94 = tpu.vector_load %arg4[%swap3A_92, %swap3A_93] {strides = array<i32>} : memref<128x128xf32, #tpu.memory_space<vmem>>, vector<1x16xf32>,
      %swap3A_95 = vector.shape_cast %swap3A_94 : vector<1x16xf32> to vector<16xf32>
      %swap3A_96 = vector.shape_cast %broadcast_in_dim3A_91 : vector<16xf32> to vector<1x16xf32>
      tpu.vector_store %arg4[%swap3A_92, %swap3A_93], %swap3A_96 {strides = array<i32>} : memref<128x128xf32, #tpu.memory_space<vmem>>, vector<1x16xf32>,
      %broadcast_in_dim3A_97 = arith.constant 1.000000e+00 : f32
      %broadcast_in_dim3A_98 = vector.broadcast %broadcast_in_dim3A_97 : f32 to vector<16xf32>
      %swap3A_99 = arith.index_cast %scan3A_35 : i32 to index
      %swap3A_100 = arith.constant 64 : index
      %swap3A_101 = tpu.vector_load %arg5[%swap3A_99, %swap3A_100] {strides = array<i32>} : memref<128x128xf32, #tpu.memory_space<vmem>>, vector<1x16xf32>,
      %swap3A_102 = vector.shape_cast %swap3A_101 : vector<1x16xf32> to vector<16xf32>
      %swap3A_103 = vector.shape_cast %broadcast_in_dim3A_98 : vector<16xf32> to vector<1x16xf32>
      tpu.vector_store %arg5[%swap3A_99, %swap3A_100], %swap3A_103 {strides = array<i32>} : memref<128x128xf32, #tpu.memory_space<vmem>>, vector<1x16xf32>,
      %broadcast_in_dim3A_104 = arith.constant 0.000000e+00 : f32
      %broadcast_in_dim3A_105 = vector.broadcast %broadcast_in_dim3A_104 : f32 to vector<16xf32>
      %swap3A_106 = arith.index_cast %scan3A_35 : i32 to index
      %swap3A_107 = arith.constant 80 : index
      %swap3A_108 = tpu.vector_load %arg4[%swap3A_106, %swap3A_107] {strides = array<i32>} : memref<128x128xf32, #tpu.memory_space<vmem>>, vector<1x16xf32>,
      %swap3A_109 = vector.shape_cast %swap3A_108 : vector<1x16xf32> to vector<16xf32>
      %swap3A_110 = vector.shape_cast %broadcast_in_dim3A_105 : vector<16xf32> to vector<1x16xf32>
      tpu.vector_store %arg4[%swap3A_106, %swap3A_107], %swap3A_110 {strides = array<i32>} : memref<128x128xf32, #tpu.memory_space<vmem>>, vector<1x16xf32>,
      %broadcast_in_dim3A_111 = arith.constant 1.000000e+00 : f32
      %broadcast_in_dim3A_112 = vector.broadcast %broadcast_in_dim3A_111 : f32 to vector<16xf32>
      %swap3A_113 = arith.index_cast %scan3A_35 : i32 to index
      %swap3A_114 = arith.constant 80 : index
      %swap3A_115 = tpu.vector_load %arg5[%swap3A_113, %swap3A_114] {strides = array<i32>} : memref<128x128xf32, #tpu.memory_space<vmem>>, vector<1x16xf32>,
      %swap3A_116 = vector.shape_cast %swap3A_115 : vector<1x16xf32> to vector<16xf32>
      %swap3A_117 = vector.shape_cast %broadcast_in_dim3A_112 : vector<16xf32> to vector<1x16xf32>
      tpu.vector_store %arg5[%swap3A_113, %swap3A_114], %swap3A_117 {strides = array<i32>} : memref<128x128xf32, #tpu.memory_space<vmem>>, vector<1x16xf32>,
      %broadcast_in_dim3A_118 = arith.constant 0.000000e+00 : f32
      %broadcast_in_dim3A_119 = vector.broadcast %broadcast_in_dim3A_118 : f32 to vector<16xf32>
      %swap3A_120 = arith.index_cast %scan3A_35 : i32 to index
      %swap3A_121 = arith.constant 96 : index
      %swap3A_122 = tpu.vector_load %arg4[%swap3A_120, %swap3A_121] {strides = array<i32>} : memref<128x128xf32, #tpu.memory_space<vmem>>, vector<1x16xf32>,
      %swap3A_123 = vector.shape_cast %swap3A_122 : vector<1x16xf32> to vector<16xf32>
      %swap3A_124 = vector.shape_cast %broadcast_in_dim3A_119 : vector<16xf32> to vector<1x16xf32>
      tpu.vector_store %arg4[%swap3A_120, %swap3A_121], %swap3A_124 {strides = array<i32>} : memref<128x128xf32, #tpu.memory_space<vmem>>, vector<1x16xf32>,
      %broadcast_in_dim3A_125 = arith.constant 1.000000e+00 : f32
      %broadcast_in_dim3A_126 = vector.broadcast %broadcast_in_dim3A_125 : f32 to vector<16xf32>
      %swap3A_127 = arith.index_cast %scan3A_35 : i32 to index
      %swap3A_128 = arith.constant 96 : index
      %swap3A_129 = tpu.vector_load %arg5[%swap3A_127, %swap3A_128] {strides = array<i32>} : memref<128x128xf32, #tpu.memory_space<vmem>>, vector<1x16xf32>,
      %swap3A_130 = vector.shape_cast %swap3A_129 : vector<1x16xf32> to vector<16xf32>
      %swap3A_131 = vector.shape_cast %broadcast_in_dim3A_126 : vector<16xf32> to vector<1x16xf32>
      tpu.vector_store %arg5[%swap3A_127, %swap3A_128], %swap3A_131 {strides = array<i32>} : memref<128x128xf32, #tpu.memory_space<vmem>>, vector<1x16xf32>,
      %broadcast_in_dim3A_132 = arith.constant 0.000000e+00 : f32
      %broadcast_in_dim3A_133 = vector.broadcast %broadcast_in_dim3A_132 : f32 to vector<16xf32>
      %swap3A_134 = arith.index_cast %scan3A_35 : i32 to index
      %swap3A_135 = arith.constant 112 : index
      %swap3A_136 = tpu.vector_load %arg4[%swap3A_134, %swap3A_135] {strides = array<i32>} : memref<128x128xf32, #tpu.memory_space<vmem>>, vector<1x16xf32>,
      %swap3A_137 = vector.shape_cast %swap3A_136 : vector<1x16xf32> to vector<16xf32>
      %swap3A_138 = vector.shape_cast %broadcast_in_dim3A_133 : vector<16xf32> to vector<1x16xf32>
      tpu.vector_store %arg4[%swap3A_134, %swap3A_135], %swap3A_138 {strides = array<i32>} : memref<128x128xf32, #tpu.memory_space<vmem>>, vector<1x16xf32>,
      %broadcast_in_dim3A_139 = arith.constant 1.000000e+00 : f32
      %broadcast_in_dim3A_140 = vector.broadcast %broadcast_in_dim3A_139 : f32 to vector<16xf32>
      %swap3A_141 = arith.index_cast %scan3A_35 : i32 to index
      %swap3A_142 = arith.constant 112 : index
      %swap3A_143 = tpu.vector_load %arg5[%swap3A_141, %swap3A_142] {strides = array<i32>} : memref<128x128xf32, #tpu.memory_space<vmem>>, vector<1x16xf32>,
      %swap3A_144 = vector.shape_cast %swap3A_143 : vector<1x16xf32> to vector<16xf32>
      %swap3A_145 = vector.shape_cast %broadcast_in_dim3A_140 : vector<16xf32> to vector<1x16xf32>
      tpu.vector_store %arg5[%swap3A_141, %swap3A_142], %swap3A_145 {strides = array<i32>} : memref<128x128xf32, #tpu.memory_space<vmem>>, vector<1x16xf32>,
    }
    %scan3A_4 = arith.constant 128 : i32
    %mul3A_5 = arith.constant 80 : i32
    %mul3A_6 = arith.muli %add3A, %mul3A_5 : i32
    %dma_start3A = arith.constant 0 : i32
    %dma_start3A_7 = tpu.memref_slice %arg2[%mul3A_6, %dma_start3A] : memref<2688x128xi32, #tpu.memory_space<hbm>> -> memref<80x128xi32, #tpu.memory_space<hbm>>
    %dma_start3A_8 = arith.constant 0 : i32
    %dma_start3A_9 = tpu.memref_slice %arg2[%mul3A_6, %dma_start3A_8] : memref<2688x128xi32, #tpu.memory_space<hbm>> -> memref<80x128xi32, #tpu.memory_space<hbm>>
    tpu.enqueue_dma source(%dma_start3A_9 : memref<80x128xi32, #tpu.memory_space<hbm>>) target(%arg6 : memref<80x128xi32, #tpu.memory_space<vmem>>) target_semaphore(%arg8 : memref<!tpu.dma_semaphore, #tpu.memory_space<semaphore_mem>>)
    %scan3A_10 = arith.constant 0 : i32
    %scan3A_11 = arith.constant 4 : i32
    %scan3A_12 = arith.addi %scan3A_10, %scan3A_11 : i32
    %scan3A_13 = arith.constant 1 : i32
    scf.for %scan3A_35 = %scan3A_10 to %scan3A_12 step %scan3A_13  : i32 {
      %mul3A_36 = arith.constant 632 : i32
      %mul3A_37 = arith.muli %arg1, %mul3A_36 : i32
      %mul3A_38 = arith.constant 128 : i32
      %mul3A_39 = arith.muli %scan3A_35, %mul3A_38 : i32
      %add3A_40 = arith.addi %mul3A_37, %mul3A_39 : i32
      "tpu.region"() ({
        %run_scoped3A = tpu.sem_alloc : memref<!tpu.dma_semaphore, #tpu.memory_space<semaphore_mem>>
        %dma_start3A_41 = arith.constant 0 : i32
        %dma_start3A_42 = tpu.memref_slice %arg7[%add3A_40, %dma_start3A_41] : memref<10112x128xf32, #tpu.memory_space<vmem_shared>> -> memref<128x128xf32, #tpu.memory_space<vmem_shared>>
        %dma_start3A_43 = arith.constant 0 : i32
        %dma_start3A_44 = tpu.memref_slice %arg7[%add3A_40, %dma_start3A_43] : memref<10112x128xf32, #tpu.memory_space<vmem_shared>> -> memref<128x128xf32, #tpu.memory_space<vmem_shared>>
        tpu.enqueue_dma source(%arg4 : memref<128x128xf32, #tpu.memory_space<vmem>>) target(%dma_start3A_44 : memref<128x128xf32, #tpu.memory_space<vmem_shared>>) target_semaphore(%run_scoped3A : memref<!tpu.dma_semaphore, #tpu.memory_space<semaphore_mem>>)
        %dma_wait3A_45 = arith.constant 0 : i32
        %dma_wait3A_46 = tpu.memref_slice %arg7[%add3A_40, %dma_wait3A_45] : memref<10112x128xf32, #tpu.memory_space<vmem_shared>> -> memref<128x128xf32, #tpu.memory_space<vmem_shared>>
        %dma_wait3A_47 = arith.constant 0 : i32
        %dma_wait3A_48 = tpu.memref_slice %arg7[%add3A_40, %dma_wait3A_47] : memref<10112x128xf32, #tpu.memory_space<vmem_shared>> -> memref<128x128xf32, #tpu.memory_space<vmem_shared>>
        tpu.wait_dma2 semaphore(%run_scoped3A : memref<!tpu.dma_semaphore, #tpu.memory_space<semaphore_mem>>) src(%arg4 : memref<128x128xf32, #tpu.memory_space<vmem>>) dst(%dma_wait3A_48 : memref<128x128xf32, #tpu.memory_space<vmem_shared>>)
        tpu.yield
      }) : () -> ()
    }
    %scan3A_14 = arith.constant 4 : i32
    %mul3A_15 = arith.constant 632 : i32
    %mul3A_16 = arith.muli %arg1, %mul3A_15 : i32
    %add3A_17 = arith.constant 632 : i32
    %add3A_18 = arith.addi %mul3A_16, %add3A_17 : i32
    %sub3A = arith.constant 120 : i32
    %sub3A_19 = arith.subi %add3A_18, %sub3A : i32
    "tpu.region"() ({
      %run_scoped3A = tpu.sem_alloc : memref<!tpu.dma_semaphore, #tpu.memory_space<semaphore_mem>>
      %dma_start3A_35 = arith.constant 0 : i32
      %dma_start3A_36 = arith.constant 0 : i32
      %dma_start3A_37 = tpu.memref_slice %arg4[%dma_start3A_35, %dma_start3A_36] : memref<128x128xf32, #tpu.memory_space<vmem>> -> memref<120x128xf32, #tpu.memory_space<vmem>>
      %dma_start3A_38 = arith.constant 0 : i32
      %dma_start3A_39 = tpu.memref_slice %arg7[%sub3A_19, %dma_start3A_38] : memref<10112x128xf32, #tpu.memory_space<vmem_shared>> -> memref<120x128xf32, #tpu.memory_space<vmem_shared>>
      %dma_start3A_40 = arith.constant 0 : i32
      %dma_start3A_41 = tpu.memref_slice %arg7[%sub3A_19, %dma_start3A_40] : memref<10112x128xf32, #tpu.memory_space<vmem_shared>> -> memref<120x128xf32, #tpu.memory_space<vmem_shared>>
      %dma_start3A_42 = arith.constant 0 : i32
      %dma_start3A_43 = arith.constant 0 : i32
      %dma_start3A_44 = tpu.memref_slice %arg4[%dma_start3A_42, %dma_start3A_43] : memref<128x128xf32, #tpu.memory_space<vmem>> -> memref<120x128xf32, #tpu.memory_space<vmem>>
      tpu.enqueue_dma source(%dma_start3A_44 : memref<120x128xf32, #tpu.memory_space<vmem>>) target(%dma_start3A_41 : memref<120x128xf32, #tpu.memory_space<vmem_shared>>) target_semaphore(%run_scoped3A : memref<!tpu.dma_semaphore, #tpu.memory_space<semaphore_mem>>)
      %dma_wait3A_45 = arith.constant 0 : i32
      %dma_wait3A_46 = arith.constant 0 : i32
      %dma_wait3A_47 = tpu.memref_slice %arg4[%dma_wait3A_45, %dma_wait3A_46] : memref<128x128xf32, #tpu.memory_space<vmem>> -> memref<120x128xf32, #tpu.memory_space<vmem>>
      %dma_wait3A_48 = arith.constant 0 : i32
      %dma_wait3A_49 = tpu.memref_slice %arg7[%sub3A_19, %dma_wait3A_48] : memref<10112x128xf32, #tpu.memory_space<vmem_shared>> -> memref<120x128xf32, #tpu.memory_space<vmem_shared>>
      %dma_wait3A_50 = arith.constant 0 : i32
      %dma_wait3A_51 = tpu.memref_slice %arg7[%sub3A_19, %dma_wait3A_50] : memref<10112x128xf32, #tpu.memory_space<vmem_shared>> -> memref<120x128xf32, #tpu.memory_space<vmem_shared>>
      %dma_wait3A_52 = arith.constant 0 : i32
      %dma_wait3A_53 = arith.constant 0 : i32
      %dma_wait3A_54 = tpu.memref_slice %arg4[%dma_wait3A_52, %dma_wait3A_53] : memref<128x128xf32, #tpu.memory_space<vmem>> -> memref<120x128xf32, #tpu.memory_space<vmem>>
      tpu.wait_dma2 semaphore(%run_scoped3A : memref<!tpu.dma_semaphore, #tpu.memory_space<semaphore_mem>>) src(%dma_wait3A_54 : memref<120x128xf32, #tpu.memory_space<vmem>>) dst(%dma_wait3A_51 : memref<120x128xf32, #tpu.memory_space<vmem_shared>>)
      tpu.yield
    }) : () -> ()
    %mul3A_20 = arith.constant 80 : i32
    %mul3A_21 = arith.muli %add3A, %mul3A_20 : i32
    %dma_wait3A = arith.constant 0 : i32
    %dma_wait3A_22 = tpu.memref_slice %arg2[%mul3A_21, %dma_wait3A] : memref<2688x128xi32, #tpu.memory_space<hbm>> -> memref<80x128xi32, #tpu.memory_space<hbm>>
    %dma_wait3A_23 = arith.constant 0 : i32
    %dma_wait3A_24 = tpu.memref_slice %arg2[%mul3A_21, %dma_wait3A_23] : memref<2688x128xi32, #tpu.memory_space<hbm>> -> memref<80x128xi32, #tpu.memory_space<hbm>>
    tpu.wait_dma2 semaphore(%arg8 : memref<!tpu.dma_semaphore, #tpu.memory_space<semaphore_mem>>) src(%dma_wait3A_24 : memref<80x128xi32, #tpu.memory_space<hbm>>) dst(%arg6 : memref<80x128xi32, #tpu.memory_space<vmem>>)
    %barrier3A = arith.constant 0 : index
    tpu.barrier barrier_id(%barrier3A)
    %scan3A_25 = arith.constant 0 : i32
    %scan3A_26 = arith.constant 80 : i32
    %scan3A_27 = arith.addi %scan3A_25, %scan3A_26 : i32
    %scan3A_28 = arith.constant 1 : i32
    scf.for %scan3A_35 = %scan3A_25 to %scan3A_27 step %scan3A_28  : i32 {
      "tpu.region"() ({
        %run_scoped3A = tpu.sem_alloc : memref<!tpu.dma_semaphore, #tpu.memory_space<semaphore_mem>>
        %dma_start3A_36 = arith.constant 0 : i32
        %dma_start3A_37 = tpu.memref_slice %arg6[%scan3A_35, %dma_start3A_36] : memref<80x128xi32, #tpu.memory_space<vmem>> -> memref<1x128xi32, #tpu.memory_space<vmem>>
        %dma_start3A_38 = tpu.memref_squeeze %dma_start3A_37 : memref<1x128xi32, #tpu.memory_space<vmem>> -> memref<128xi32, #tpu.memory_space<vmem>>
        %dma_start3A_39 = arith.constant 0 : i32
        %dma_start3A_40 = arith.constant 0 : i32
        %dma_start3A_41 = tpu.memref_slice %arg7[%dma_start3A_39, %dma_start3A_40] : memref<10112x128xf32, #tpu.memory_space<vmem_shared>> -> memref<10112x128xf32, #tpu.memory_space<vmem_shared>>
        tpu.enqueue_indirect_dma source(%arg5 : memref<128x128xf32, #tpu.memory_space<vmem>>) target(%dma_start3A_41 : memref<10112x128xf32, #tpu.memory_space<vmem_shared>>) offsets(%dma_start3A_38 : memref<128xi32, #tpu.memory_space<vmem>>) semaphore(%run_scoped3A : memref<!tpu.dma_semaphore, #tpu.memory_space<semaphore_mem>>) {add = true}
        %dma_wait3A_42 = arith.constant 0 : i32
        %dma_wait3A_43 = tpu.memref_slice %arg6[%scan3A_35, %dma_wait3A_42] : memref<80x128xi32, #tpu.memory_space<vmem>> -> memref<1x128xi32, #tpu.memory_space<vmem>>
        %dma_wait3A_44 = tpu.memref_squeeze %dma_wait3A_43 : memref<1x128xi32, #tpu.memory_space<vmem>> -> memref<128xi32, #tpu.memory_space<vmem>>
        %dma_wait3A_45 = arith.constant 0 : i32
        %dma_wait3A_46 = arith.constant 0 : i32
        %dma_wait3A_47 = tpu.memref_slice %arg7[%dma_wait3A_45, %dma_wait3A_46] : memref<10112x128xf32, #tpu.memory_space<vmem_shared>> -> memref<10112x128xf32, #tpu.memory_space<vmem_shared>>
        tpu.wait_indirect_dma semaphore(%run_scoped3A : memref<!tpu.dma_semaphore, #tpu.memory_space<semaphore_mem>>) src(%arg5 : memref<128x128xf32, #tpu.memory_space<vmem>>) dst(%dma_wait3A_47 : memref<10112x128xf32, #tpu.memory_space<vmem_shared>>)
        tpu.yield
      }) : () -> ()
    }
    %scan3A_29 = arith.constant 80 : i32
    %barrier3A_30 = arith.constant 0 : index
    tpu.barrier barrier_id(%barrier3A_30)
    %mul3A_31 = arith.constant 632 : i32
    %mul3A_32 = arith.muli %arg1, %mul3A_31 : i32
    %mul3A_33 = arith.constant 632 : i32
    %mul3A_34 = arith.muli %arg1, %mul3A_33 : i32
    "tpu.region"() ({
      %run_scoped3A = tpu.sem_alloc : memref<!tpu.dma_semaphore, #tpu.memory_space<semaphore_mem>>
      %dma_start3A_35 = arith.constant 0 : i32
      %dma_start3A_36 = tpu.memref_slice %arg3[%arg0, %mul3A_34, %dma_start3A_35] : memref<2x10112x128xf32, #tpu.memory_space<hbm>> -> memref<1x632x128xf32, #tpu.memory_space<hbm>>
      %dma_start3A_37 = tpu.memref_squeeze %dma_start3A_36 : memref<1x632x128xf32, #tpu.memory_space<hbm>> -> memref<632x128xf32, #tpu.memory_space<hbm>>
      %dma_start3A_38 = arith.constant 0 : i32
      %dma_start3A_39 = tpu.memref_slice %arg7[%mul3A_32, %dma_start3A_38] : memref<10112x128xf32, #tpu.memory_space<vmem_shared>> -> memref<632x128xf32, #tpu.memory_space<vmem_shared>>
      tpu.enqueue_dma source(%dma_start3A_39 : memref<632x128xf32, #tpu.memory_space<vmem_shared>>) target(%dma_start3A_37 : memref<632x128xf32, #tpu.memory_space<hbm>>) target_semaphore(%run_scoped3A : memref<!tpu.dma_semaphore, #tpu.memory_space<semaphore_mem>>)
      %dma_wait3A_40 = arith.constant 0 : i32
      %dma_wait3A_41 = tpu.memref_slice %arg3[%arg0, %mul3A_34, %dma_wait3A_40] : memref<2x10112x128xf32, #tpu.memory_space<hbm>> -> memref<1x632x128xf32, #tpu.memory_space<hbm>>
      %dma_wait3A_42 = tpu.memref_squeeze %dma_wait3A_41 : memref<1x632x128xf32, #tpu.memory_space<hbm>> -> memref<632x128xf32, #tpu.memory_space<hbm>>
      %dma_wait3A_43 = arith.constant 0 : i32
      %dma_wait3A_44 = tpu.memref_slice %arg7[%mul3A_32, %dma_wait3A_43] : memref<10112x128xf32, #tpu.memory_space<vmem_shared>> -> memref<632x128xf32, #tpu.memory_space<vmem_shared>>
      tpu.wait_dma2 semaphore(%run_scoped3A : memref<!tpu.dma_semaphore, #tpu.memory_space<semaphore_mem>>) src(%dma_wait3A_44 : memref<632x128xf32, #tpu.memory_space<vmem_shared>>) dst(%dma_wait3A_42 : memref<632x128xf32, #tpu.memory_space<hbm>>)
      tpu.yield
    }) : () -> ()
    return
  }
}

#map = affine_map<(d0, d1) -> (0, 0)>
#map1 = affine_map<(d0, d1) -> (0, 0, 0)>
module attributes {stable_mosaic.version = 14 : i64} {
  func.func @_scatter_kernel(%arg0: i32, %arg1: i32, %arg2: memref<10000x128xf32, #tpu.memory_space<hbm>>, %arg3: memref<2688x128xi32, #tpu.memory_space<hbm>>, %arg4: memref<2688x128xi32, #tpu.memory_space<hbm>>, %arg5: memref<2x10112x128xf32, #tpu.memory_space<hbm>>, %arg6: memref<128x128xf32, #tpu.memory_space<vmem>>, %arg7: memref<128x128xf32, #tpu.memory_space<vmem>>, %arg8: memref<128x128xi32, #tpu.memory_space<vmem>>, %arg9: memref<128xi32, #tpu.memory_space<vmem>>, %arg10: memref<128xi32, #tpu.memory_space<vmem>>, %arg11: memref<10112x128xf32, #tpu.memory_space<vmem_shared>>, %arg12: memref<!tpu.dma_semaphore, #tpu.memory_space<semaphore_mem>>, %arg13: memref<!tpu.dma_semaphore, #tpu.memory_space<semaphore_mem>>, %arg14: memref<!tpu.dma_semaphore, #tpu.memory_space<semaphore_mem>>, %arg15: memref<!tpu.dma_semaphore, #tpu.memory_space<semaphore_mem>>) attributes {dimension_semantics = [#tpu.dimension_semantics<core_parallel>, #tpu.dimension_semantics<subcore_parallel>], iteration_bounds = array<i64: 2, 16>, scalar_prefetch = 0 : i64, scratch_operands = 10 : i64, tpu.core_type = #tpu.core_type<sc_vector_subcore>, window_params = [{transform_indices = #map}, {transform_indices = #map}, {transform_indices = #map}, {transform_indices = #map1}]} {
    %eq3A = arith.constant 0 : i32
    %eq3A_0 = arith.cmpi eq, %arg0, %eq3A : i32
    %jit3A = arith.constant 128 : i32
    %jit3A_1 = arith.constant 32 : i32
    %select_n3A = arith.select %eq3A_0, %jit3A, %jit3A_1 : i32
    %eq3A_2 = arith.constant 0 : i32
    %eq3A_3 = arith.cmpi eq, %arg0, %eq3A_2 : i32
    %mul3A = arith.constant 128 : i32
    %mul3A_4 = arith.muli %arg1, %mul3A : i32
    %mul3A_5 = arith.constant 32 : i32
    %mul3A_6 = arith.muli %arg1, %mul3A_5 : i32
    %add3A = arith.constant 2048 : i32
    %add3A_7 = arith.addi %add3A, %mul3A_6 : i32
    %select_n3A_8 = arith.select %eq3A_3, %mul3A_4, %add3A_7 : i32
    %jit3A_9 = arith.constant 2 : i32
    %div3A = arith.divsi %select_n3A, %jit3A_9 : i32
    %sign3A = arith.constant 0 : i32
    %sign3A_10 = arith.cmpi sgt, %select_n3A, %sign3A : i32
    %sign3A_11 = arith.extui %sign3A_10 : i1 to i32
    %sign3A_12 = arith.constant 0 : i32
    %sign3A_13 = arith.cmpi slt, %select_n3A, %sign3A_12 : i32
    %sign3A_14 = arith.extui %sign3A_13 : i1 to i32
    %sign3A_15 = arith.subi %sign3A_11, %sign3A_14 : i32
    %sign3A_16 = arith.constant 0 : i32
    %sign3A_17 = arith.cmpi sgt, %jit3A_9, %sign3A_16 : i32
    %sign3A_18 = arith.extui %sign3A_17 : i1 to i32
    %sign3A_19 = arith.constant 0 : i32
    %sign3A_20 = arith.cmpi slt, %jit3A_9, %sign3A_19 : i32
    %sign3A_21 = arith.extui %sign3A_20 : i1 to i32
    %sign3A_22 = arith.subi %sign3A_18, %sign3A_21 : i32
    %ne3A = arith.cmpi ne, %sign3A_15, %sign3A_22 : i32
    %rem3A = arith.remsi %select_n3A, %jit3A_9 : i32
    %ne3A_23 = arith.constant 0 : i32
    %ne3A_24 = arith.cmpi ne, %rem3A, %ne3A_23 : i32
    %and3A = arith.andi %ne3A, %ne3A_24 : i1
    %sub3A = arith.constant 1 : i32
    %sub3A_25 = arith.subi %div3A, %sub3A : i32
    %select_n3A_26 = arith.select %and3A, %sub3A_25, %div3A : i32
    %dma_start3A = arith.constant 0 : i32
    %dma_start3A_27 = tpu.memref_slice %arg3[%select_n3A_8, %dma_start3A] : memref<2688x128xi32, #tpu.memory_space<hbm>> -> memref<128x128xi32, #tpu.memory_space<hbm>>
    %dma_start3A_28 = arith.constant 0 : i32
    %dma_start3A_29 = tpu.memref_slice %arg3[%select_n3A_8, %dma_start3A_28] : memref<2688x128xi32, #tpu.memory_space<hbm>> -> memref<128x128xi32, #tpu.memory_space<hbm>>
    tpu.enqueue_dma source(%dma_start3A_29 : memref<128x128xi32, #tpu.memory_space<hbm>>) target(%arg8 : memref<128x128xi32, #tpu.memory_space<vmem>>) target_semaphore(%arg12 : memref<!tpu.dma_semaphore, #tpu.memory_space<semaphore_mem>>)
    %scan3A = arith.constant 0 : i32
    %scan3A_30 = arith.constant 128 : i32
    %scan3A_31 = arith.addi %scan3A, %scan3A_30 : i32
    %scan3A_32 = arith.constant 1 : i32
    scf.for %scan3A_63 = %scan3A to %scan3A_31 step %scan3A_32  : i32 {
      %broadcast_in_dim3A = arith.constant 0.000000e+00 : f32
      %broadcast_in_dim3A_64 = vector.broadcast %broadcast_in_dim3A : f32 to vector<16xf32>
      %swap3A = arith.index_cast %scan3A_63 : i32 to index
      %swap3A_65 = arith.constant 0 : index
      %swap3A_66 = tpu.vector_load %arg6[%swap3A, %swap3A_65] {strides = array<i32>} : memref<128x128xf32, #tpu.memory_space<vmem>>, vector<1x16xf32>,
      %swap3A_67 = vector.shape_cast %swap3A_66 : vector<1x16xf32> to vector<16xf32>
      %swap3A_68 = vector.shape_cast %broadcast_in_dim3A_64 : vector<16xf32> to vector<1x16xf32>
      tpu.vector_store %arg6[%swap3A, %swap3A_65], %swap3A_68 {strides = array<i32>} : memref<128x128xf32, #tpu.memory_space<vmem>>, vector<1x16xf32>,
      %broadcast_in_dim3A_69 = arith.constant 0.000000e+00 : f32
      %broadcast_in_dim3A_70 = vector.broadcast %broadcast_in_dim3A_69 : f32 to vector<16xf32>
      %swap3A_71 = arith.index_cast %scan3A_63 : i32 to index
      %swap3A_72 = arith.constant 16 : index
      %swap3A_73 = tpu.vector_load %arg6[%swap3A_71, %swap3A_72] {strides = array<i32>} : memref<128x128xf32, #tpu.memory_space<vmem>>, vector<1x16xf32>,
      %swap3A_74 = vector.shape_cast %swap3A_73 : vector<1x16xf32> to vector<16xf32>
      %swap3A_75 = vector.shape_cast %broadcast_in_dim3A_70 : vector<16xf32> to vector<1x16xf32>
      tpu.vector_store %arg6[%swap3A_71, %swap3A_72], %swap3A_75 {strides = array<i32>} : memref<128x128xf32, #tpu.memory_space<vmem>>, vector<1x16xf32>,
      %broadcast_in_dim3A_76 = arith.constant 0.000000e+00 : f32
      %broadcast_in_dim3A_77 = vector.broadcast %broadcast_in_dim3A_76 : f32 to vector<16xf32>
      %swap3A_78 = arith.index_cast %scan3A_63 : i32 to index
      %swap3A_79 = arith.constant 32 : index
      %swap3A_80 = tpu.vector_load %arg6[%swap3A_78, %swap3A_79] {strides = array<i32>} : memref<128x128xf32, #tpu.memory_space<vmem>>, vector<1x16xf32>,
      %swap3A_81 = vector.shape_cast %swap3A_80 : vector<1x16xf32> to vector<16xf32>
      %swap3A_82 = vector.shape_cast %broadcast_in_dim3A_77 : vector<16xf32> to vector<1x16xf32>
      tpu.vector_store %arg6[%swap3A_78, %swap3A_79], %swap3A_82 {strides = array<i32>} : memref<128x128xf32, #tpu.memory_space<vmem>>, vector<1x16xf32>,
      %broadcast_in_dim3A_83 = arith.constant 0.000000e+00 : f32
      %broadcast_in_dim3A_84 = vector.broadcast %broadcast_in_dim3A_83 : f32 to vector<16xf32>
      %swap3A_85 = arith.index_cast %scan3A_63 : i32 to index
      %swap3A_86 = arith.constant 48 : index
      %swap3A_87 = tpu.vector_load %arg6[%swap3A_85, %swap3A_86] {strides = array<i32>} : memref<128x128xf32, #tpu.memory_space<vmem>>, vector<1x16xf32>,
      %swap3A_88 = vector.shape_cast %swap3A_87 : vector<1x16xf32> to vector<16xf32>
      %swap3A_89 = vector.shape_cast %broadcast_in_dim3A_84 : vector<16xf32> to vector<1x16xf32>
      tpu.vector_store %arg6[%swap3A_85, %swap3A_86], %swap3A_89 {strides = array<i32>} : memref<128x128xf32, #tpu.memory_space<vmem>>, vector<1x16xf32>,
      %broadcast_in_dim3A_90 = arith.constant 0.000000e+00 : f32
      %broadcast_in_dim3A_91 = vector.broadcast %broadcast_in_dim3A_90 : f32 to vector<16xf32>
      %swap3A_92 = arith.index_cast %scan3A_63 : i32 to index
      %swap3A_93 = arith.constant 64 : index
      %swap3A_94 = tpu.vector_load %arg6[%swap3A_92, %swap3A_93] {strides = array<i32>} : memref<128x128xf32, #tpu.memory_space<vmem>>, vector<1x16xf32>,
      %swap3A_95 = vector.shape_cast %swap3A_94 : vector<1x16xf32> to vector<16xf32>
      %swap3A_96 = vector.shape_cast %broadcast_in_dim3A_91 : vector<16xf32> to vector<1x16xf32>
      tpu.vector_store %arg6[%swap3A_92, %swap3A_93], %swap3A_96 {strides = array<i32>} : memref<128x128xf32, #tpu.memory_space<vmem>>, vector<1x16xf32>,
      %broadcast_in_dim3A_97 = arith.constant 0.000000e+00 : f32
      %broadcast_in_dim3A_98 = vector.broadcast %broadcast_in_dim3A_97 : f32 to vector<16xf32>
      %swap3A_99 = arith.index_cast %scan3A_63 : i32 to index
      %swap3A_100 = arith.constant 80 : index
      %swap3A_101 = tpu.vector_load %arg6[%swap3A_99, %swap3A_100] {strides = array<i32>} : memref<128x128xf32, #tpu.memory_space<vmem>>, vector<1x16xf32>,
      %swap3A_102 = vector.shape_cast %swap3A_101 : vector<1x16xf32> to vector<16xf32>
      %swap3A_103 = vector.shape_cast %broadcast_in_dim3A_98 : vector<16xf32> to vector<1x16xf32>
      tpu.vector_store %arg6[%swap3A_99, %swap3A_100], %swap3A_103 {strides = array<i32>} : memref<128x128xf32, #tpu.memory_space<vmem>>, vector<1x16xf32>,
      %broadcast_in_dim3A_104 = arith.constant 0.000000e+00 : f32
      %broadcast_in_dim3A_105 = vector.broadcast %broadcast_in_dim3A_104 : f32 to vector<16xf32>
      %swap3A_106 = arith.index_cast %scan3A_63 : i32 to index
      %swap3A_107 = arith.constant 96 : index
      %swap3A_108 = tpu.vector_load %arg6[%swap3A_106, %swap3A_107] {strides = array<i32>} : memref<128x128xf32, #tpu.memory_space<vmem>>, vector<1x16xf32>,
      %swap3A_109 = vector.shape_cast %swap3A_108 : vector<1x16xf32> to vector<16xf32>
      %swap3A_110 = vector.shape_cast %broadcast_in_dim3A_105 : vector<16xf32> to vector<1x16xf32>
      tpu.vector_store %arg6[%swap3A_106, %swap3A_107], %swap3A_110 {strides = array<i32>} : memref<128x128xf32, #tpu.memory_space<vmem>>, vector<1x16xf32>,
      %broadcast_in_dim3A_111 = arith.constant 0.000000e+00 : f32
      %broadcast_in_dim3A_112 = vector.broadcast %broadcast_in_dim3A_111 : f32 to vector<16xf32>
      %swap3A_113 = arith.index_cast %scan3A_63 : i32 to index
      %swap3A_114 = arith.constant 112 : index
      %swap3A_115 = tpu.vector_load %arg6[%swap3A_113, %swap3A_114] {strides = array<i32>} : memref<128x128xf32, #tpu.memory_space<vmem>>, vector<1x16xf32>,
      %swap3A_116 = vector.shape_cast %swap3A_115 : vector<1x16xf32> to vector<16xf32>
      %swap3A_117 = vector.shape_cast %broadcast_in_dim3A_112 : vector<16xf32> to vector<1x16xf32>
      tpu.vector_store %arg6[%swap3A_113, %swap3A_114], %swap3A_117 {strides = array<i32>} : memref<128x128xf32, #tpu.memory_space<vmem>>, vector<1x16xf32>,
    }
    %scan3A_33 = arith.constant 128 : i32
    %scan3A_34 = arith.constant 0 : i32
    %scan3A_35 = arith.constant 4 : i32
    %scan3A_36 = arith.addi %scan3A_34, %scan3A_35 : i32
    %scan3A_37 = arith.constant 1 : i32
    scf.for %scan3A_63 = %scan3A_34 to %scan3A_36 step %scan3A_37  : i32 {
      %mul3A_64 = arith.constant 632 : i32
      %mul3A_65 = arith.muli %arg1, %mul3A_64 : i32
      %mul3A_66 = arith.constant 128 : i32
      %mul3A_67 = arith.muli %scan3A_63, %mul3A_66 : i32
      %add3A_68 = arith.addi %mul3A_65, %mul3A_67 : i32
      "tpu.region"() ({
        %run_scoped3A = tpu.sem_alloc : memref<!tpu.dma_semaphore, #tpu.memory_space<semaphore_mem>>
        %dma_start3A_69 = arith.constant 0 : i32
        %dma_start3A_70 = tpu.memref_slice %arg11[%add3A_68, %dma_start3A_69] : memref<10112x128xf32, #tpu.memory_space<vmem_shared>> -> memref<128x128xf32, #tpu.memory_space<vmem_shared>>
        %dma_start3A_71 = arith.constant 0 : i32
        %dma_start3A_72 = tpu.memref_slice %arg11[%add3A_68, %dma_start3A_71] : memref<10112x128xf32, #tpu.memory_space<vmem_shared>> -> memref<128x128xf32, #tpu.memory_space<vmem_shared>>
        tpu.enqueue_dma source(%arg6 : memref<128x128xf32, #tpu.memory_space<vmem>>) target(%dma_start3A_72 : memref<128x128xf32, #tpu.memory_space<vmem_shared>>) target_semaphore(%run_scoped3A : memref<!tpu.dma_semaphore, #tpu.memory_space<semaphore_mem>>)
        %dma_wait3A_73 = arith.constant 0 : i32
        %dma_wait3A_74 = tpu.memref_slice %arg11[%add3A_68, %dma_wait3A_73] : memref<10112x128xf32, #tpu.memory_space<vmem_shared>> -> memref<128x128xf32, #tpu.memory_space<vmem_shared>>
        %dma_wait3A_75 = arith.constant 0 : i32
        %dma_wait3A_76 = tpu.memref_slice %arg11[%add3A_68, %dma_wait3A_75] : memref<10112x128xf32, #tpu.memory_space<vmem_shared>> -> memref<128x128xf32, #tpu.memory_space<vmem_shared>>
        tpu.wait_dma2 semaphore(%run_scoped3A : memref<!tpu.dma_semaphore, #tpu.memory_space<semaphore_mem>>) src(%arg6 : memref<128x128xf32, #tpu.memory_space<vmem>>) dst(%dma_wait3A_76 : memref<128x128xf32, #tpu.memory_space<vmem_shared>>)
        tpu.yield
      }) : () -> ()
    }
    %scan3A_38 = arith.constant 4 : i32
    %mul3A_39 = arith.constant 632 : i32
    %mul3A_40 = arith.muli %arg1, %mul3A_39 : i32
    %add3A_41 = arith.constant 632 : i32
    %add3A_42 = arith.addi %mul3A_40, %add3A_41 : i32
    %sub3A_43 = arith.constant 120 : i32
    %sub3A_44 = arith.subi %add3A_42, %sub3A_43 : i32
    "tpu.region"() ({
      %run_scoped3A = tpu.sem_alloc : memref<!tpu.dma_semaphore, #tpu.memory_space<semaphore_mem>>
      %dma_start3A_63 = arith.constant 0 : i32
      %dma_start3A_64 = arith.constant 0 : i32
      %dma_start3A_65 = tpu.memref_slice %arg6[%dma_start3A_63, %dma_start3A_64] : memref<128x128xf32, #tpu.memory_space<vmem>> -> memref<120x128xf32, #tpu.memory_space<vmem>>
      %dma_start3A_66 = arith.constant 0 : i32
      %dma_start3A_67 = tpu.memref_slice %arg11[%sub3A_44, %dma_start3A_66] : memref<10112x128xf32, #tpu.memory_space<vmem_shared>> -> memref<120x128xf32, #tpu.memory_space<vmem_shared>>
      %dma_start3A_68 = arith.constant 0 : i32
      %dma_start3A_69 = tpu.memref_slice %arg11[%sub3A_44, %dma_start3A_68] : memref<10112x128xf32, #tpu.memory_space<vmem_shared>> -> memref<120x128xf32, #tpu.memory_space<vmem_shared>>
      %dma_start3A_70 = arith.constant 0 : i32
      %dma_start3A_71 = arith.constant 0 : i32
      %dma_start3A_72 = tpu.memref_slice %arg6[%dma_start3A_70, %dma_start3A_71] : memref<128x128xf32, #tpu.memory_space<vmem>> -> memref<120x128xf32, #tpu.memory_space<vmem>>
      tpu.enqueue_dma source(%dma_start3A_72 : memref<120x128xf32, #tpu.memory_space<vmem>>) target(%dma_start3A_69 : memref<120x128xf32, #tpu.memory_space<vmem_shared>>) target_semaphore(%run_scoped3A : memref<!tpu.dma_semaphore, #tpu.memory_space<semaphore_mem>>)
      %dma_wait3A_73 = arith.constant 0 : i32
      %dma_wait3A_74 = arith.constant 0 : i32
      %dma_wait3A_75 = tpu.memref_slice %arg6[%dma_wait3A_73, %dma_wait3A_74] : memref<128x128xf32, #tpu.memory_space<vmem>> -> memref<120x128xf32, #tpu.memory_space<vmem>>
      %dma_wait3A_76 = arith.constant 0 : i32
      %dma_wait3A_77 = tpu.memref_slice %arg11[%sub3A_44, %dma_wait3A_76] : memref<10112x128xf32, #tpu.memory_space<vmem_shared>> -> memref<120x128xf32, #tpu.memory_space<vmem_shared>>
      %dma_wait3A_78 = arith.constant 0 : i32
      %dma_wait3A_79 = tpu.memref_slice %arg11[%sub3A_44, %dma_wait3A_78] : memref<10112x128xf32, #tpu.memory_space<vmem_shared>> -> memref<120x128xf32, #tpu.memory_space<vmem_shared>>
      %dma_wait3A_80 = arith.constant 0 : i32
      %dma_wait3A_81 = arith.constant 0 : i32
      %dma_wait3A_82 = tpu.memref_slice %arg6[%dma_wait3A_80, %dma_wait3A_81] : memref<128x128xf32, #tpu.memory_space<vmem>> -> memref<120x128xf32, #tpu.memory_space<vmem>>
      tpu.wait_dma2 semaphore(%run_scoped3A : memref<!tpu.dma_semaphore, #tpu.memory_space<semaphore_mem>>) src(%dma_wait3A_82 : memref<120x128xf32, #tpu.memory_space<vmem>>) dst(%dma_wait3A_79 : memref<120x128xf32, #tpu.memory_space<vmem_shared>>)
      tpu.yield
    }) : () -> ()
    %dma_wait3A = arith.constant 0 : i32
    %dma_wait3A_45 = tpu.memref_slice %arg3[%select_n3A_8, %dma_wait3A] : memref<2688x128xi32, #tpu.memory_space<hbm>> -> memref<128x128xi32, #tpu.memory_space<hbm>>
    %dma_wait3A_46 = arith.constant 0 : i32
    %dma_wait3A_47 = tpu.memref_slice %arg3[%select_n3A_8, %dma_wait3A_46] : memref<2688x128xi32, #tpu.memory_space<hbm>> -> memref<128x128xi32, #tpu.memory_space<hbm>>
    tpu.wait_dma2 semaphore(%arg12 : memref<!tpu.dma_semaphore, #tpu.memory_space<semaphore_mem>>) src(%dma_wait3A_47 : memref<128x128xi32, #tpu.memory_space<hbm>>) dst(%arg8 : memref<128x128xi32, #tpu.memory_space<vmem>>)
    %barrier3A = arith.constant 0 : index
    tpu.barrier barrier_id(%barrier3A)
    %gt3A = arith.constant 0 : i32
    %gt3A_48 = arith.cmpi sgt, %select_n3A_26, %gt3A : i32
    %convert_element_type3A = arith.extui %gt3A_48 : i1 to i32
    %cond3A = arith.constant 0 : i32
    %cond3A_49 = arith.cmpi ne, %convert_element_type3A, %cond3A : i32
    scf.if %cond3A_49 {
      %dma_start3A_63 = arith.constant 0 : i32
      %dma_start3A_64 = arith.constant 0 : i32
      %dma_start3A_65 = tpu.memref_slice %arg8[%dma_start3A_63, %dma_start3A_64] : memref<128x128xi32, #tpu.memory_space<vmem>> -> memref<1x128xi32, #tpu.memory_space<vmem>>
      %dma_start3A_66 = tpu.memref_squeeze %dma_start3A_65 : memref<1x128xi32, #tpu.memory_space<vmem>> -> memref<128xi32, #tpu.memory_space<vmem>>
      %dma_start3A_67 = arith.constant 0 : i32
      %dma_start3A_68 = arith.constant 0 : i32
      %dma_start3A_69 = tpu.memref_slice %arg2[%dma_start3A_67, %dma_start3A_68] : memref<10000x128xf32, #tpu.memory_space<hbm>> -> memref<10000x128xf32, #tpu.memory_space<hbm>>
      tpu.enqueue_indirect_dma source(%dma_start3A_69 : memref<10000x128xf32, #tpu.memory_space<hbm>>) target(%arg6 : memref<128x128xf32, #tpu.memory_space<vmem>>) offsets(%dma_start3A_66 : memref<128xi32, #tpu.memory_space<vmem>>) semaphore(%arg12 : memref<!tpu.dma_semaphore, #tpu.memory_space<semaphore_mem>>)
      %dma_start3A_70 = arith.constant 0 : i32
      %dma_start3A_71 = tpu.memref_slice %arg4[%select_n3A_8, %dma_start3A_70] : memref<2688x128xi32, #tpu.memory_space<hbm>> -> memref<1x128xi32, #tpu.memory_space<hbm>>
      %dma_start3A_72 = tpu.memref_squeeze %dma_start3A_71 : memref<1x128xi32, #tpu.memory_space<hbm>> -> memref<128xi32, #tpu.memory_space<hbm>>
      %dma_start3A_73 = arith.constant 0 : i32
      %dma_start3A_74 = tpu.memref_slice %arg4[%select_n3A_8, %dma_start3A_73] : memref<2688x128xi32, #tpu.memory_space<hbm>> -> memref<1x128xi32, #tpu.memory_space<hbm>>
      %dma_start3A_75 = tpu.memref_squeeze %dma_start3A_74 : memref<1x128xi32, #tpu.memory_space<hbm>> -> memref<128xi32, #tpu.memory_space<hbm>>
      tpu.enqueue_dma source(%dma_start3A_75 : memref<128xi32, #tpu.memory_space<hbm>>) target(%arg9 : memref<128xi32, #tpu.memory_space<vmem>>) target_semaphore(%arg14 : memref<!tpu.dma_semaphore, #tpu.memory_space<semaphore_mem>>)
      %add3A_76 = arith.constant 1 : i32
      %add3A_77 = arith.addi %select_n3A_8, %add3A_76 : i32
      %dma_start3A_78 = arith.constant 0 : i32
      %dma_start3A_79 = tpu.memref_slice %arg4[%add3A_77, %dma_start3A_78] : memref<2688x128xi32, #tpu.memory_space<hbm>> -> memref<1x128xi32, #tpu.memory_space<hbm>>
      %dma_start3A_80 = tpu.memref_squeeze %dma_start3A_79 : memref<1x128xi32, #tpu.memory_space<hbm>> -> memref<128xi32, #tpu.memory_space<hbm>>
      %dma_start3A_81 = arith.constant 0 : i32
      %dma_start3A_82 = tpu.memref_slice %arg4[%add3A_77, %dma_start3A_81] : memref<2688x128xi32, #tpu.memory_space<hbm>> -> memref<1x128xi32, #tpu.memory_space<hbm>>
      %dma_start3A_83 = tpu.memref_squeeze %dma_start3A_82 : memref<1x128xi32, #tpu.memory_space<hbm>> -> memref<128xi32, #tpu.memory_space<hbm>>
      tpu.enqueue_dma source(%dma_start3A_83 : memref<128xi32, #tpu.memory_space<hbm>>) target(%arg10 : memref<128xi32, #tpu.memory_space<vmem>>) target_semaphore(%arg15 : memref<!tpu.dma_semaphore, #tpu.memory_space<semaphore_mem>>)
    } else {
    }
    %while3A = arith.constant 0 : i32
    %while3A_50 = arith.subi %select_n3A_26, %while3A : i32
    %while3A_51 = arith.addi %while3A, %while3A_50 : i32
    %while3A_52 = arith.constant 1 : i32
    %while3A_53 = arith.divsi %while3A_50, %while3A_52 : i32
    %while3A_54 = arith.muli %while3A_53, %while3A_52 : i32
    %while3A_55 = arith.addi %while3A, %while3A_54 : i32
    %while3A_56 = arith.constant 1 : i32
    scf.for %while3A_63 = %while3A to %while3A_55 step %while3A_56  : i32 {
      %sub3A_64 = arith.constant 1 : i32
      %sub3A_65 = arith.subi %select_n3A_26, %sub3A_64 : i32
      %ge3A = arith.cmpi sge, %while3A_63, %sub3A_65 : i32
      %dma_wait3A_66 = arith.constant 0 : i32
      %dma_wait3A_67 = arith.constant 0 : i32
      %dma_wait3A_68 = tpu.memref_slice %arg2[%dma_wait3A_66, %dma_wait3A_67] : memref<10000x128xf32, #tpu.memory_space<hbm>> -> memref<128x128xf32, #tpu.memory_space<hbm>>
      %dma_wait3A_69 = arith.constant 0 : i32
      %dma_wait3A_70 = arith.constant 0 : i32
      %dma_wait3A_71 = tpu.memref_slice %arg2[%dma_wait3A_69, %dma_wait3A_70] : memref<10000x128xf32, #tpu.memory_space<hbm>> -> memref<128x128xf32, #tpu.memory_space<hbm>>
      tpu.wait_dma2 semaphore(%arg12 : memref<!tpu.dma_semaphore, #tpu.memory_space<semaphore_mem>>) src(%dma_wait3A_71 : memref<128x128xf32, #tpu.memory_space<hbm>>) dst(%arg6 : memref<128x128xf32, #tpu.memory_space<vmem>>)
      %mul3A_72 = arith.constant 2 : i32
      %mul3A_73 = arith.muli %mul3A_72, %while3A_63 : i32
      %add3A_74 = arith.constant 1 : i32
      %add3A_75 = arith.addi %mul3A_73, %add3A_74 : i32
      %dma_start3A_76 = arith.constant 0 : i32
      %dma_start3A_77 = tpu.memref_slice %arg8[%add3A_75, %dma_start3A_76] : memref<128x128xi32, #tpu.memory_space<vmem>> -> memref<1x128xi32, #tpu.memory_space<vmem>>
      %dma_start3A_78 = tpu.memref_squeeze %dma_start3A_77 : memref<1x128xi32, #tpu.memory_space<vmem>> -> memref<128xi32, #tpu.memory_space<vmem>>
      %dma_start3A_79 = arith.constant 0 : i32
      %dma_start3A_80 = arith.constant 0 : i32
      %dma_start3A_81 = tpu.memref_slice %arg2[%dma_start3A_79, %dma_start3A_80] : memref<10000x128xf32, #tpu.memory_space<hbm>> -> memref<10000x128xf32, #tpu.memory_space<hbm>>
      tpu.enqueue_indirect_dma source(%dma_start3A_81 : memref<10000x128xf32, #tpu.memory_space<hbm>>) target(%arg7 : memref<128x128xf32, #tpu.memory_space<vmem>>) offsets(%dma_start3A_78 : memref<128xi32, #tpu.memory_space<vmem>>) semaphore(%arg13 : memref<!tpu.dma_semaphore, #tpu.memory_space<semaphore_mem>>)
      %dma_wait3A_82 = arith.constant 0 : i32
      %dma_wait3A_83 = tpu.memref_slice %arg4[%select_n3A_8, %dma_wait3A_82] : memref<2688x128xi32, #tpu.memory_space<hbm>> -> memref<1x128xi32, #tpu.memory_space<hbm>>
      %dma_wait3A_84 = tpu.memref_squeeze %dma_wait3A_83 : memref<1x128xi32, #tpu.memory_space<hbm>> -> memref<128xi32, #tpu.memory_space<hbm>>
      %dma_wait3A_85 = arith.constant 0 : i32
      %dma_wait3A_86 = tpu.memref_slice %arg4[%select_n3A_8, %dma_wait3A_85] : memref<2688x128xi32, #tpu.memory_space<hbm>> -> memref<1x128xi32, #tpu.memory_space<hbm>>
      %dma_wait3A_87 = tpu.memref_squeeze %dma_wait3A_86 : memref<1x128xi32, #tpu.memory_space<hbm>> -> memref<128xi32, #tpu.memory_space<hbm>>
      tpu.wait_dma2 semaphore(%arg14 : memref<!tpu.dma_semaphore, #tpu.memory_space<semaphore_mem>>) src(%dma_wait3A_87 : memref<128xi32, #tpu.memory_space<hbm>>) dst(%arg9 : memref<128xi32, #tpu.memory_space<vmem>>)
      "tpu.region"() ({
        %run_scoped3A = tpu.sem_alloc : memref<!tpu.dma_semaphore, #tpu.memory_space<semaphore_mem>>
        %dma_start3A_109 = arith.constant 0 : i32
        %dma_start3A_110 = arith.constant 0 : i32
        %dma_start3A_111 = tpu.memref_slice %arg11[%dma_start3A_109, %dma_start3A_110] : memref<10112x128xf32, #tpu.memory_space<vmem_shared>> -> memref<10112x128xf32, #tpu.memory_space<vmem_shared>>
        tpu.enqueue_indirect_dma source(%arg6 : memref<128x128xf32, #tpu.memory_space<vmem>>) target(%dma_start3A_111 : memref<10112x128xf32, #tpu.memory_space<vmem_shared>>) offsets(%arg9 : memref<128xi32, #tpu.memory_space<vmem>>) semaphore(%run_scoped3A : memref<!tpu.dma_semaphore, #tpu.memory_space<semaphore_mem>>) {add = true}
        %dma_wait3A_112 = arith.constant 0 : i32
        %dma_wait3A_113 = arith.constant 0 : i32
        %dma_wait3A_114 = tpu.memref_slice %arg11[%dma_wait3A_112, %dma_wait3A_113] : memref<10112x128xf32, #tpu.memory_space<vmem_shared>> -> memref<10112x128xf32, #tpu.memory_space<vmem_shared>>
        tpu.wait_indirect_dma semaphore(%run_scoped3A : memref<!tpu.dma_semaphore, #tpu.memory_space<semaphore_mem>>) src(%arg6 : memref<128x128xf32, #tpu.memory_space<vmem>>) dst(%dma_wait3A_114 : memref<10112x128xf32, #tpu.memory_space<vmem_shared>>)
        tpu.yield
      }) : () -> ()
      %dma_wait3A_88 = arith.constant 0 : i32
      %dma_wait3A_89 = arith.constant 0 : i32
      %dma_wait3A_90 = tpu.memref_slice %arg2[%dma_wait3A_88, %dma_wait3A_89] : memref<10000x128xf32, #tpu.memory_space<hbm>> -> memref<128x128xf32, #tpu.memory_space<hbm>>
      %dma_wait3A_91 = arith.constant 0 : i32
      %dma_wait3A_92 = arith.constant 0 : i32
      %dma_wait3A_93 = tpu.memref_slice %arg2[%dma_wait3A_91, %dma_wait3A_92] : memref<10000x128xf32, #tpu.memory_space<hbm>> -> memref<128x128xf32, #tpu.memory_space<hbm>>
      tpu.wait_dma2 semaphore(%arg13 : memref<!tpu.dma_semaphore, #tpu.memory_space<semaphore_mem>>) src(%dma_wait3A_93 : memref<128x128xf32, #tpu.memory_space<hbm>>) dst(%arg7 : memref<128x128xf32, #tpu.memory_space<vmem>>)
      %not3A = arith.constant true
      %not3A_94 = arith.xori %ge3A, %not3A : i1
      %convert_element_type3A_95 = arith.extui %not3A_94 : i1 to i32
      %cond3A_96 = arith.constant 0 : i32
      %cond3A_97 = arith.cmpi ne, %convert_element_type3A_95, %cond3A_96 : i32
      scf.if %cond3A_97 {
        %mul3A_109 = arith.constant 2 : i32
        %mul3A_110 = arith.muli %mul3A_109, %while3A_63 : i32
        %add3A_111 = arith.constant 2 : i32
        %add3A_112 = arith.addi %mul3A_110, %add3A_111 : i32
        %dma_start3A_113 = arith.constant 0 : i32
        %dma_start3A_114 = tpu.memref_slice %arg8[%add3A_112, %dma_start3A_113] : memref<128x128xi32, #tpu.memory_space<vmem>> -> memref<1x128xi32, #tpu.memory_space<vmem>>
        %dma_start3A_115 = tpu.memref_squeeze %dma_start3A_114 : memref<1x128xi32, #tpu.memory_space<vmem>> -> memref<128xi32, #tpu.memory_space<vmem>>
        %dma_start3A_116 = arith.constant 0 : i32
        %dma_start3A_117 = arith.constant 0 : i32
        %dma_start3A_118 = tpu.memref_slice %arg2[%dma_start3A_116, %dma_start3A_117] : memref<10000x128xf32, #tpu.memory_space<hbm>> -> memref<10000x128xf32, #tpu.memory_space<hbm>>
        tpu.enqueue_indirect_dma source(%dma_start3A_118 : memref<10000x128xf32, #tpu.memory_space<hbm>>) target(%arg6 : memref<128x128xf32, #tpu.memory_space<vmem>>) offsets(%dma_start3A_115 : memref<128xi32, #tpu.memory_space<vmem>>) semaphore(%arg12 : memref<!tpu.dma_semaphore, #tpu.memory_space<semaphore_mem>>)
        %mul3A_119 = arith.constant 2 : i32
        %mul3A_120 = arith.muli %mul3A_119, %while3A_63 : i32
        %add3A_121 = arith.addi %select_n3A_8, %mul3A_120 : i32
        %add3A_122 = arith.constant 2 : i32
        %add3A_123 = arith.addi %add3A_121, %add3A_122 : i32
        %dma_start3A_124 = arith.constant 0 : i32
        %dma_start3A_125 = tpu.memref_slice %arg4[%add3A_123, %dma_start3A_124] : memref<2688x128xi32, #tpu.memory_space<hbm>> -> memref<1x128xi32, #tpu.memory_space<hbm>>
        %dma_start3A_126 = tpu.memref_squeeze %dma_start3A_125 : memref<1x128xi32, #tpu.memory_space<hbm>> -> memref<128xi32, #tpu.memory_space<hbm>>
        %dma_start3A_127 = arith.constant 0 : i32
        %dma_start3A_128 = tpu.memref_slice %arg4[%add3A_123, %dma_start3A_127] : memref<2688x128xi32, #tpu.memory_space<hbm>> -> memref<1x128xi32, #tpu.memory_space<hbm>>
        %dma_start3A_129 = tpu.memref_squeeze %dma_start3A_128 : memref<1x128xi32, #tpu.memory_space<hbm>> -> memref<128xi32, #tpu.memory_space<hbm>>
        tpu.enqueue_dma source(%dma_start3A_129 : memref<128xi32, #tpu.memory_space<hbm>>) target(%arg9 : memref<128xi32, #tpu.memory_space<vmem>>) target_semaphore(%arg14 : memref<!tpu.dma_semaphore, #tpu.memory_space<semaphore_mem>>)
      } else {
      }
      %dma_wait3A_98 = arith.constant 0 : i32
      %dma_wait3A_99 = tpu.memref_slice %arg4[%select_n3A_8, %dma_wait3A_98] : memref<2688x128xi32, #tpu.memory_space<hbm>> -> memref<1x128xi32, #tpu.memory_space<hbm>>
      %dma_wait3A_100 = tpu.memref_squeeze %dma_wait3A_99 : memref<1x128xi32, #tpu.memory_space<hbm>> -> memref<128xi32, #tpu.memory_space<hbm>>
      %dma_wait3A_101 = arith.constant 0 : i32
      %dma_wait3A_102 = tpu.memref_slice %arg4[%select_n3A_8, %dma_wait3A_101] : memref<2688x128xi32, #tpu.memory_space<hbm>> -> memref<1x128xi32, #tpu.memory_space<hbm>>
      %dma_wait3A_103 = tpu.memref_squeeze %dma_wait3A_102 : memref<1x128xi32, #tpu.memory_space<hbm>> -> memref<128xi32, #tpu.memory_space<hbm>>
      tpu.wait_dma2 semaphore(%arg15 : memref<!tpu.dma_semaphore, #tpu.memory_space<semaphore_mem>>) src(%dma_wait3A_103 : memref<128xi32, #tpu.memory_space<hbm>>) dst(%arg10 : memref<128xi32, #tpu.memory_space<vmem>>)
      "tpu.region"() ({
        %run_scoped3A = tpu.sem_alloc : memref<!tpu.dma_semaphore, #tpu.memory_space<semaphore_mem>>
        %dma_start3A_109 = arith.constant 0 : i32
        %dma_start3A_110 = arith.constant 0 : i32
        %dma_start3A_111 = tpu.memref_slice %arg11[%dma_start3A_109, %dma_start3A_110] : memref<10112x128xf32, #tpu.memory_space<vmem_shared>> -> memref<10112x128xf32, #tpu.memory_space<vmem_shared>>
        tpu.enqueue_indirect_dma source(%arg7 : memref<128x128xf32, #tpu.memory_space<vmem>>) target(%dma_start3A_111 : memref<10112x128xf32, #tpu.memory_space<vmem_shared>>) offsets(%arg10 : memref<128xi32, #tpu.memory_space<vmem>>) semaphore(%run_scoped3A : memref<!tpu.dma_semaphore, #tpu.memory_space<semaphore_mem>>) {add = true}
        %dma_wait3A_112 = arith.constant 0 : i32
        %dma_wait3A_113 = arith.constant 0 : i32
        %dma_wait3A_114 = tpu.memref_slice %arg11[%dma_wait3A_112, %dma_wait3A_113] : memref<10112x128xf32, #tpu.memory_space<vmem_shared>> -> memref<10112x128xf32, #tpu.memory_space<vmem_shared>>
        tpu.wait_indirect_dma semaphore(%run_scoped3A : memref<!tpu.dma_semaphore, #tpu.memory_space<semaphore_mem>>) src(%arg7 : memref<128x128xf32, #tpu.memory_space<vmem>>) dst(%dma_wait3A_114 : memref<10112x128xf32, #tpu.memory_space<vmem_shared>>)
        tpu.yield
      }) : () -> ()
      %not3A_104 = arith.constant true
      %not3A_105 = arith.xori %ge3A, %not3A_104 : i1
      %convert_element_type3A_106 = arith.extui %not3A_105 : i1 to i32
      %cond3A_107 = arith.constant 0 : i32
      %cond3A_108 = arith.cmpi ne, %convert_element_type3A_106, %cond3A_107 : i32
      scf.if %cond3A_108 {
        %mul3A_109 = arith.constant 2 : i32
        %mul3A_110 = arith.muli %mul3A_109, %while3A_63 : i32
        %add3A_111 = arith.addi %select_n3A_8, %mul3A_110 : i32
        %add3A_112 = arith.constant 3 : i32
        %add3A_113 = arith.addi %add3A_111, %add3A_112 : i32
        %dma_start3A_114 = arith.constant 0 : i32
        %dma_start3A_115 = tpu.memref_slice %arg4[%add3A_113, %dma_start3A_114] : memref<2688x128xi32, #tpu.memory_space<hbm>> -> memref<1x128xi32, #tpu.memory_space<hbm>>
        %dma_start3A_116 = tpu.memref_squeeze %dma_start3A_115 : memref<1x128xi32, #tpu.memory_space<hbm>> -> memref<128xi32, #tpu.memory_space<hbm>>
        %dma_start3A_117 = arith.constant 0 : i32
        %dma_start3A_118 = tpu.memref_slice %arg4[%add3A_113, %dma_start3A_117] : memref<2688x128xi32, #tpu.memory_space<hbm>> -> memref<1x128xi32, #tpu.memory_space<hbm>>
        %dma_start3A_119 = tpu.memref_squeeze %dma_start3A_118 : memref<1x128xi32, #tpu.memory_space<hbm>> -> memref<128xi32, #tpu.memory_space<hbm>>
        tpu.enqueue_dma source(%dma_start3A_119 : memref<128xi32, #tpu.memory_space<hbm>>) target(%arg10 : memref<128xi32, #tpu.memory_space<vmem>>) target_semaphore(%arg15 : memref<!tpu.dma_semaphore, #tpu.memory_space<semaphore_mem>>)
      } else {
      }
    }
    %while3A_57 = arith.constant 1 : i32
    scf.for %while3A_63 = %while3A_55 to %while3A_51 step %while3A_57  : i32 {
      %sub3A_64 = arith.constant 1 : i32
      %sub3A_65 = arith.subi %select_n3A_26, %sub3A_64 : i32
      %ge3A = arith.cmpi sge, %while3A_63, %sub3A_65 : i32
      %dma_wait3A_66 = arith.constant 0 : i32
      %dma_wait3A_67 = arith.constant 0 : i32
      %dma_wait3A_68 = tpu.memref_slice %arg2[%dma_wait3A_66, %dma_wait3A_67] : memref<10000x128xf32, #tpu.memory_space<hbm>> -> memref<128x128xf32, #tpu.memory_space<hbm>>
      %dma_wait3A_69 = arith.constant 0 : i32
      %dma_wait3A_70 = arith.constant 0 : i32
      %dma_wait3A_71 = tpu.memref_slice %arg2[%dma_wait3A_69, %dma_wait3A_70] : memref<10000x128xf32, #tpu.memory_space<hbm>> -> memref<128x128xf32, #tpu.memory_space<hbm>>
      tpu.wait_dma2 semaphore(%arg12 : memref<!tpu.dma_semaphore, #tpu.memory_space<semaphore_mem>>) src(%dma_wait3A_71 : memref<128x128xf32, #tpu.memory_space<hbm>>) dst(%arg6 : memref<128x128xf32, #tpu.memory_space<vmem>>)
      %mul3A_72 = arith.constant 2 : i32
      %mul3A_73 = arith.muli %mul3A_72, %while3A_63 : i32
      %add3A_74 = arith.constant 1 : i32
      %add3A_75 = arith.addi %mul3A_73, %add3A_74 : i32
      %dma_start3A_76 = arith.constant 0 : i32
      %dma_start3A_77 = tpu.memref_slice %arg8[%add3A_75, %dma_start3A_76] : memref<128x128xi32, #tpu.memory_space<vmem>> -> memref<1x128xi32, #tpu.memory_space<vmem>>
      %dma_start3A_78 = tpu.memref_squeeze %dma_start3A_77 : memref<1x128xi32, #tpu.memory_space<vmem>> -> memref<128xi32, #tpu.memory_space<vmem>>
      %dma_start3A_79 = arith.constant 0 : i32
      %dma_start3A_80 = arith.constant 0 : i32
      %dma_start3A_81 = tpu.memref_slice %arg2[%dma_start3A_79, %dma_start3A_80] : memref<10000x128xf32, #tpu.memory_space<hbm>> -> memref<10000x128xf32, #tpu.memory_space<hbm>>
      tpu.enqueue_indirect_dma source(%dma_start3A_81 : memref<10000x128xf32, #tpu.memory_space<hbm>>) target(%arg7 : memref<128x128xf32, #tpu.memory_space<vmem>>) offsets(%dma_start3A_78 : memref<128xi32, #tpu.memory_space<vmem>>) semaphore(%arg13 : memref<!tpu.dma_semaphore, #tpu.memory_space<semaphore_mem>>)
      %dma_wait3A_82 = arith.constant 0 : i32
      %dma_wait3A_83 = tpu.memref_slice %arg4[%select_n3A_8, %dma_wait3A_82] : memref<2688x128xi32, #tpu.memory_space<hbm>> -> memref<1x128xi32, #tpu.memory_space<hbm>>
      %dma_wait3A_84 = tpu.memref_squeeze %dma_wait3A_83 : memref<1x128xi32, #tpu.memory_space<hbm>> -> memref<128xi32, #tpu.memory_space<hbm>>
      %dma_wait3A_85 = arith.constant 0 : i32
      %dma_wait3A_86 = tpu.memref_slice %arg4[%select_n3A_8, %dma_wait3A_85] : memref<2688x128xi32, #tpu.memory_space<hbm>> -> memref<1x128xi32, #tpu.memory_space<hbm>>
      %dma_wait3A_87 = tpu.memref_squeeze %dma_wait3A_86 : memref<1x128xi32, #tpu.memory_space<hbm>> -> memref<128xi32, #tpu.memory_space<hbm>>
      tpu.wait_dma2 semaphore(%arg14 : memref<!tpu.dma_semaphore, #tpu.memory_space<semaphore_mem>>) src(%dma_wait3A_87 : memref<128xi32, #tpu.memory_space<hbm>>) dst(%arg9 : memref<128xi32, #tpu.memory_space<vmem>>)
      "tpu.region"() ({
        %run_scoped3A = tpu.sem_alloc : memref<!tpu.dma_semaphore, #tpu.memory_space<semaphore_mem>>
        %dma_start3A_109 = arith.constant 0 : i32
        %dma_start3A_110 = arith.constant 0 : i32
        %dma_start3A_111 = tpu.memref_slice %arg11[%dma_start3A_109, %dma_start3A_110] : memref<10112x128xf32, #tpu.memory_space<vmem_shared>> -> memref<10112x128xf32, #tpu.memory_space<vmem_shared>>
        tpu.enqueue_indirect_dma source(%arg6 : memref<128x128xf32, #tpu.memory_space<vmem>>) target(%dma_start3A_111 : memref<10112x128xf32, #tpu.memory_space<vmem_shared>>) offsets(%arg9 : memref<128xi32, #tpu.memory_space<vmem>>) semaphore(%run_scoped3A : memref<!tpu.dma_semaphore, #tpu.memory_space<semaphore_mem>>) {add = true}
        %dma_wait3A_112 = arith.constant 0 : i32
        %dma_wait3A_113 = arith.constant 0 : i32
        %dma_wait3A_114 = tpu.memref_slice %arg11[%dma_wait3A_112, %dma_wait3A_113] : memref<10112x128xf32, #tpu.memory_space<vmem_shared>> -> memref<10112x128xf32, #tpu.memory_space<vmem_shared>>
        tpu.wait_indirect_dma semaphore(%run_scoped3A : memref<!tpu.dma_semaphore, #tpu.memory_space<semaphore_mem>>) src(%arg6 : memref<128x128xf32, #tpu.memory_space<vmem>>) dst(%dma_wait3A_114 : memref<10112x128xf32, #tpu.memory_space<vmem_shared>>)
        tpu.yield
      }) : () -> ()
      %dma_wait3A_88 = arith.constant 0 : i32
      %dma_wait3A_89 = arith.constant 0 : i32
      %dma_wait3A_90 = tpu.memref_slice %arg2[%dma_wait3A_88, %dma_wait3A_89] : memref<10000x128xf32, #tpu.memory_space<hbm>> -> memref<128x128xf32, #tpu.memory_space<hbm>>
      %dma_wait3A_91 = arith.constant 0 : i32
      %dma_wait3A_92 = arith.constant 0 : i32
      %dma_wait3A_93 = tpu.memref_slice %arg2[%dma_wait3A_91, %dma_wait3A_92] : memref<10000x128xf32, #tpu.memory_space<hbm>> -> memref<128x128xf32, #tpu.memory_space<hbm>>
      tpu.wait_dma2 semaphore(%arg13 : memref<!tpu.dma_semaphore, #tpu.memory_space<semaphore_mem>>) src(%dma_wait3A_93 : memref<128x128xf32, #tpu.memory_space<hbm>>) dst(%arg7 : memref<128x128xf32, #tpu.memory_space<vmem>>)
      %not3A = arith.constant true
      %not3A_94 = arith.xori %ge3A, %not3A : i1
      %convert_element_type3A_95 = arith.extui %not3A_94 : i1 to i32
      %cond3A_96 = arith.constant 0 : i32
      %cond3A_97 = arith.cmpi ne, %convert_element_type3A_95, %cond3A_96 : i32
      scf.if %cond3A_97 {
        %mul3A_109 = arith.constant 2 : i32
        %mul3A_110 = arith.muli %mul3A_109, %while3A_63 : i32
        %add3A_111 = arith.constant 2 : i32
        %add3A_112 = arith.addi %mul3A_110, %add3A_111 : i32
        %dma_start3A_113 = arith.constant 0 : i32
        %dma_start3A_114 = tpu.memref_slice %arg8[%add3A_112, %dma_start3A_113] : memref<128x128xi32, #tpu.memory_space<vmem>> -> memref<1x128xi32, #tpu.memory_space<vmem>>
        %dma_start3A_115 = tpu.memref_squeeze %dma_start3A_114 : memref<1x128xi32, #tpu.memory_space<vmem>> -> memref<128xi32, #tpu.memory_space<vmem>>
        %dma_start3A_116 = arith.constant 0 : i32
        %dma_start3A_117 = arith.constant 0 : i32
        %dma_start3A_118 = tpu.memref_slice %arg2[%dma_start3A_116, %dma_start3A_117] : memref<10000x128xf32, #tpu.memory_space<hbm>> -> memref<10000x128xf32, #tpu.memory_space<hbm>>
        tpu.enqueue_indirect_dma source(%dma_start3A_118 : memref<10000x128xf32, #tpu.memory_space<hbm>>) target(%arg6 : memref<128x128xf32, #tpu.memory_space<vmem>>) offsets(%dma_start3A_115 : memref<128xi32, #tpu.memory_space<vmem>>) semaphore(%arg12 : memref<!tpu.dma_semaphore, #tpu.memory_space<semaphore_mem>>)
        %mul3A_119 = arith.constant 2 : i32
        %mul3A_120 = arith.muli %mul3A_119, %while3A_63 : i32
        %add3A_121 = arith.addi %select_n3A_8, %mul3A_120 : i32
        %add3A_122 = arith.constant 2 : i32
        %add3A_123 = arith.addi %add3A_121, %add3A_122 : i32
        %dma_start3A_124 = arith.constant 0 : i32
        %dma_start3A_125 = tpu.memref_slice %arg4[%add3A_123, %dma_start3A_124] : memref<2688x128xi32, #tpu.memory_space<hbm>> -> memref<1x128xi32, #tpu.memory_space<hbm>>
        %dma_start3A_126 = tpu.memref_squeeze %dma_start3A_125 : memref<1x128xi32, #tpu.memory_space<hbm>> -> memref<128xi32, #tpu.memory_space<hbm>>
        %dma_start3A_127 = arith.constant 0 : i32
        %dma_start3A_128 = tpu.memref_slice %arg4[%add3A_123, %dma_start3A_127] : memref<2688x128xi32, #tpu.memory_space<hbm>> -> memref<1x128xi32, #tpu.memory_space<hbm>>
        %dma_start3A_129 = tpu.memref_squeeze %dma_start3A_128 : memref<1x128xi32, #tpu.memory_space<hbm>> -> memref<128xi32, #tpu.memory_space<hbm>>
        tpu.enqueue_dma source(%dma_start3A_129 : memref<128xi32, #tpu.memory_space<hbm>>) target(%arg9 : memref<128xi32, #tpu.memory_space<vmem>>) target_semaphore(%arg14 : memref<!tpu.dma_semaphore, #tpu.memory_space<semaphore_mem>>)
      } else {
      }
      %dma_wait3A_98 = arith.constant 0 : i32
      %dma_wait3A_99 = tpu.memref_slice %arg4[%select_n3A_8, %dma_wait3A_98] : memref<2688x128xi32, #tpu.memory_space<hbm>> -> memref<1x128xi32, #tpu.memory_space<hbm>>
      %dma_wait3A_100 = tpu.memref_squeeze %dma_wait3A_99 : memref<1x128xi32, #tpu.memory_space<hbm>> -> memref<128xi32, #tpu.memory_space<hbm>>
      %dma_wait3A_101 = arith.constant 0 : i32
      %dma_wait3A_102 = tpu.memref_slice %arg4[%select_n3A_8, %dma_wait3A_101] : memref<2688x128xi32, #tpu.memory_space<hbm>> -> memref<1x128xi32, #tpu.memory_space<hbm>>
      %dma_wait3A_103 = tpu.memref_squeeze %dma_wait3A_102 : memref<1x128xi32, #tpu.memory_space<hbm>> -> memref<128xi32, #tpu.memory_space<hbm>>
      tpu.wait_dma2 semaphore(%arg15 : memref<!tpu.dma_semaphore, #tpu.memory_space<semaphore_mem>>) src(%dma_wait3A_103 : memref<128xi32, #tpu.memory_space<hbm>>) dst(%arg10 : memref<128xi32, #tpu.memory_space<vmem>>)
      "tpu.region"() ({
        %run_scoped3A = tpu.sem_alloc : memref<!tpu.dma_semaphore, #tpu.memory_space<semaphore_mem>>
        %dma_start3A_109 = arith.constant 0 : i32
        %dma_start3A_110 = arith.constant 0 : i32
        %dma_start3A_111 = tpu.memref_slice %arg11[%dma_start3A_109, %dma_start3A_110] : memref<10112x128xf32, #tpu.memory_space<vmem_shared>> -> memref<10112x128xf32, #tpu.memory_space<vmem_shared>>
        tpu.enqueue_indirect_dma source(%arg7 : memref<128x128xf32, #tpu.memory_space<vmem>>) target(%dma_start3A_111 : memref<10112x128xf32, #tpu.memory_space<vmem_shared>>) offsets(%arg10 : memref<128xi32, #tpu.memory_space<vmem>>) semaphore(%run_scoped3A : memref<!tpu.dma_semaphore, #tpu.memory_space<semaphore_mem>>) {add = true}
        %dma_wait3A_112 = arith.constant 0 : i32
        %dma_wait3A_113 = arith.constant 0 : i32
        %dma_wait3A_114 = tpu.memref_slice %arg11[%dma_wait3A_112, %dma_wait3A_113] : memref<10112x128xf32, #tpu.memory_space<vmem_shared>> -> memref<10112x128xf32, #tpu.memory_space<vmem_shared>>
        tpu.wait_indirect_dma semaphore(%run_scoped3A : memref<!tpu.dma_semaphore, #tpu.memory_space<semaphore_mem>>) src(%arg7 : memref<128x128xf32, #tpu.memory_space<vmem>>) dst(%dma_wait3A_114 : memref<10112x128xf32, #tpu.memory_space<vmem_shared>>)
        tpu.yield
      }) : () -> ()
      %not3A_104 = arith.constant true
      %not3A_105 = arith.xori %ge3A, %not3A_104 : i1
      %convert_element_type3A_106 = arith.extui %not3A_105 : i1 to i32
      %cond3A_107 = arith.constant 0 : i32
      %cond3A_108 = arith.cmpi ne, %convert_element_type3A_106, %cond3A_107 : i32
      scf.if %cond3A_108 {
        %mul3A_109 = arith.constant 2 : i32
        %mul3A_110 = arith.muli %mul3A_109, %while3A_63 : i32
        %add3A_111 = arith.addi %select_n3A_8, %mul3A_110 : i32
        %add3A_112 = arith.constant 3 : i32
        %add3A_113 = arith.addi %add3A_111, %add3A_112 : i32
        %dma_start3A_114 = arith.constant 0 : i32
        %dma_start3A_115 = tpu.memref_slice %arg4[%add3A_113, %dma_start3A_114] : memref<2688x128xi32, #tpu.memory_space<hbm>> -> memref<1x128xi32, #tpu.memory_space<hbm>>
        %dma_start3A_116 = tpu.memref_squeeze %dma_start3A_115 : memref<1x128xi32, #tpu.memory_space<hbm>> -> memref<128xi32, #tpu.memory_space<hbm>>
        %dma_start3A_117 = arith.constant 0 : i32
        %dma_start3A_118 = tpu.memref_slice %arg4[%add3A_113, %dma_start3A_117] : memref<2688x128xi32, #tpu.memory_space<hbm>> -> memref<1x128xi32, #tpu.memory_space<hbm>>
        %dma_start3A_119 = tpu.memref_squeeze %dma_start3A_118 : memref<1x128xi32, #tpu.memory_space<hbm>> -> memref<128xi32, #tpu.memory_space<hbm>>
        tpu.enqueue_dma source(%dma_start3A_119 : memref<128xi32, #tpu.memory_space<hbm>>) target(%arg10 : memref<128xi32, #tpu.memory_space<vmem>>) target_semaphore(%arg15 : memref<!tpu.dma_semaphore, #tpu.memory_space<semaphore_mem>>)
      } else {
      }
    }
    %barrier3A_58 = arith.constant 0 : index
    tpu.barrier barrier_id(%barrier3A_58)
    %mul3A_59 = arith.constant 632 : i32
    %mul3A_60 = arith.muli %arg1, %mul3A_59 : i32
    %mul3A_61 = arith.constant 632 : i32
    %mul3A_62 = arith.muli %arg1, %mul3A_61 : i32
    "tpu.region"() ({
      %run_scoped3A = tpu.sem_alloc : memref<!tpu.dma_semaphore, #tpu.memory_space<semaphore_mem>>
      %dma_start3A_63 = arith.constant 0 : i32
      %dma_start3A_64 = tpu.memref_slice %arg5[%arg0, %mul3A_62, %dma_start3A_63] : memref<2x10112x128xf32, #tpu.memory_space<hbm>> -> memref<1x632x128xf32, #tpu.memory_space<hbm>>
      %dma_start3A_65 = tpu.memref_squeeze %dma_start3A_64 : memref<1x632x128xf32, #tpu.memory_space<hbm>> -> memref<632x128xf32, #tpu.memory_space<hbm>>
      %dma_start3A_66 = arith.constant 0 : i32
      %dma_start3A_67 = tpu.memref_slice %arg11[%mul3A_60, %dma_start3A_66] : memref<10112x128xf32, #tpu.memory_space<vmem_shared>> -> memref<632x128xf32, #tpu.memory_space<vmem_shared>>
      tpu.enqueue_dma source(%dma_start3A_67 : memref<632x128xf32, #tpu.memory_space<vmem_shared>>) target(%dma_start3A_65 : memref<632x128xf32, #tpu.memory_space<hbm>>) target_semaphore(%run_scoped3A : memref<!tpu.dma_semaphore, #tpu.memory_space<semaphore_mem>>)
      %dma_wait3A_68 = arith.constant 0 : i32
      %dma_wait3A_69 = tpu.memref_slice %arg5[%arg0, %mul3A_62, %dma_wait3A_68] : memref<2x10112x128xf32, #tpu.memory_space<hbm>> -> memref<1x632x128xf32, #tpu.memory_space<hbm>>
      %dma_wait3A_70 = tpu.memref_squeeze %dma_wait3A_69 : memref<1x632x128xf32, #tpu.memory_space<hbm>> -> memref<632x128xf32, #tpu.memory_space<hbm>>
      %dma_wait3A_71 = arith.constant 0 : i32
      %dma_wait3A_72 = tpu.memref_slice %arg11[%mul3A_60, %dma_wait3A_71] : memref<10112x128xf32, #tpu.memory_space<vmem_shared>> -> memref<632x128xf32, #tpu.memory_space<vmem_shared>>
      tpu.wait_dma2 semaphore(%run_scoped3A : memref<!tpu.dma_semaphore, #tpu.memory_space<semaphore_mem>>) src(%dma_wait3A_72 : memref<632x128xf32, #tpu.memory_space<vmem_shared>>) dst(%dma_wait3A_70 : memref<632x128xf32, #tpu.memory_space<hbm>>)
      tpu.yield
    }) : () -> ()
    return
  }
}

#map = affine_map<(d0, d1) -> (0, 0)>
#map1 = affine_map<(d0, d1) -> (0, 0, 0)>
module attributes {stable_mosaic.version = 14 : i64} {
  func.func @_hist_kernel(%arg0: i32, %arg1: i32, %arg2: memref<2688x128xi32, #tpu.memory_space<hbm>>, %arg3: memref<2x10112x128xf32, #tpu.memory_space<hbm>>, %arg4: memref<128x128xf32, #tpu.memory_space<vmem>>, %arg5: memref<128x128xf32, #tpu.memory_space<vmem>>, %arg6: memref<80x128xi32, #tpu.memory_space<vmem>>, %arg7: memref<10112x128xf32, #tpu.memory_space<vmem_shared>>, %arg8: memref<!tpu.dma_semaphore, #tpu.memory_space<semaphore_mem>>) attributes {dimension_semantics = [#tpu.dimension_semantics<core_parallel>, #tpu.dimension_semantics<subcore_parallel>], iteration_bounds = array<i64: 2, 16>, scalar_prefetch = 0 : i64, scratch_operands = 5 : i64, tpu.core_type = #tpu.core_type<sc_vector_subcore>, window_params = [{transform_indices = #map}, {transform_indices = #map1}]} {
    %mul3A = arith.constant 16 : i32
    %mul3A_0 = arith.muli %arg0, %mul3A : i32
    %add3A = arith.addi %mul3A_0, %arg1 : i32
    %scan3A = arith.constant 0 : i32
    %scan3A_1 = arith.constant 128 : i32
    %scan3A_2 = arith.addi %scan3A, %scan3A_1 : i32
    %scan3A_3 = arith.constant 1 : i32
    scf.for %scan3A_35 = %scan3A to %scan3A_2 step %scan3A_3  : i32 {
      %broadcast_in_dim3A = arith.constant 0.000000e+00 : f32
      %broadcast_in_dim3A_36 = vector.broadcast %broadcast_in_dim3A : f32 to vector<16xf32>
      %swap3A = arith.index_cast %scan3A_35 : i32 to index
      %swap3A_37 = arith.constant 0 : index
      %swap3A_38 = tpu.vector_load %arg4[%swap3A, %swap3A_37] {strides = array<i32>} : memref<128x128xf32, #tpu.memory_space<vmem>>, vector<1x16xf32>,
      %swap3A_39 = vector.shape_cast %swap3A_38 : vector<1x16xf32> to vector<16xf32>
      %swap3A_40 = vector.shape_cast %broadcast_in_dim3A_36 : vector<16xf32> to vector<1x16xf32>
      tpu.vector_store %arg4[%swap3A, %swap3A_37], %swap3A_40 {strides = array<i32>} : memref<128x128xf32, #tpu.memory_space<vmem>>, vector<1x16xf32>,
      %broadcast_in_dim3A_41 = arith.constant 1.000000e+00 : f32
      %broadcast_in_dim3A_42 = vector.broadcast %broadcast_in_dim3A_41 : f32 to vector<16xf32>
      %swap3A_43 = arith.index_cast %scan3A_35 : i32 to index
      %swap3A_44 = arith.constant 0 : index
      %swap3A_45 = tpu.vector_load %arg5[%swap3A_43, %swap3A_44] {strides = array<i32>} : memref<128x128xf32, #tpu.memory_space<vmem>>, vector<1x16xf32>,
      %swap3A_46 = vector.shape_cast %swap3A_45 : vector<1x16xf32> to vector<16xf32>
      %swap3A_47 = vector.shape_cast %broadcast_in_dim3A_42 : vector<16xf32> to vector<1x16xf32>
      tpu.vector_store %arg5[%swap3A_43, %swap3A_44], %swap3A_47 {strides = array<i32>} : memref<128x128xf32, #tpu.memory_space<vmem>>, vector<1x16xf32>,
      %broadcast_in_dim3A_48 = arith.constant 0.000000e+00 : f32
      %broadcast_in_dim3A_49 = vector.broadcast %broadcast_in_dim3A_48 : f32 to vector<16xf32>
      %swap3A_50 = arith.index_cast %scan3A_35 : i32 to index
      %swap3A_51 = arith.constant 16 : index
      %swap3A_52 = tpu.vector_load %arg4[%swap3A_50, %swap3A_51] {strides = array<i32>} : memref<128x128xf32, #tpu.memory_space<vmem>>, vector<1x16xf32>,
      %swap3A_53 = vector.shape_cast %swap3A_52 : vector<1x16xf32> to vector<16xf32>
      %swap3A_54 = vector.shape_cast %broadcast_in_dim3A_49 : vector<16xf32> to vector<1x16xf32>
      tpu.vector_store %arg4[%swap3A_50, %swap3A_51], %swap3A_54 {strides = array<i32>} : memref<128x128xf32, #tpu.memory_space<vmem>>, vector<1x16xf32>,
      %broadcast_in_dim3A_55 = arith.constant 1.000000e+00 : f32
      %broadcast_in_dim3A_56 = vector.broadcast %broadcast_in_dim3A_55 : f32 to vector<16xf32>
      %swap3A_57 = arith.index_cast %scan3A_35 : i32 to index
      %swap3A_58 = arith.constant 16 : index
      %swap3A_59 = tpu.vector_load %arg5[%swap3A_57, %swap3A_58] {strides = array<i32>} : memref<128x128xf32, #tpu.memory_space<vmem>>, vector<1x16xf32>,
      %swap3A_60 = vector.shape_cast %swap3A_59 : vector<1x16xf32> to vector<16xf32>
      %swap3A_61 = vector.shape_cast %broadcast_in_dim3A_56 : vector<16xf32> to vector<1x16xf32>
      tpu.vector_store %arg5[%swap3A_57, %swap3A_58], %swap3A_61 {strides = array<i32>} : memref<128x128xf32, #tpu.memory_space<vmem>>, vector<1x16xf32>,
      %broadcast_in_dim3A_62 = arith.constant 0.000000e+00 : f32
      %broadcast_in_dim3A_63 = vector.broadcast %broadcast_in_dim3A_62 : f32 to vector<16xf32>
      %swap3A_64 = arith.index_cast %scan3A_35 : i32 to index
      %swap3A_65 = arith.constant 32 : index
      %swap3A_66 = tpu.vector_load %arg4[%swap3A_64, %swap3A_65] {strides = array<i32>} : memref<128x128xf32, #tpu.memory_space<vmem>>, vector<1x16xf32>,
      %swap3A_67 = vector.shape_cast %swap3A_66 : vector<1x16xf32> to vector<16xf32>
      %swap3A_68 = vector.shape_cast %broadcast_in_dim3A_63 : vector<16xf32> to vector<1x16xf32>
      tpu.vector_store %arg4[%swap3A_64, %swap3A_65], %swap3A_68 {strides = array<i32>} : memref<128x128xf32, #tpu.memory_space<vmem>>, vector<1x16xf32>,
      %broadcast_in_dim3A_69 = arith.constant 1.000000e+00 : f32
      %broadcast_in_dim3A_70 = vector.broadcast %broadcast_in_dim3A_69 : f32 to vector<16xf32>
      %swap3A_71 = arith.index_cast %scan3A_35 : i32 to index
      %swap3A_72 = arith.constant 32 : index
      %swap3A_73 = tpu.vector_load %arg5[%swap3A_71, %swap3A_72] {strides = array<i32>} : memref<128x128xf32, #tpu.memory_space<vmem>>, vector<1x16xf32>,
      %swap3A_74 = vector.shape_cast %swap3A_73 : vector<1x16xf32> to vector<16xf32>
      %swap3A_75 = vector.shape_cast %broadcast_in_dim3A_70 : vector<16xf32> to vector<1x16xf32>
      tpu.vector_store %arg5[%swap3A_71, %swap3A_72], %swap3A_75 {strides = array<i32>} : memref<128x128xf32, #tpu.memory_space<vmem>>, vector<1x16xf32>,
      %broadcast_in_dim3A_76 = arith.constant 0.000000e+00 : f32
      %broadcast_in_dim3A_77 = vector.broadcast %broadcast_in_dim3A_76 : f32 to vector<16xf32>
      %swap3A_78 = arith.index_cast %scan3A_35 : i32 to index
      %swap3A_79 = arith.constant 48 : index
      %swap3A_80 = tpu.vector_load %arg4[%swap3A_78, %swap3A_79] {strides = array<i32>} : memref<128x128xf32, #tpu.memory_space<vmem>>, vector<1x16xf32>,
      %swap3A_81 = vector.shape_cast %swap3A_80 : vector<1x16xf32> to vector<16xf32>
      %swap3A_82 = vector.shape_cast %broadcast_in_dim3A_77 : vector<16xf32> to vector<1x16xf32>
      tpu.vector_store %arg4[%swap3A_78, %swap3A_79], %swap3A_82 {strides = array<i32>} : memref<128x128xf32, #tpu.memory_space<vmem>>, vector<1x16xf32>,
      %broadcast_in_dim3A_83 = arith.constant 1.000000e+00 : f32
      %broadcast_in_dim3A_84 = vector.broadcast %broadcast_in_dim3A_83 : f32 to vector<16xf32>
      %swap3A_85 = arith.index_cast %scan3A_35 : i32 to index
      %swap3A_86 = arith.constant 48 : index
      %swap3A_87 = tpu.vector_load %arg5[%swap3A_85, %swap3A_86] {strides = array<i32>} : memref<128x128xf32, #tpu.memory_space<vmem>>, vector<1x16xf32>,
      %swap3A_88 = vector.shape_cast %swap3A_87 : vector<1x16xf32> to vector<16xf32>
      %swap3A_89 = vector.shape_cast %broadcast_in_dim3A_84 : vector<16xf32> to vector<1x16xf32>
      tpu.vector_store %arg5[%swap3A_85, %swap3A_86], %swap3A_89 {strides = array<i32>} : memref<128x128xf32, #tpu.memory_space<vmem>>, vector<1x16xf32>,
      %broadcast_in_dim3A_90 = arith.constant 0.000000e+00 : f32
      %broadcast_in_dim3A_91 = vector.broadcast %broadcast_in_dim3A_90 : f32 to vector<16xf32>
      %swap3A_92 = arith.index_cast %scan3A_35 : i32 to index
      %swap3A_93 = arith.constant 64 : index
      %swap3A_94 = tpu.vector_load %arg4[%swap3A_92, %swap3A_93] {strides = array<i32>} : memref<128x128xf32, #tpu.memory_space<vmem>>, vector<1x16xf32>,
      %swap3A_95 = vector.shape_cast %swap3A_94 : vector<1x16xf32> to vector<16xf32>
      %swap3A_96 = vector.shape_cast %broadcast_in_dim3A_91 : vector<16xf32> to vector<1x16xf32>
      tpu.vector_store %arg4[%swap3A_92, %swap3A_93], %swap3A_96 {strides = array<i32>} : memref<128x128xf32, #tpu.memory_space<vmem>>, vector<1x16xf32>,
      %broadcast_in_dim3A_97 = arith.constant 1.000000e+00 : f32
      %broadcast_in_dim3A_98 = vector.broadcast %broadcast_in_dim3A_97 : f32 to vector<16xf32>
      %swap3A_99 = arith.index_cast %scan3A_35 : i32 to index
      %swap3A_100 = arith.constant 64 : index
      %swap3A_101 = tpu.vector_load %arg5[%swap3A_99, %swap3A_100] {strides = array<i32>} : memref<128x128xf32, #tpu.memory_space<vmem>>, vector<1x16xf32>,
      %swap3A_102 = vector.shape_cast %swap3A_101 : vector<1x16xf32> to vector<16xf32>
      %swap3A_103 = vector.shape_cast %broadcast_in_dim3A_98 : vector<16xf32> to vector<1x16xf32>
      tpu.vector_store %arg5[%swap3A_99, %swap3A_100], %swap3A_103 {strides = array<i32>} : memref<128x128xf32, #tpu.memory_space<vmem>>, vector<1x16xf32>,
      %broadcast_in_dim3A_104 = arith.constant 0.000000e+00 : f32
      %broadcast_in_dim3A_105 = vector.broadcast %broadcast_in_dim3A_104 : f32 to vector<16xf32>
      %swap3A_106 = arith.index_cast %scan3A_35 : i32 to index
      %swap3A_107 = arith.constant 80 : index
      %swap3A_108 = tpu.vector_load %arg4[%swap3A_106, %swap3A_107] {strides = array<i32>} : memref<128x128xf32, #tpu.memory_space<vmem>>, vector<1x16xf32>,
      %swap3A_109 = vector.shape_cast %swap3A_108 : vector<1x16xf32> to vector<16xf32>
      %swap3A_110 = vector.shape_cast %broadcast_in_dim3A_105 : vector<16xf32> to vector<1x16xf32>
      tpu.vector_store %arg4[%swap3A_106, %swap3A_107], %swap3A_110 {strides = array<i32>} : memref<128x128xf32, #tpu.memory_space<vmem>>, vector<1x16xf32>,
      %broadcast_in_dim3A_111 = arith.constant 1.000000e+00 : f32
      %broadcast_in_dim3A_112 = vector.broadcast %broadcast_in_dim3A_111 : f32 to vector<16xf32>
      %swap3A_113 = arith.index_cast %scan3A_35 : i32 to index
      %swap3A_114 = arith.constant 80 : index
      %swap3A_115 = tpu.vector_load %arg5[%swap3A_113, %swap3A_114] {strides = array<i32>} : memref<128x128xf32, #tpu.memory_space<vmem>>, vector<1x16xf32>,
      %swap3A_116 = vector.shape_cast %swap3A_115 : vector<1x16xf32> to vector<16xf32>
      %swap3A_117 = vector.shape_cast %broadcast_in_dim3A_112 : vector<16xf32> to vector<1x16xf32>
      tpu.vector_store %arg5[%swap3A_113, %swap3A_114], %swap3A_117 {strides = array<i32>} : memref<128x128xf32, #tpu.memory_space<vmem>>, vector<1x16xf32>,
      %broadcast_in_dim3A_118 = arith.constant 0.000000e+00 : f32
      %broadcast_in_dim3A_119 = vector.broadcast %broadcast_in_dim3A_118 : f32 to vector<16xf32>
      %swap3A_120 = arith.index_cast %scan3A_35 : i32 to index
      %swap3A_121 = arith.constant 96 : index
      %swap3A_122 = tpu.vector_load %arg4[%swap3A_120, %swap3A_121] {strides = array<i32>} : memref<128x128xf32, #tpu.memory_space<vmem>>, vector<1x16xf32>,
      %swap3A_123 = vector.shape_cast %swap3A_122 : vector<1x16xf32> to vector<16xf32>
      %swap3A_124 = vector.shape_cast %broadcast_in_dim3A_119 : vector<16xf32> to vector<1x16xf32>
      tpu.vector_store %arg4[%swap3A_120, %swap3A_121], %swap3A_124 {strides = array<i32>} : memref<128x128xf32, #tpu.memory_space<vmem>>, vector<1x16xf32>,
      %broadcast_in_dim3A_125 = arith.constant 1.000000e+00 : f32
      %broadcast_in_dim3A_126 = vector.broadcast %broadcast_in_dim3A_125 : f32 to vector<16xf32>
      %swap3A_127 = arith.index_cast %scan3A_35 : i32 to index
      %swap3A_128 = arith.constant 96 : index
      %swap3A_129 = tpu.vector_load %arg5[%swap3A_127, %swap3A_128] {strides = array<i32>} : memref<128x128xf32, #tpu.memory_space<vmem>>, vector<1x16xf32>,
      %swap3A_130 = vector.shape_cast %swap3A_129 : vector<1x16xf32> to vector<16xf32>
      %swap3A_131 = vector.shape_cast %broadcast_in_dim3A_126 : vector<16xf32> to vector<1x16xf32>
      tpu.vector_store %arg5[%swap3A_127, %swap3A_128], %swap3A_131 {strides = array<i32>} : memref<128x128xf32, #tpu.memory_space<vmem>>, vector<1x16xf32>,
      %broadcast_in_dim3A_132 = arith.constant 0.000000e+00 : f32
      %broadcast_in_dim3A_133 = vector.broadcast %broadcast_in_dim3A_132 : f32 to vector<16xf32>
      %swap3A_134 = arith.index_cast %scan3A_35 : i32 to index
      %swap3A_135 = arith.constant 112 : index
      %swap3A_136 = tpu.vector_load %arg4[%swap3A_134, %swap3A_135] {strides = array<i32>} : memref<128x128xf32, #tpu.memory_space<vmem>>, vector<1x16xf32>,
      %swap3A_137 = vector.shape_cast %swap3A_136 : vector<1x16xf32> to vector<16xf32>
      %swap3A_138 = vector.shape_cast %broadcast_in_dim3A_133 : vector<16xf32> to vector<1x16xf32>
      tpu.vector_store %arg4[%swap3A_134, %swap3A_135], %swap3A_138 {strides = array<i32>} : memref<128x128xf32, #tpu.memory_space<vmem>>, vector<1x16xf32>,
      %broadcast_in_dim3A_139 = arith.constant 1.000000e+00 : f32
      %broadcast_in_dim3A_140 = vector.broadcast %broadcast_in_dim3A_139 : f32 to vector<16xf32>
      %swap3A_141 = arith.index_cast %scan3A_35 : i32 to index
      %swap3A_142 = arith.constant 112 : index
      %swap3A_143 = tpu.vector_load %arg5[%swap3A_141, %swap3A_142] {strides = array<i32>} : memref<128x128xf32, #tpu.memory_space<vmem>>, vector<1x16xf32>,
      %swap3A_144 = vector.shape_cast %swap3A_143 : vector<1x16xf32> to vector<16xf32>
      %swap3A_145 = vector.shape_cast %broadcast_in_dim3A_140 : vector<16xf32> to vector<1x16xf32>
      tpu.vector_store %arg5[%swap3A_141, %swap3A_142], %swap3A_145 {strides = array<i32>} : memref<128x128xf32, #tpu.memory_space<vmem>>, vector<1x16xf32>,
    }
    %scan3A_4 = arith.constant 128 : i32
    %mul3A_5 = arith.constant 80 : i32
    %mul3A_6 = arith.muli %add3A, %mul3A_5 : i32
    %dma_start3A = arith.constant 0 : i32
    %dma_start3A_7 = tpu.memref_slice %arg2[%mul3A_6, %dma_start3A] : memref<2688x128xi32, #tpu.memory_space<hbm>> -> memref<80x128xi32, #tpu.memory_space<hbm>>
    %dma_start3A_8 = arith.constant 0 : i32
    %dma_start3A_9 = tpu.memref_slice %arg2[%mul3A_6, %dma_start3A_8] : memref<2688x128xi32, #tpu.memory_space<hbm>> -> memref<80x128xi32, #tpu.memory_space<hbm>>
    tpu.enqueue_dma source(%dma_start3A_9 : memref<80x128xi32, #tpu.memory_space<hbm>>) target(%arg6 : memref<80x128xi32, #tpu.memory_space<vmem>>) target_semaphore(%arg8 : memref<!tpu.dma_semaphore, #tpu.memory_space<semaphore_mem>>)
    %scan3A_10 = arith.constant 0 : i32
    %scan3A_11 = arith.constant 4 : i32
    %scan3A_12 = arith.addi %scan3A_10, %scan3A_11 : i32
    %scan3A_13 = arith.constant 1 : i32
    scf.for %scan3A_35 = %scan3A_10 to %scan3A_12 step %scan3A_13  : i32 {
      %mul3A_36 = arith.constant 632 : i32
      %mul3A_37 = arith.muli %arg1, %mul3A_36 : i32
      %mul3A_38 = arith.constant 128 : i32
      %mul3A_39 = arith.muli %scan3A_35, %mul3A_38 : i32
      %add3A_40 = arith.addi %mul3A_37, %mul3A_39 : i32
      "tpu.region"() ({
        %run_scoped3A = tpu.sem_alloc : memref<!tpu.dma_semaphore, #tpu.memory_space<semaphore_mem>>
        %dma_start3A_41 = arith.constant 0 : i32
        %dma_start3A_42 = tpu.memref_slice %arg7[%add3A_40, %dma_start3A_41] : memref<10112x128xf32, #tpu.memory_space<vmem_shared>> -> memref<128x128xf32, #tpu.memory_space<vmem_shared>>
        %dma_start3A_43 = arith.constant 0 : i32
        %dma_start3A_44 = tpu.memref_slice %arg7[%add3A_40, %dma_start3A_43] : memref<10112x128xf32, #tpu.memory_space<vmem_shared>> -> memref<128x128xf32, #tpu.memory_space<vmem_shared>>
        tpu.enqueue_dma source(%arg4 : memref<128x128xf32, #tpu.memory_space<vmem>>) target(%dma_start3A_44 : memref<128x128xf32, #tpu.memory_space<vmem_shared>>) target_semaphore(%run_scoped3A : memref<!tpu.dma_semaphore, #tpu.memory_space<semaphore_mem>>)
        %dma_wait3A_45 = arith.constant 0 : i32
        %dma_wait3A_46 = tpu.memref_slice %arg7[%add3A_40, %dma_wait3A_45] : memref<10112x128xf32, #tpu.memory_space<vmem_shared>> -> memref<128x128xf32, #tpu.memory_space<vmem_shared>>
        %dma_wait3A_47 = arith.constant 0 : i32
        %dma_wait3A_48 = tpu.memref_slice %arg7[%add3A_40, %dma_wait3A_47] : memref<10112x128xf32, #tpu.memory_space<vmem_shared>> -> memref<128x128xf32, #tpu.memory_space<vmem_shared>>
        tpu.wait_dma2 semaphore(%run_scoped3A : memref<!tpu.dma_semaphore, #tpu.memory_space<semaphore_mem>>) src(%arg4 : memref<128x128xf32, #tpu.memory_space<vmem>>) dst(%dma_wait3A_48 : memref<128x128xf32, #tpu.memory_space<vmem_shared>>)
        tpu.yield
      }) : () -> ()
    }
    %scan3A_14 = arith.constant 4 : i32
    %mul3A_15 = arith.constant 632 : i32
    %mul3A_16 = arith.muli %arg1, %mul3A_15 : i32
    %add3A_17 = arith.constant 632 : i32
    %add3A_18 = arith.addi %mul3A_16, %add3A_17 : i32
    %sub3A = arith.constant 120 : i32
    %sub3A_19 = arith.subi %add3A_18, %sub3A : i32
    "tpu.region"() ({
      %run_scoped3A = tpu.sem_alloc : memref<!tpu.dma_semaphore, #tpu.memory_space<semaphore_mem>>
      %dma_start3A_35 = arith.constant 0 : i32
      %dma_start3A_36 = arith.constant 0 : i32
      %dma_start3A_37 = tpu.memref_slice %arg4[%dma_start3A_35, %dma_start3A_36] : memref<128x128xf32, #tpu.memory_space<vmem>> -> memref<120x128xf32, #tpu.memory_space<vmem>>
      %dma_start3A_38 = arith.constant 0 : i32
      %dma_start3A_39 = tpu.memref_slice %arg7[%sub3A_19, %dma_start3A_38] : memref<10112x128xf32, #tpu.memory_space<vmem_shared>> -> memref<120x128xf32, #tpu.memory_space<vmem_shared>>
      %dma_start3A_40 = arith.constant 0 : i32
      %dma_start3A_41 = tpu.memref_slice %arg7[%sub3A_19, %dma_start3A_40] : memref<10112x128xf32, #tpu.memory_space<vmem_shared>> -> memref<120x128xf32, #tpu.memory_space<vmem_shared>>
      %dma_start3A_42 = arith.constant 0 : i32
      %dma_start3A_43 = arith.constant 0 : i32
      %dma_start3A_44 = tpu.memref_slice %arg4[%dma_start3A_42, %dma_start3A_43] : memref<128x128xf32, #tpu.memory_space<vmem>> -> memref<120x128xf32, #tpu.memory_space<vmem>>
      tpu.enqueue_dma source(%dma_start3A_44 : memref<120x128xf32, #tpu.memory_space<vmem>>) target(%dma_start3A_41 : memref<120x128xf32, #tpu.memory_space<vmem_shared>>) target_semaphore(%run_scoped3A : memref<!tpu.dma_semaphore, #tpu.memory_space<semaphore_mem>>)
      %dma_wait3A_45 = arith.constant 0 : i32
      %dma_wait3A_46 = arith.constant 0 : i32
      %dma_wait3A_47 = tpu.memref_slice %arg4[%dma_wait3A_45, %dma_wait3A_46] : memref<128x128xf32, #tpu.memory_space<vmem>> -> memref<120x128xf32, #tpu.memory_space<vmem>>
      %dma_wait3A_48 = arith.constant 0 : i32
      %dma_wait3A_49 = tpu.memref_slice %arg7[%sub3A_19, %dma_wait3A_48] : memref<10112x128xf32, #tpu.memory_space<vmem_shared>> -> memref<120x128xf32, #tpu.memory_space<vmem_shared>>
      %dma_wait3A_50 = arith.constant 0 : i32
      %dma_wait3A_51 = tpu.memref_slice %arg7[%sub3A_19, %dma_wait3A_50] : memref<10112x128xf32, #tpu.memory_space<vmem_shared>> -> memref<120x128xf32, #tpu.memory_space<vmem_shared>>
      %dma_wait3A_52 = arith.constant 0 : i32
      %dma_wait3A_53 = arith.constant 0 : i32
      %dma_wait3A_54 = tpu.memref_slice %arg4[%dma_wait3A_52, %dma_wait3A_53] : memref<128x128xf32, #tpu.memory_space<vmem>> -> memref<120x128xf32, #tpu.memory_space<vmem>>
      tpu.wait_dma2 semaphore(%run_scoped3A : memref<!tpu.dma_semaphore, #tpu.memory_space<semaphore_mem>>) src(%dma_wait3A_54 : memref<120x128xf32, #tpu.memory_space<vmem>>) dst(%dma_wait3A_51 : memref<120x128xf32, #tpu.memory_space<vmem_shared>>)
      tpu.yield
    }) : () -> ()
    %mul3A_20 = arith.constant 80 : i32
    %mul3A_21 = arith.muli %add3A, %mul3A_20 : i32
    %dma_wait3A = arith.constant 0 : i32
    %dma_wait3A_22 = tpu.memref_slice %arg2[%mul3A_21, %dma_wait3A] : memref<2688x128xi32, #tpu.memory_space<hbm>> -> memref<80x128xi32, #tpu.memory_space<hbm>>
    %dma_wait3A_23 = arith.constant 0 : i32
    %dma_wait3A_24 = tpu.memref_slice %arg2[%mul3A_21, %dma_wait3A_23] : memref<2688x128xi32, #tpu.memory_space<hbm>> -> memref<80x128xi32, #tpu.memory_space<hbm>>
    tpu.wait_dma2 semaphore(%arg8 : memref<!tpu.dma_semaphore, #tpu.memory_space<semaphore_mem>>) src(%dma_wait3A_24 : memref<80x128xi32, #tpu.memory_space<hbm>>) dst(%arg6 : memref<80x128xi32, #tpu.memory_space<vmem>>)
    %barrier3A = arith.constant 0 : index
    tpu.barrier barrier_id(%barrier3A)
    %scan3A_25 = arith.constant 0 : i32
    %scan3A_26 = arith.constant 80 : i32
    %scan3A_27 = arith.addi %scan3A_25, %scan3A_26 : i32
    %scan3A_28 = arith.constant 1 : i32
    scf.for %scan3A_35 = %scan3A_25 to %scan3A_27 step %scan3A_28  : i32 {
      "tpu.region"() ({
        %run_scoped3A = tpu.sem_alloc : memref<!tpu.dma_semaphore, #tpu.memory_space<semaphore_mem>>
        %dma_start3A_36 = arith.constant 0 : i32
        %dma_start3A_37 = tpu.memref_slice %arg6[%scan3A_35, %dma_start3A_36] : memref<80x128xi32, #tpu.memory_space<vmem>> -> memref<1x128xi32, #tpu.memory_space<vmem>>
        %dma_start3A_38 = tpu.memref_squeeze %dma_start3A_37 : memref<1x128xi32, #tpu.memory_space<vmem>> -> memref<128xi32, #tpu.memory_space<vmem>>
        %dma_start3A_39 = arith.constant 0 : i32
        %dma_start3A_40 = arith.constant 0 : i32
        %dma_start3A_41 = tpu.memref_slice %arg7[%dma_start3A_39, %dma_start3A_40] : memref<10112x128xf32, #tpu.memory_space<vmem_shared>> -> memref<10112x128xf32, #tpu.memory_space<vmem_shared>>
        tpu.enqueue_indirect_dma source(%arg5 : memref<128x128xf32, #tpu.memory_space<vmem>>) target(%dma_start3A_41 : memref<10112x128xf32, #tpu.memory_space<vmem_shared>>) offsets(%dma_start3A_38 : memref<128xi32, #tpu.memory_space<vmem>>) semaphore(%run_scoped3A : memref<!tpu.dma_semaphore, #tpu.memory_space<semaphore_mem>>) {add = true}
        %dma_wait3A_42 = arith.constant 0 : i32
        %dma_wait3A_43 = tpu.memref_slice %arg6[%scan3A_35, %dma_wait3A_42] : memref<80x128xi32, #tpu.memory_space<vmem>> -> memref<1x128xi32, #tpu.memory_space<vmem>>
        %dma_wait3A_44 = tpu.memref_squeeze %dma_wait3A_43 : memref<1x128xi32, #tpu.memory_space<vmem>> -> memref<128xi32, #tpu.memory_space<vmem>>
        %dma_wait3A_45 = arith.constant 0 : i32
        %dma_wait3A_46 = arith.constant 0 : i32
        %dma_wait3A_47 = tpu.memref_slice %arg7[%dma_wait3A_45, %dma_wait3A_46] : memref<10112x128xf32, #tpu.memory_space<vmem_shared>> -> memref<10112x128xf32, #tpu.memory_space<vmem_shared>>
        tpu.wait_indirect_dma semaphore(%run_scoped3A : memref<!tpu.dma_semaphore, #tpu.memory_space<semaphore_mem>>) src(%arg5 : memref<128x128xf32, #tpu.memory_space<vmem>>) dst(%dma_wait3A_47 : memref<10112x128xf32, #tpu.memory_space<vmem_shared>>)
        tpu.yield
      }) : () -> ()
    }
    %scan3A_29 = arith.constant 80 : i32
    %barrier3A_30 = arith.constant 0 : index
    tpu.barrier barrier_id(%barrier3A_30)
    %mul3A_31 = arith.constant 632 : i32
    %mul3A_32 = arith.muli %arg1, %mul3A_31 : i32
    %mul3A_33 = arith.constant 632 : i32
    %mul3A_34 = arith.muli %arg1, %mul3A_33 : i32
    "tpu.region"() ({
      %run_scoped3A = tpu.sem_alloc : memref<!tpu.dma_semaphore, #tpu.memory_space<semaphore_mem>>
      %dma_start3A_35 = arith.constant 0 : i32
      %dma_start3A_36 = tpu.memref_slice %arg3[%arg0, %mul3A_34, %dma_start3A_35] : memref<2x10112x128xf32, #tpu.memory_space<hbm>> -> memref<1x632x128xf32, #tpu.memory_space<hbm>>
      %dma_start3A_37 = tpu.memref_squeeze %dma_start3A_36 : memref<1x632x128xf32, #tpu.memory_space<hbm>> -> memref<632x128xf32, #tpu.memory_space<hbm>>
      %dma_start3A_38 = arith.constant 0 : i32
      %dma_start3A_39 = tpu.memref_slice %arg7[%mul3A_32, %dma_start3A_38] : memref<10112x128xf32, #tpu.memory_space<vmem_shared>> -> memref<632x128xf32, #tpu.memory_space<vmem_shared>>
      tpu.enqueue_dma source(%dma_start3A_39 : memref<632x128xf32, #tpu.memory_space<vmem_shared>>) target(%dma_start3A_37 : memref<632x128xf32, #tpu.memory_space<hbm>>) target_semaphore(%run_scoped3A : memref<!tpu.dma_semaphore, #tpu.memory_space<semaphore_mem>>)
      %dma_wait3A_40 = arith.constant 0 : i32
      %dma_wait3A_41 = tpu.memref_slice %arg3[%arg0, %mul3A_34, %dma_wait3A_40] : memref<2x10112x128xf32, #tpu.memory_space<hbm>> -> memref<1x632x128xf32, #tpu.memory_space<hbm>>
      %dma_wait3A_42 = tpu.memref_squeeze %dma_wait3A_41 : memref<1x632x128xf32, #tpu.memory_space<hbm>> -> memref<632x128xf32, #tpu.memory_space<hbm>>
      %dma_wait3A_43 = arith.constant 0 : i32
      %dma_wait3A_44 = tpu.memref_slice %arg7[%mul3A_32, %dma_wait3A_43] : memref<10112x128xf32, #tpu.memory_space<vmem_shared>> -> memref<632x128xf32, #tpu.memory_space<vmem_shared>>
      tpu.wait_dma2 semaphore(%run_scoped3A : memref<!tpu.dma_semaphore, #tpu.memory_space<semaphore_mem>>) src(%dma_wait3A_44 : memref<632x128xf32, #tpu.memory_space<vmem_shared>>) dst(%dma_wait3A_42 : memref<632x128xf32, #tpu.memory_space<hbm>>)
      tpu.yield
    }) : () -> ()
    return
  }
}

#map = affine_map<(d0, d1) -> (0, 0)>
#map1 = affine_map<(d0, d1) -> (0, 0, 0)>
module attributes {stable_mosaic.version = 14 : i64} {
  func.func @_scatter_kernel(%arg0: i32, %arg1: i32, %arg2: memref<10000x128xf32, #tpu.memory_space<hbm>>, %arg3: memref<2688x128xi32, #tpu.memory_space<hbm>>, %arg4: memref<2688x128xi32, #tpu.memory_space<hbm>>, %arg5: memref<2x10112x128xf32, #tpu.memory_space<hbm>>, %arg6: memref<128x128xf32, #tpu.memory_space<vmem>>, %arg7: memref<128x128xf32, #tpu.memory_space<vmem>>, %arg8: memref<128x128xi32, #tpu.memory_space<vmem>>, %arg9: memref<128xi32, #tpu.memory_space<vmem>>, %arg10: memref<128xi32, #tpu.memory_space<vmem>>, %arg11: memref<10112x128xf32, #tpu.memory_space<vmem_shared>>, %arg12: memref<!tpu.dma_semaphore, #tpu.memory_space<semaphore_mem>>, %arg13: memref<!tpu.dma_semaphore, #tpu.memory_space<semaphore_mem>>, %arg14: memref<!tpu.dma_semaphore, #tpu.memory_space<semaphore_mem>>, %arg15: memref<!tpu.dma_semaphore, #tpu.memory_space<semaphore_mem>>) attributes {dimension_semantics = [#tpu.dimension_semantics<core_parallel>, #tpu.dimension_semantics<subcore_parallel>], iteration_bounds = array<i64: 2, 16>, scalar_prefetch = 0 : i64, scratch_operands = 10 : i64, tpu.core_type = #tpu.core_type<sc_vector_subcore>, window_params = [{transform_indices = #map}, {transform_indices = #map}, {transform_indices = #map}, {transform_indices = #map1}]} {
    %eq3A = arith.constant 0 : i32
    %eq3A_0 = arith.cmpi eq, %arg0, %eq3A : i32
    %jit3A = arith.constant 128 : i32
    %jit3A_1 = arith.constant 32 : i32
    %select_n3A = arith.select %eq3A_0, %jit3A, %jit3A_1 : i32
    %eq3A_2 = arith.constant 0 : i32
    %eq3A_3 = arith.cmpi eq, %arg0, %eq3A_2 : i32
    %mul3A = arith.constant 128 : i32
    %mul3A_4 = arith.muli %arg1, %mul3A : i32
    %mul3A_5 = arith.constant 32 : i32
    %mul3A_6 = arith.muli %arg1, %mul3A_5 : i32
    %add3A = arith.constant 2048 : i32
    %add3A_7 = arith.addi %add3A, %mul3A_6 : i32
    %select_n3A_8 = arith.select %eq3A_3, %mul3A_4, %add3A_7 : i32
    %jit3A_9 = arith.constant 2 : i32
    %div3A = arith.divsi %select_n3A, %jit3A_9 : i32
    %sign3A = arith.constant 0 : i32
    %sign3A_10 = arith.cmpi sgt, %select_n3A, %sign3A : i32
    %sign3A_11 = arith.extui %sign3A_10 : i1 to i32
    %sign3A_12 = arith.constant 0 : i32
    %sign3A_13 = arith.cmpi slt, %select_n3A, %sign3A_12 : i32
    %sign3A_14 = arith.extui %sign3A_13 : i1 to i32
    %sign3A_15 = arith.subi %sign3A_11, %sign3A_14 : i32
    %sign3A_16 = arith.constant 0 : i32
    %sign3A_17 = arith.cmpi sgt, %jit3A_9, %sign3A_16 : i32
    %sign3A_18 = arith.extui %sign3A_17 : i1 to i32
    %sign3A_19 = arith.constant 0 : i32
    %sign3A_20 = arith.cmpi slt, %jit3A_9, %sign3A_19 : i32
    %sign3A_21 = arith.extui %sign3A_20 : i1 to i32
    %sign3A_22 = arith.subi %sign3A_18, %sign3A_21 : i32
    %ne3A = arith.cmpi ne, %sign3A_15, %sign3A_22 : i32
    %rem3A = arith.remsi %select_n3A, %jit3A_9 : i32
    %ne3A_23 = arith.constant 0 : i32
    %ne3A_24 = arith.cmpi ne, %rem3A, %ne3A_23 : i32
    %and3A = arith.andi %ne3A, %ne3A_24 : i1
    %sub3A = arith.constant 1 : i32
    %sub3A_25 = arith.subi %div3A, %sub3A : i32
    %select_n3A_26 = arith.select %and3A, %sub3A_25, %div3A : i32
    %dma_start3A = arith.constant 0 : i32
    %dma_start3A_27 = tpu.memref_slice %arg3[%select_n3A_8, %dma_start3A] : memref<2688x128xi32, #tpu.memory_space<hbm>> -> memref<128x128xi32, #tpu.memory_space<hbm>>
    %dma_start3A_28 = arith.constant 0 : i32
    %dma_start3A_29 = tpu.memref_slice %arg3[%select_n3A_8, %dma_start3A_28] : memref<2688x128xi32, #tpu.memory_space<hbm>> -> memref<128x128xi32, #tpu.memory_space<hbm>>
    tpu.enqueue_dma source(%dma_start3A_29 : memref<128x128xi32, #tpu.memory_space<hbm>>) target(%arg8 : memref<128x128xi32, #tpu.memory_space<vmem>>) target_semaphore(%arg12 : memref<!tpu.dma_semaphore, #tpu.memory_space<semaphore_mem>>)
    %scan3A = arith.constant 0 : i32
    %scan3A_30 = arith.constant 128 : i32
    %scan3A_31 = arith.addi %scan3A, %scan3A_30 : i32
    %scan3A_32 = arith.constant 1 : i32
    scf.for %scan3A_63 = %scan3A to %scan3A_31 step %scan3A_32  : i32 {
      %broadcast_in_dim3A = arith.constant 0.000000e+00 : f32
      %broadcast_in_dim3A_64 = vector.broadcast %broadcast_in_dim3A : f32 to vector<16xf32>
      %swap3A = arith.index_cast %scan3A_63 : i32 to index
      %swap3A_65 = arith.constant 0 : index
      %swap3A_66 = tpu.vector_load %arg6[%swap3A, %swap3A_65] {strides = array<i32>} : memref<128x128xf32, #tpu.memory_space<vmem>>, vector<1x16xf32>,
      %swap3A_67 = vector.shape_cast %swap3A_66 : vector<1x16xf32> to vector<16xf32>
      %swap3A_68 = vector.shape_cast %broadcast_in_dim3A_64 : vector<16xf32> to vector<1x16xf32>
      tpu.vector_store %arg6[%swap3A, %swap3A_65], %swap3A_68 {strides = array<i32>} : memref<128x128xf32, #tpu.memory_space<vmem>>, vector<1x16xf32>,
      %broadcast_in_dim3A_69 = arith.constant 0.000000e+00 : f32
      %broadcast_in_dim3A_70 = vector.broadcast %broadcast_in_dim3A_69 : f32 to vector<16xf32>
      %swap3A_71 = arith.index_cast %scan3A_63 : i32 to index
      %swap3A_72 = arith.constant 16 : index
      %swap3A_73 = tpu.vector_load %arg6[%swap3A_71, %swap3A_72] {strides = array<i32>} : memref<128x128xf32, #tpu.memory_space<vmem>>, vector<1x16xf32>,
      %swap3A_74 = vector.shape_cast %swap3A_73 : vector<1x16xf32> to vector<16xf32>
      %swap3A_75 = vector.shape_cast %broadcast_in_dim3A_70 : vector<16xf32> to vector<1x16xf32>
      tpu.vector_store %arg6[%swap3A_71, %swap3A_72], %swap3A_75 {strides = array<i32>} : memref<128x128xf32, #tpu.memory_space<vmem>>, vector<1x16xf32>,
      %broadcast_in_dim3A_76 = arith.constant 0.000000e+00 : f32
      %broadcast_in_dim3A_77 = vector.broadcast %broadcast_in_dim3A_76 : f32 to vector<16xf32>
      %swap3A_78 = arith.index_cast %scan3A_63 : i32 to index
      %swap3A_79 = arith.constant 32 : index
      %swap3A_80 = tpu.vector_load %arg6[%swap3A_78, %swap3A_79] {strides = array<i32>} : memref<128x128xf32, #tpu.memory_space<vmem>>, vector<1x16xf32>,
      %swap3A_81 = vector.shape_cast %swap3A_80 : vector<1x16xf32> to vector<16xf32>
      %swap3A_82 = vector.shape_cast %broadcast_in_dim3A_77 : vector<16xf32> to vector<1x16xf32>
      tpu.vector_store %arg6[%swap3A_78, %swap3A_79], %swap3A_82 {strides = array<i32>} : memref<128x128xf32, #tpu.memory_space<vmem>>, vector<1x16xf32>,
      %broadcast_in_dim3A_83 = arith.constant 0.000000e+00 : f32
      %broadcast_in_dim3A_84 = vector.broadcast %broadcast_in_dim3A_83 : f32 to vector<16xf32>
      %swap3A_85 = arith.index_cast %scan3A_63 : i32 to index
      %swap3A_86 = arith.constant 48 : index
      %swap3A_87 = tpu.vector_load %arg6[%swap3A_85, %swap3A_86] {strides = array<i32>} : memref<128x128xf32, #tpu.memory_space<vmem>>, vector<1x16xf32>,
      %swap3A_88 = vector.shape_cast %swap3A_87 : vector<1x16xf32> to vector<16xf32>
      %swap3A_89 = vector.shape_cast %broadcast_in_dim3A_84 : vector<16xf32> to vector<1x16xf32>
      tpu.vector_store %arg6[%swap3A_85, %swap3A_86], %swap3A_89 {strides = array<i32>} : memref<128x128xf32, #tpu.memory_space<vmem>>, vector<1x16xf32>,
      %broadcast_in_dim3A_90 = arith.constant 0.000000e+00 : f32
      %broadcast_in_dim3A_91 = vector.broadcast %broadcast_in_dim3A_90 : f32 to vector<16xf32>
      %swap3A_92 = arith.index_cast %scan3A_63 : i32 to index
      %swap3A_93 = arith.constant 64 : index
      %swap3A_94 = tpu.vector_load %arg6[%swap3A_92, %swap3A_93] {strides = array<i32>} : memref<128x128xf32, #tpu.memory_space<vmem>>, vector<1x16xf32>,
      %swap3A_95 = vector.shape_cast %swap3A_94 : vector<1x16xf32> to vector<16xf32>
      %swap3A_96 = vector.shape_cast %broadcast_in_dim3A_91 : vector<16xf32> to vector<1x16xf32>
      tpu.vector_store %arg6[%swap3A_92, %swap3A_93], %swap3A_96 {strides = array<i32>} : memref<128x128xf32, #tpu.memory_space<vmem>>, vector<1x16xf32>,
      %broadcast_in_dim3A_97 = arith.constant 0.000000e+00 : f32
      %broadcast_in_dim3A_98 = vector.broadcast %broadcast_in_dim3A_97 : f32 to vector<16xf32>
      %swap3A_99 = arith.index_cast %scan3A_63 : i32 to index
      %swap3A_100 = arith.constant 80 : index
      %swap3A_101 = tpu.vector_load %arg6[%swap3A_99, %swap3A_100] {strides = array<i32>} : memref<128x128xf32, #tpu.memory_space<vmem>>, vector<1x16xf32>,
      %swap3A_102 = vector.shape_cast %swap3A_101 : vector<1x16xf32> to vector<16xf32>
      %swap3A_103 = vector.shape_cast %broadcast_in_dim3A_98 : vector<16xf32> to vector<1x16xf32>
      tpu.vector_store %arg6[%swap3A_99, %swap3A_100], %swap3A_103 {strides = array<i32>} : memref<128x128xf32, #tpu.memory_space<vmem>>, vector<1x16xf32>,
      %broadcast_in_dim3A_104 = arith.constant 0.000000e+00 : f32
      %broadcast_in_dim3A_105 = vector.broadcast %broadcast_in_dim3A_104 : f32 to vector<16xf32>
      %swap3A_106 = arith.index_cast %scan3A_63 : i32 to index
      %swap3A_107 = arith.constant 96 : index
      %swap3A_108 = tpu.vector_load %arg6[%swap3A_106, %swap3A_107] {strides = array<i32>} : memref<128x128xf32, #tpu.memory_space<vmem>>, vector<1x16xf32>,
      %swap3A_109 = vector.shape_cast %swap3A_108 : vector<1x16xf32> to vector<16xf32>
      %swap3A_110 = vector.shape_cast %broadcast_in_dim3A_105 : vector<16xf32> to vector<1x16xf32>
      tpu.vector_store %arg6[%swap3A_106, %swap3A_107], %swap3A_110 {strides = array<i32>} : memref<128x128xf32, #tpu.memory_space<vmem>>, vector<1x16xf32>,
      %broadcast_in_dim3A_111 = arith.constant 0.000000e+00 : f32
      %broadcast_in_dim3A_112 = vector.broadcast %broadcast_in_dim3A_111 : f32 to vector<16xf32>
      %swap3A_113 = arith.index_cast %scan3A_63 : i32 to index
      %swap3A_114 = arith.constant 112 : index
      %swap3A_115 = tpu.vector_load %arg6[%swap3A_113, %swap3A_114] {strides = array<i32>} : memref<128x128xf32, #tpu.memory_space<vmem>>, vector<1x16xf32>,
      %swap3A_116 = vector.shape_cast %swap3A_115 : vector<1x16xf32> to vector<16xf32>
      %swap3A_117 = vector.shape_cast %broadcast_in_dim3A_112 : vector<16xf32> to vector<1x16xf32>
      tpu.vector_store %arg6[%swap3A_113, %swap3A_114], %swap3A_117 {strides = array<i32>} : memref<128x128xf32, #tpu.memory_space<vmem>>, vector<1x16xf32>,
    }
    %scan3A_33 = arith.constant 128 : i32
    %scan3A_34 = arith.constant 0 : i32
    %scan3A_35 = arith.constant 4 : i32
    %scan3A_36 = arith.addi %scan3A_34, %scan3A_35 : i32
    %scan3A_37 = arith.constant 1 : i32
    scf.for %scan3A_63 = %scan3A_34 to %scan3A_36 step %scan3A_37  : i32 {
      %mul3A_64 = arith.constant 632 : i32
      %mul3A_65 = arith.muli %arg1, %mul3A_64 : i32
      %mul3A_66 = arith.constant 128 : i32
      %mul3A_67 = arith.muli %scan3A_63, %mul3A_66 : i32
      %add3A_68 = arith.addi %mul3A_65, %mul3A_67 : i32
      "tpu.region"() ({
        %run_scoped3A = tpu.sem_alloc : memref<!tpu.dma_semaphore, #tpu.memory_space<semaphore_mem>>
        %dma_start3A_69 = arith.constant 0 : i32
        %dma_start3A_70 = tpu.memref_slice %arg11[%add3A_68, %dma_start3A_69] : memref<10112x128xf32, #tpu.memory_space<vmem_shared>> -> memref<128x128xf32, #tpu.memory_space<vmem_shared>>
        %dma_start3A_71 = arith.constant 0 : i32
        %dma_start3A_72 = tpu.memref_slice %arg11[%add3A_68, %dma_start3A_71] : memref<10112x128xf32, #tpu.memory_space<vmem_shared>> -> memref<128x128xf32, #tpu.memory_space<vmem_shared>>
        tpu.enqueue_dma source(%arg6 : memref<128x128xf32, #tpu.memory_space<vmem>>) target(%dma_start3A_72 : memref<128x128xf32, #tpu.memory_space<vmem_shared>>) target_semaphore(%run_scoped3A : memref<!tpu.dma_semaphore, #tpu.memory_space<semaphore_mem>>)
        %dma_wait3A_73 = arith.constant 0 : i32
        %dma_wait3A_74 = tpu.memref_slice %arg11[%add3A_68, %dma_wait3A_73] : memref<10112x128xf32, #tpu.memory_space<vmem_shared>> -> memref<128x128xf32, #tpu.memory_space<vmem_shared>>
        %dma_wait3A_75 = arith.constant 0 : i32
        %dma_wait3A_76 = tpu.memref_slice %arg11[%add3A_68, %dma_wait3A_75] : memref<10112x128xf32, #tpu.memory_space<vmem_shared>> -> memref<128x128xf32, #tpu.memory_space<vmem_shared>>
        tpu.wait_dma2 semaphore(%run_scoped3A : memref<!tpu.dma_semaphore, #tpu.memory_space<semaphore_mem>>) src(%arg6 : memref<128x128xf32, #tpu.memory_space<vmem>>) dst(%dma_wait3A_76 : memref<128x128xf32, #tpu.memory_space<vmem_shared>>)
        tpu.yield
      }) : () -> ()
    }
    %scan3A_38 = arith.constant 4 : i32
    %mul3A_39 = arith.constant 632 : i32
    %mul3A_40 = arith.muli %arg1, %mul3A_39 : i32
    %add3A_41 = arith.constant 632 : i32
    %add3A_42 = arith.addi %mul3A_40, %add3A_41 : i32
    %sub3A_43 = arith.constant 120 : i32
    %sub3A_44 = arith.subi %add3A_42, %sub3A_43 : i32
    "tpu.region"() ({
      %run_scoped3A = tpu.sem_alloc : memref<!tpu.dma_semaphore, #tpu.memory_space<semaphore_mem>>
      %dma_start3A_63 = arith.constant 0 : i32
      %dma_start3A_64 = arith.constant 0 : i32
      %dma_start3A_65 = tpu.memref_slice %arg6[%dma_start3A_63, %dma_start3A_64] : memref<128x128xf32, #tpu.memory_space<vmem>> -> memref<120x128xf32, #tpu.memory_space<vmem>>
      %dma_start3A_66 = arith.constant 0 : i32
      %dma_start3A_67 = tpu.memref_slice %arg11[%sub3A_44, %dma_start3A_66] : memref<10112x128xf32, #tpu.memory_space<vmem_shared>> -> memref<120x128xf32, #tpu.memory_space<vmem_shared>>
      %dma_start3A_68 = arith.constant 0 : i32
      %dma_start3A_69 = tpu.memref_slice %arg11[%sub3A_44, %dma_start3A_68] : memref<10112x128xf32, #tpu.memory_space<vmem_shared>> -> memref<120x128xf32, #tpu.memory_space<vmem_shared>>
      %dma_start3A_70 = arith.constant 0 : i32
      %dma_start3A_71 = arith.constant 0 : i32
      %dma_start3A_72 = tpu.memref_slice %arg6[%dma_start3A_70, %dma_start3A_71] : memref<128x128xf32, #tpu.memory_space<vmem>> -> memref<120x128xf32, #tpu.memory_space<vmem>>
      tpu.enqueue_dma source(%dma_start3A_72 : memref<120x128xf32, #tpu.memory_space<vmem>>) target(%dma_start3A_69 : memref<120x128xf32, #tpu.memory_space<vmem_shared>>) target_semaphore(%run_scoped3A : memref<!tpu.dma_semaphore, #tpu.memory_space<semaphore_mem>>)
      %dma_wait3A_73 = arith.constant 0 : i32
      %dma_wait3A_74 = arith.constant 0 : i32
      %dma_wait3A_75 = tpu.memref_slice %arg6[%dma_wait3A_73, %dma_wait3A_74] : memref<128x128xf32, #tpu.memory_space<vmem>> -> memref<120x128xf32, #tpu.memory_space<vmem>>
      %dma_wait3A_76 = arith.constant 0 : i32
      %dma_wait3A_77 = tpu.memref_slice %arg11[%sub3A_44, %dma_wait3A_76] : memref<10112x128xf32, #tpu.memory_space<vmem_shared>> -> memref<120x128xf32, #tpu.memory_space<vmem_shared>>
      %dma_wait3A_78 = arith.constant 0 : i32
      %dma_wait3A_79 = tpu.memref_slice %arg11[%sub3A_44, %dma_wait3A_78] : memref<10112x128xf32, #tpu.memory_space<vmem_shared>> -> memref<120x128xf32, #tpu.memory_space<vmem_shared>>
      %dma_wait3A_80 = arith.constant 0 : i32
      %dma_wait3A_81 = arith.constant 0 : i32
      %dma_wait3A_82 = tpu.memref_slice %arg6[%dma_wait3A_80, %dma_wait3A_81] : memref<128x128xf32, #tpu.memory_space<vmem>> -> memref<120x128xf32, #tpu.memory_space<vmem>>
      tpu.wait_dma2 semaphore(%run_scoped3A : memref<!tpu.dma_semaphore, #tpu.memory_space<semaphore_mem>>) src(%dma_wait3A_82 : memref<120x128xf32, #tpu.memory_space<vmem>>) dst(%dma_wait3A_79 : memref<120x128xf32, #tpu.memory_space<vmem_shared>>)
      tpu.yield
    }) : () -> ()
    %dma_wait3A = arith.constant 0 : i32
    %dma_wait3A_45 = tpu.memref_slice %arg3[%select_n3A_8, %dma_wait3A] : memref<2688x128xi32, #tpu.memory_space<hbm>> -> memref<128x128xi32, #tpu.memory_space<hbm>>
    %dma_wait3A_46 = arith.constant 0 : i32
    %dma_wait3A_47 = tpu.memref_slice %arg3[%select_n3A_8, %dma_wait3A_46] : memref<2688x128xi32, #tpu.memory_space<hbm>> -> memref<128x128xi32, #tpu.memory_space<hbm>>
    tpu.wait_dma2 semaphore(%arg12 : memref<!tpu.dma_semaphore, #tpu.memory_space<semaphore_mem>>) src(%dma_wait3A_47 : memref<128x128xi32, #tpu.memory_space<hbm>>) dst(%arg8 : memref<128x128xi32, #tpu.memory_space<vmem>>)
    %barrier3A = arith.constant 0 : index
    tpu.barrier barrier_id(%barrier3A)
    %gt3A = arith.constant 0 : i32
    %gt3A_48 = arith.cmpi sgt, %select_n3A_26, %gt3A : i32
    %convert_element_type3A = arith.extui %gt3A_48 : i1 to i32
    %cond3A = arith.constant 0 : i32
    %cond3A_49 = arith.cmpi ne, %convert_element_type3A, %cond3A : i32
    scf.if %cond3A_49 {
      %dma_start3A_63 = arith.constant 0 : i32
      %dma_start3A_64 = arith.constant 0 : i32
      %dma_start3A_65 = tpu.memref_slice %arg8[%dma_start3A_63, %dma_start3A_64] : memref<128x128xi32, #tpu.memory_space<vmem>> -> memref<1x128xi32, #tpu.memory_space<vmem>>
      %dma_start3A_66 = tpu.memref_squeeze %dma_start3A_65 : memref<1x128xi32, #tpu.memory_space<vmem>> -> memref<128xi32, #tpu.memory_space<vmem>>
      %dma_start3A_67 = arith.constant 0 : i32
      %dma_start3A_68 = arith.constant 0 : i32
      %dma_start3A_69 = tpu.memref_slice %arg2[%dma_start3A_67, %dma_start3A_68] : memref<10000x128xf32, #tpu.memory_space<hbm>> -> memref<10000x128xf32, #tpu.memory_space<hbm>>
      tpu.enqueue_indirect_dma source(%dma_start3A_69 : memref<10000x128xf32, #tpu.memory_space<hbm>>) target(%arg6 : memref<128x128xf32, #tpu.memory_space<vmem>>) offsets(%dma_start3A_66 : memref<128xi32, #tpu.memory_space<vmem>>) semaphore(%arg12 : memref<!tpu.dma_semaphore, #tpu.memory_space<semaphore_mem>>)
      %dma_start3A_70 = arith.constant 0 : i32
      %dma_start3A_71 = tpu.memref_slice %arg4[%select_n3A_8, %dma_start3A_70] : memref<2688x128xi32, #tpu.memory_space<hbm>> -> memref<1x128xi32, #tpu.memory_space<hbm>>
      %dma_start3A_72 = tpu.memref_squeeze %dma_start3A_71 : memref<1x128xi32, #tpu.memory_space<hbm>> -> memref<128xi32, #tpu.memory_space<hbm>>
      %dma_start3A_73 = arith.constant 0 : i32
      %dma_start3A_74 = tpu.memref_slice %arg4[%select_n3A_8, %dma_start3A_73] : memref<2688x128xi32, #tpu.memory_space<hbm>> -> memref<1x128xi32, #tpu.memory_space<hbm>>
      %dma_start3A_75 = tpu.memref_squeeze %dma_start3A_74 : memref<1x128xi32, #tpu.memory_space<hbm>> -> memref<128xi32, #tpu.memory_space<hbm>>
      tpu.enqueue_dma source(%dma_start3A_75 : memref<128xi32, #tpu.memory_space<hbm>>) target(%arg9 : memref<128xi32, #tpu.memory_space<vmem>>) target_semaphore(%arg14 : memref<!tpu.dma_semaphore, #tpu.memory_space<semaphore_mem>>)
      %add3A_76 = arith.constant 1 : i32
      %add3A_77 = arith.addi %select_n3A_8, %add3A_76 : i32
      %dma_start3A_78 = arith.constant 0 : i32
      %dma_start3A_79 = tpu.memref_slice %arg4[%add3A_77, %dma_start3A_78] : memref<2688x128xi32, #tpu.memory_space<hbm>> -> memref<1x128xi32, #tpu.memory_space<hbm>>
      %dma_start3A_80 = tpu.memref_squeeze %dma_start3A_79 : memref<1x128xi32, #tpu.memory_space<hbm>> -> memref<128xi32, #tpu.memory_space<hbm>>
      %dma_start3A_81 = arith.constant 0 : i32
      %dma_start3A_82 = tpu.memref_slice %arg4[%add3A_77, %dma_start3A_81] : memref<2688x128xi32, #tpu.memory_space<hbm>> -> memref<1x128xi32, #tpu.memory_space<hbm>>
      %dma_start3A_83 = tpu.memref_squeeze %dma_start3A_82 : memref<1x128xi32, #tpu.memory_space<hbm>> -> memref<128xi32, #tpu.memory_space<hbm>>
      tpu.enqueue_dma source(%dma_start3A_83 : memref<128xi32, #tpu.memory_space<hbm>>) target(%arg10 : memref<128xi32, #tpu.memory_space<vmem>>) target_semaphore(%arg15 : memref<!tpu.dma_semaphore, #tpu.memory_space<semaphore_mem>>)
    } else {
    }
    %while3A = arith.constant 0 : i32
    %while3A_50 = arith.subi %select_n3A_26, %while3A : i32
    %while3A_51 = arith.addi %while3A, %while3A_50 : i32
    %while3A_52 = arith.constant 1 : i32
    %while3A_53 = arith.divsi %while3A_50, %while3A_52 : i32
    %while3A_54 = arith.muli %while3A_53, %while3A_52 : i32
    %while3A_55 = arith.addi %while3A, %while3A_54 : i32
    %while3A_56 = arith.constant 1 : i32
    scf.for %while3A_63 = %while3A to %while3A_55 step %while3A_56  : i32 {
      %sub3A_64 = arith.constant 1 : i32
      %sub3A_65 = arith.subi %select_n3A_26, %sub3A_64 : i32
      %ge3A = arith.cmpi sge, %while3A_63, %sub3A_65 : i32
      %dma_wait3A_66 = arith.constant 0 : i32
      %dma_wait3A_67 = arith.constant 0 : i32
      %dma_wait3A_68 = tpu.memref_slice %arg2[%dma_wait3A_66, %dma_wait3A_67] : memref<10000x128xf32, #tpu.memory_space<hbm>> -> memref<128x128xf32, #tpu.memory_space<hbm>>
      %dma_wait3A_69 = arith.constant 0 : i32
      %dma_wait3A_70 = arith.constant 0 : i32
      %dma_wait3A_71 = tpu.memref_slice %arg2[%dma_wait3A_69, %dma_wait3A_70] : memref<10000x128xf32, #tpu.memory_space<hbm>> -> memref<128x128xf32, #tpu.memory_space<hbm>>
      tpu.wait_dma2 semaphore(%arg12 : memref<!tpu.dma_semaphore, #tpu.memory_space<semaphore_mem>>) src(%dma_wait3A_71 : memref<128x128xf32, #tpu.memory_space<hbm>>) dst(%arg6 : memref<128x128xf32, #tpu.memory_space<vmem>>)
      %mul3A_72 = arith.constant 2 : i32
      %mul3A_73 = arith.muli %mul3A_72, %while3A_63 : i32
      %add3A_74 = arith.constant 1 : i32
      %add3A_75 = arith.addi %mul3A_73, %add3A_74 : i32
      %dma_start3A_76 = arith.constant 0 : i32
      %dma_start3A_77 = tpu.memref_slice %arg8[%add3A_75, %dma_start3A_76] : memref<128x128xi32, #tpu.memory_space<vmem>> -> memref<1x128xi32, #tpu.memory_space<vmem>>
      %dma_start3A_78 = tpu.memref_squeeze %dma_start3A_77 : memref<1x128xi32, #tpu.memory_space<vmem>> -> memref<128xi32, #tpu.memory_space<vmem>>
      %dma_start3A_79 = arith.constant 0 : i32
      %dma_start3A_80 = arith.constant 0 : i32
      %dma_start3A_81 = tpu.memref_slice %arg2[%dma_start3A_79, %dma_start3A_80] : memref<10000x128xf32, #tpu.memory_space<hbm>> -> memref<10000x128xf32, #tpu.memory_space<hbm>>
      tpu.enqueue_indirect_dma source(%dma_start3A_81 : memref<10000x128xf32, #tpu.memory_space<hbm>>) target(%arg7 : memref<128x128xf32, #tpu.memory_space<vmem>>) offsets(%dma_start3A_78 : memref<128xi32, #tpu.memory_space<vmem>>) semaphore(%arg13 : memref<!tpu.dma_semaphore, #tpu.memory_space<semaphore_mem>>)
      %dma_wait3A_82 = arith.constant 0 : i32
      %dma_wait3A_83 = tpu.memref_slice %arg4[%select_n3A_8, %dma_wait3A_82] : memref<2688x128xi32, #tpu.memory_space<hbm>> -> memref<1x128xi32, #tpu.memory_space<hbm>>
      %dma_wait3A_84 = tpu.memref_squeeze %dma_wait3A_83 : memref<1x128xi32, #tpu.memory_space<hbm>> -> memref<128xi32, #tpu.memory_space<hbm>>
      %dma_wait3A_85 = arith.constant 0 : i32
      %dma_wait3A_86 = tpu.memref_slice %arg4[%select_n3A_8, %dma_wait3A_85] : memref<2688x128xi32, #tpu.memory_space<hbm>> -> memref<1x128xi32, #tpu.memory_space<hbm>>
      %dma_wait3A_87 = tpu.memref_squeeze %dma_wait3A_86 : memref<1x128xi32, #tpu.memory_space<hbm>> -> memref<128xi32, #tpu.memory_space<hbm>>
      tpu.wait_dma2 semaphore(%arg14 : memref<!tpu.dma_semaphore, #tpu.memory_space<semaphore_mem>>) src(%dma_wait3A_87 : memref<128xi32, #tpu.memory_space<hbm>>) dst(%arg9 : memref<128xi32, #tpu.memory_space<vmem>>)
      "tpu.region"() ({
        %run_scoped3A = tpu.sem_alloc : memref<!tpu.dma_semaphore, #tpu.memory_space<semaphore_mem>>
        %dma_start3A_109 = arith.constant 0 : i32
        %dma_start3A_110 = arith.constant 0 : i32
        %dma_start3A_111 = tpu.memref_slice %arg11[%dma_start3A_109, %dma_start3A_110] : memref<10112x128xf32, #tpu.memory_space<vmem_shared>> -> memref<10112x128xf32, #tpu.memory_space<vmem_shared>>
        tpu.enqueue_indirect_dma source(%arg6 : memref<128x128xf32, #tpu.memory_space<vmem>>) target(%dma_start3A_111 : memref<10112x128xf32, #tpu.memory_space<vmem_shared>>) offsets(%arg9 : memref<128xi32, #tpu.memory_space<vmem>>) semaphore(%run_scoped3A : memref<!tpu.dma_semaphore, #tpu.memory_space<semaphore_mem>>) {add = true}
        %dma_wait3A_112 = arith.constant 0 : i32
        %dma_wait3A_113 = arith.constant 0 : i32
        %dma_wait3A_114 = tpu.memref_slice %arg11[%dma_wait3A_112, %dma_wait3A_113] : memref<10112x128xf32, #tpu.memory_space<vmem_shared>> -> memref<10112x128xf32, #tpu.memory_space<vmem_shared>>
        tpu.wait_indirect_dma semaphore(%run_scoped3A : memref<!tpu.dma_semaphore, #tpu.memory_space<semaphore_mem>>) src(%arg6 : memref<128x128xf32, #tpu.memory_space<vmem>>) dst(%dma_wait3A_114 : memref<10112x128xf32, #tpu.memory_space<vmem_shared>>)
        tpu.yield
      }) : () -> ()
      %dma_wait3A_88 = arith.constant 0 : i32
      %dma_wait3A_89 = arith.constant 0 : i32
      %dma_wait3A_90 = tpu.memref_slice %arg2[%dma_wait3A_88, %dma_wait3A_89] : memref<10000x128xf32, #tpu.memory_space<hbm>> -> memref<128x128xf32, #tpu.memory_space<hbm>>
      %dma_wait3A_91 = arith.constant 0 : i32
      %dma_wait3A_92 = arith.constant 0 : i32
      %dma_wait3A_93 = tpu.memref_slice %arg2[%dma_wait3A_91, %dma_wait3A_92] : memref<10000x128xf32, #tpu.memory_space<hbm>> -> memref<128x128xf32, #tpu.memory_space<hbm>>
      tpu.wait_dma2 semaphore(%arg13 : memref<!tpu.dma_semaphore, #tpu.memory_space<semaphore_mem>>) src(%dma_wait3A_93 : memref<128x128xf32, #tpu.memory_space<hbm>>) dst(%arg7 : memref<128x128xf32, #tpu.memory_space<vmem>>)
      %not3A = arith.constant true
      %not3A_94 = arith.xori %ge3A, %not3A : i1
      %convert_element_type3A_95 = arith.extui %not3A_94 : i1 to i32
      %cond3A_96 = arith.constant 0 : i32
      %cond3A_97 = arith.cmpi ne, %convert_element_type3A_95, %cond3A_96 : i32
      scf.if %cond3A_97 {
        %mul3A_109 = arith.constant 2 : i32
        %mul3A_110 = arith.muli %mul3A_109, %while3A_63 : i32
        %add3A_111 = arith.constant 2 : i32
        %add3A_112 = arith.addi %mul3A_110, %add3A_111 : i32
        %dma_start3A_113 = arith.constant 0 : i32
        %dma_start3A_114 = tpu.memref_slice %arg8[%add3A_112, %dma_start3A_113] : memref<128x128xi32, #tpu.memory_space<vmem>> -> memref<1x128xi32, #tpu.memory_space<vmem>>
        %dma_start3A_115 = tpu.memref_squeeze %dma_start3A_114 : memref<1x128xi32, #tpu.memory_space<vmem>> -> memref<128xi32, #tpu.memory_space<vmem>>
        %dma_start3A_116 = arith.constant 0 : i32
        %dma_start3A_117 = arith.constant 0 : i32
        %dma_start3A_118 = tpu.memref_slice %arg2[%dma_start3A_116, %dma_start3A_117] : memref<10000x128xf32, #tpu.memory_space<hbm>> -> memref<10000x128xf32, #tpu.memory_space<hbm>>
        tpu.enqueue_indirect_dma source(%dma_start3A_118 : memref<10000x128xf32, #tpu.memory_space<hbm>>) target(%arg6 : memref<128x128xf32, #tpu.memory_space<vmem>>) offsets(%dma_start3A_115 : memref<128xi32, #tpu.memory_space<vmem>>) semaphore(%arg12 : memref<!tpu.dma_semaphore, #tpu.memory_space<semaphore_mem>>)
        %mul3A_119 = arith.constant 2 : i32
        %mul3A_120 = arith.muli %mul3A_119, %while3A_63 : i32
        %add3A_121 = arith.addi %select_n3A_8, %mul3A_120 : i32
        %add3A_122 = arith.constant 2 : i32
        %add3A_123 = arith.addi %add3A_121, %add3A_122 : i32
        %dma_start3A_124 = arith.constant 0 : i32
        %dma_start3A_125 = tpu.memref_slice %arg4[%add3A_123, %dma_start3A_124] : memref<2688x128xi32, #tpu.memory_space<hbm>> -> memref<1x128xi32, #tpu.memory_space<hbm>>
        %dma_start3A_126 = tpu.memref_squeeze %dma_start3A_125 : memref<1x128xi32, #tpu.memory_space<hbm>> -> memref<128xi32, #tpu.memory_space<hbm>>
        %dma_start3A_127 = arith.constant 0 : i32
        %dma_start3A_128 = tpu.memref_slice %arg4[%add3A_123, %dma_start3A_127] : memref<2688x128xi32, #tpu.memory_space<hbm>> -> memref<1x128xi32, #tpu.memory_space<hbm>>
        %dma_start3A_129 = tpu.memref_squeeze %dma_start3A_128 : memref<1x128xi32, #tpu.memory_space<hbm>> -> memref<128xi32, #tpu.memory_space<hbm>>
        tpu.enqueue_dma source(%dma_start3A_129 : memref<128xi32, #tpu.memory_space<hbm>>) target(%arg9 : memref<128xi32, #tpu.memory_space<vmem>>) target_semaphore(%arg14 : memref<!tpu.dma_semaphore, #tpu.memory_space<semaphore_mem>>)
      } else {
      }
      %dma_wait3A_98 = arith.constant 0 : i32
      %dma_wait3A_99 = tpu.memref_slice %arg4[%select_n3A_8, %dma_wait3A_98] : memref<2688x128xi32, #tpu.memory_space<hbm>> -> memref<1x128xi32, #tpu.memory_space<hbm>>
      %dma_wait3A_100 = tpu.memref_squeeze %dma_wait3A_99 : memref<1x128xi32, #tpu.memory_space<hbm>> -> memref<128xi32, #tpu.memory_space<hbm>>
      %dma_wait3A_101 = arith.constant 0 : i32
      %dma_wait3A_102 = tpu.memref_slice %arg4[%select_n3A_8, %dma_wait3A_101] : memref<2688x128xi32, #tpu.memory_space<hbm>> -> memref<1x128xi32, #tpu.memory_space<hbm>>
      %dma_wait3A_103 = tpu.memref_squeeze %dma_wait3A_102 : memref<1x128xi32, #tpu.memory_space<hbm>> -> memref<128xi32, #tpu.memory_space<hbm>>
      tpu.wait_dma2 semaphore(%arg15 : memref<!tpu.dma_semaphore, #tpu.memory_space<semaphore_mem>>) src(%dma_wait3A_103 : memref<128xi32, #tpu.memory_space<hbm>>) dst(%arg10 : memref<128xi32, #tpu.memory_space<vmem>>)
      "tpu.region"() ({
        %run_scoped3A = tpu.sem_alloc : memref<!tpu.dma_semaphore, #tpu.memory_space<semaphore_mem>>
        %dma_start3A_109 = arith.constant 0 : i32
        %dma_start3A_110 = arith.constant 0 : i32
        %dma_start3A_111 = tpu.memref_slice %arg11[%dma_start3A_109, %dma_start3A_110] : memref<10112x128xf32, #tpu.memory_space<vmem_shared>> -> memref<10112x128xf32, #tpu.memory_space<vmem_shared>>
        tpu.enqueue_indirect_dma source(%arg7 : memref<128x128xf32, #tpu.memory_space<vmem>>) target(%dma_start3A_111 : memref<10112x128xf32, #tpu.memory_space<vmem_shared>>) offsets(%arg10 : memref<128xi32, #tpu.memory_space<vmem>>) semaphore(%run_scoped3A : memref<!tpu.dma_semaphore, #tpu.memory_space<semaphore_mem>>) {add = true}
        %dma_wait3A_112 = arith.constant 0 : i32
        %dma_wait3A_113 = arith.constant 0 : i32
        %dma_wait3A_114 = tpu.memref_slice %arg11[%dma_wait3A_112, %dma_wait3A_113] : memref<10112x128xf32, #tpu.memory_space<vmem_shared>> -> memref<10112x128xf32, #tpu.memory_space<vmem_shared>>
        tpu.wait_indirect_dma semaphore(%run_scoped3A : memref<!tpu.dma_semaphore, #tpu.memory_space<semaphore_mem>>) src(%arg7 : memref<128x128xf32, #tpu.memory_space<vmem>>) dst(%dma_wait3A_114 : memref<10112x128xf32, #tpu.memory_space<vmem_shared>>)
        tpu.yield
      }) : () -> ()
      %not3A_104 = arith.constant true
      %not3A_105 = arith.xori %ge3A, %not3A_104 : i1
      %convert_element_type3A_106 = arith.extui %not3A_105 : i1 to i32
      %cond3A_107 = arith.constant 0 : i32
      %cond3A_108 = arith.cmpi ne, %convert_element_type3A_106, %cond3A_107 : i32
      scf.if %cond3A_108 {
        %mul3A_109 = arith.constant 2 : i32
        %mul3A_110 = arith.muli %mul3A_109, %while3A_63 : i32
        %add3A_111 = arith.addi %select_n3A_8, %mul3A_110 : i32
        %add3A_112 = arith.constant 3 : i32
        %add3A_113 = arith.addi %add3A_111, %add3A_112 : i32
        %dma_start3A_114 = arith.constant 0 : i32
        %dma_start3A_115 = tpu.memref_slice %arg4[%add3A_113, %dma_start3A_114] : memref<2688x128xi32, #tpu.memory_space<hbm>> -> memref<1x128xi32, #tpu.memory_space<hbm>>
        %dma_start3A_116 = tpu.memref_squeeze %dma_start3A_115 : memref<1x128xi32, #tpu.memory_space<hbm>> -> memref<128xi32, #tpu.memory_space<hbm>>
        %dma_start3A_117 = arith.constant 0 : i32
        %dma_start3A_118 = tpu.memref_slice %arg4[%add3A_113, %dma_start3A_117] : memref<2688x128xi32, #tpu.memory_space<hbm>> -> memref<1x128xi32, #tpu.memory_space<hbm>>
        %dma_start3A_119 = tpu.memref_squeeze %dma_start3A_118 : memref<1x128xi32, #tpu.memory_space<hbm>> -> memref<128xi32, #tpu.memory_space<hbm>>
        tpu.enqueue_dma source(%dma_start3A_119 : memref<128xi32, #tpu.memory_space<hbm>>) target(%arg10 : memref<128xi32, #tpu.memory_space<vmem>>) target_semaphore(%arg15 : memref<!tpu.dma_semaphore, #tpu.memory_space<semaphore_mem>>)
      } else {
      }
    }
    %while3A_57 = arith.constant 1 : i32
    scf.for %while3A_63 = %while3A_55 to %while3A_51 step %while3A_57  : i32 {
      %sub3A_64 = arith.constant 1 : i32
      %sub3A_65 = arith.subi %select_n3A_26, %sub3A_64 : i32
      %ge3A = arith.cmpi sge, %while3A_63, %sub3A_65 : i32
      %dma_wait3A_66 = arith.constant 0 : i32
      %dma_wait3A_67 = arith.constant 0 : i32
      %dma_wait3A_68 = tpu.memref_slice %arg2[%dma_wait3A_66, %dma_wait3A_67] : memref<10000x128xf32, #tpu.memory_space<hbm>> -> memref<128x128xf32, #tpu.memory_space<hbm>>
      %dma_wait3A_69 = arith.constant 0 : i32
      %dma_wait3A_70 = arith.constant 0 : i32
      %dma_wait3A_71 = tpu.memref_slice %arg2[%dma_wait3A_69, %dma_wait3A_70] : memref<10000x128xf32, #tpu.memory_space<hbm>> -> memref<128x128xf32, #tpu.memory_space<hbm>>
      tpu.wait_dma2 semaphore(%arg12 : memref<!tpu.dma_semaphore, #tpu.memory_space<semaphore_mem>>) src(%dma_wait3A_71 : memref<128x128xf32, #tpu.memory_space<hbm>>) dst(%arg6 : memref<128x128xf32, #tpu.memory_space<vmem>>)
      %mul3A_72 = arith.constant 2 : i32
      %mul3A_73 = arith.muli %mul3A_72, %while3A_63 : i32
      %add3A_74 = arith.constant 1 : i32
      %add3A_75 = arith.addi %mul3A_73, %add3A_74 : i32
      %dma_start3A_76 = arith.constant 0 : i32
      %dma_start3A_77 = tpu.memref_slice %arg8[%add3A_75, %dma_start3A_76] : memref<128x128xi32, #tpu.memory_space<vmem>> -> memref<1x128xi32, #tpu.memory_space<vmem>>
      %dma_start3A_78 = tpu.memref_squeeze %dma_start3A_77 : memref<1x128xi32, #tpu.memory_space<vmem>> -> memref<128xi32, #tpu.memory_space<vmem>>
      %dma_start3A_79 = arith.constant 0 : i32
      %dma_start3A_80 = arith.constant 0 : i32
      %dma_start3A_81 = tpu.memref_slice %arg2[%dma_start3A_79, %dma_start3A_80] : memref<10000x128xf32, #tpu.memory_space<hbm>> -> memref<10000x128xf32, #tpu.memory_space<hbm>>
      tpu.enqueue_indirect_dma source(%dma_start3A_81 : memref<10000x128xf32, #tpu.memory_space<hbm>>) target(%arg7 : memref<128x128xf32, #tpu.memory_space<vmem>>) offsets(%dma_start3A_78 : memref<128xi32, #tpu.memory_space<vmem>>) semaphore(%arg13 : memref<!tpu.dma_semaphore, #tpu.memory_space<semaphore_mem>>)
      %dma_wait3A_82 = arith.constant 0 : i32
      %dma_wait3A_83 = tpu.memref_slice %arg4[%select_n3A_8, %dma_wait3A_82] : memref<2688x128xi32, #tpu.memory_space<hbm>> -> memref<1x128xi32, #tpu.memory_space<hbm>>
      %dma_wait3A_84 = tpu.memref_squeeze %dma_wait3A_83 : memref<1x128xi32, #tpu.memory_space<hbm>> -> memref<128xi32, #tpu.memory_space<hbm>>
      %dma_wait3A_85 = arith.constant 0 : i32
      %dma_wait3A_86 = tpu.memref_slice %arg4[%select_n3A_8, %dma_wait3A_85] : memref<2688x128xi32, #tpu.memory_space<hbm>> -> memref<1x128xi32, #tpu.memory_space<hbm>>
      %dma_wait3A_87 = tpu.memref_squeeze %dma_wait3A_86 : memref<1x128xi32, #tpu.memory_space<hbm>> -> memref<128xi32, #tpu.memory_space<hbm>>
      tpu.wait_dma2 semaphore(%arg14 : memref<!tpu.dma_semaphore, #tpu.memory_space<semaphore_mem>>) src(%dma_wait3A_87 : memref<128xi32, #tpu.memory_space<hbm>>) dst(%arg9 : memref<128xi32, #tpu.memory_space<vmem>>)
      "tpu.region"() ({
        %run_scoped3A = tpu.sem_alloc : memref<!tpu.dma_semaphore, #tpu.memory_space<semaphore_mem>>
        %dma_start3A_109 = arith.constant 0 : i32
        %dma_start3A_110 = arith.constant 0 : i32
        %dma_start3A_111 = tpu.memref_slice %arg11[%dma_start3A_109, %dma_start3A_110] : memref<10112x128xf32, #tpu.memory_space<vmem_shared>> -> memref<10112x128xf32, #tpu.memory_space<vmem_shared>>
        tpu.enqueue_indirect_dma source(%arg6 : memref<128x128xf32, #tpu.memory_space<vmem>>) target(%dma_start3A_111 : memref<10112x128xf32, #tpu.memory_space<vmem_shared>>) offsets(%arg9 : memref<128xi32, #tpu.memory_space<vmem>>) semaphore(%run_scoped3A : memref<!tpu.dma_semaphore, #tpu.memory_space<semaphore_mem>>) {add = true}
        %dma_wait3A_112 = arith.constant 0 : i32
        %dma_wait3A_113 = arith.constant 0 : i32
        %dma_wait3A_114 = tpu.memref_slice %arg11[%dma_wait3A_112, %dma_wait3A_113] : memref<10112x128xf32, #tpu.memory_space<vmem_shared>> -> memref<10112x128xf32, #tpu.memory_space<vmem_shared>>
        tpu.wait_indirect_dma semaphore(%run_scoped3A : memref<!tpu.dma_semaphore, #tpu.memory_space<semaphore_mem>>) src(%arg6 : memref<128x128xf32, #tpu.memory_space<vmem>>) dst(%dma_wait3A_114 : memref<10112x128xf32, #tpu.memory_space<vmem_shared>>)
        tpu.yield
      }) : () -> ()
      %dma_wait3A_88 = arith.constant 0 : i32
      %dma_wait3A_89 = arith.constant 0 : i32
      %dma_wait3A_90 = tpu.memref_slice %arg2[%dma_wait3A_88, %dma_wait3A_89] : memref<10000x128xf32, #tpu.memory_space<hbm>> -> memref<128x128xf32, #tpu.memory_space<hbm>>
      %dma_wait3A_91 = arith.constant 0 : i32
      %dma_wait3A_92 = arith.constant 0 : i32
      %dma_wait3A_93 = tpu.memref_slice %arg2[%dma_wait3A_91, %dma_wait3A_92] : memref<10000x128xf32, #tpu.memory_space<hbm>> -> memref<128x128xf32, #tpu.memory_space<hbm>>
      tpu.wait_dma2 semaphore(%arg13 : memref<!tpu.dma_semaphore, #tpu.memory_space<semaphore_mem>>) src(%dma_wait3A_93 : memref<128x128xf32, #tpu.memory_space<hbm>>) dst(%arg7 : memref<128x128xf32, #tpu.memory_space<vmem>>)
      %not3A = arith.constant true
      %not3A_94 = arith.xori %ge3A, %not3A : i1
      %convert_element_type3A_95 = arith.extui %not3A_94 : i1 to i32
      %cond3A_96 = arith.constant 0 : i32
      %cond3A_97 = arith.cmpi ne, %convert_element_type3A_95, %cond3A_96 : i32
      scf.if %cond3A_97 {
        %mul3A_109 = arith.constant 2 : i32
        %mul3A_110 = arith.muli %mul3A_109, %while3A_63 : i32
        %add3A_111 = arith.constant 2 : i32
        %add3A_112 = arith.addi %mul3A_110, %add3A_111 : i32
        %dma_start3A_113 = arith.constant 0 : i32
        %dma_start3A_114 = tpu.memref_slice %arg8[%add3A_112, %dma_start3A_113] : memref<128x128xi32, #tpu.memory_space<vmem>> -> memref<1x128xi32, #tpu.memory_space<vmem>>
        %dma_start3A_115 = tpu.memref_squeeze %dma_start3A_114 : memref<1x128xi32, #tpu.memory_space<vmem>> -> memref<128xi32, #tpu.memory_space<vmem>>
        %dma_start3A_116 = arith.constant 0 : i32
        %dma_start3A_117 = arith.constant 0 : i32
        %dma_start3A_118 = tpu.memref_slice %arg2[%dma_start3A_116, %dma_start3A_117] : memref<10000x128xf32, #tpu.memory_space<hbm>> -> memref<10000x128xf32, #tpu.memory_space<hbm>>
        tpu.enqueue_indirect_dma source(%dma_start3A_118 : memref<10000x128xf32, #tpu.memory_space<hbm>>) target(%arg6 : memref<128x128xf32, #tpu.memory_space<vmem>>) offsets(%dma_start3A_115 : memref<128xi32, #tpu.memory_space<vmem>>) semaphore(%arg12 : memref<!tpu.dma_semaphore, #tpu.memory_space<semaphore_mem>>)
        %mul3A_119 = arith.constant 2 : i32
        %mul3A_120 = arith.muli %mul3A_119, %while3A_63 : i32
        %add3A_121 = arith.addi %select_n3A_8, %mul3A_120 : i32
        %add3A_122 = arith.constant 2 : i32
        %add3A_123 = arith.addi %add3A_121, %add3A_122 : i32
        %dma_start3A_124 = arith.constant 0 : i32
        %dma_start3A_125 = tpu.memref_slice %arg4[%add3A_123, %dma_start3A_124] : memref<2688x128xi32, #tpu.memory_space<hbm>> -> memref<1x128xi32, #tpu.memory_space<hbm>>
        %dma_start3A_126 = tpu.memref_squeeze %dma_start3A_125 : memref<1x128xi32, #tpu.memory_space<hbm>> -> memref<128xi32, #tpu.memory_space<hbm>>
        %dma_start3A_127 = arith.constant 0 : i32
        %dma_start3A_128 = tpu.memref_slice %arg4[%add3A_123, %dma_start3A_127] : memref<2688x128xi32, #tpu.memory_space<hbm>> -> memref<1x128xi32, #tpu.memory_space<hbm>>
        %dma_start3A_129 = tpu.memref_squeeze %dma_start3A_128 : memref<1x128xi32, #tpu.memory_space<hbm>> -> memref<128xi32, #tpu.memory_space<hbm>>
        tpu.enqueue_dma source(%dma_start3A_129 : memref<128xi32, #tpu.memory_space<hbm>>) target(%arg9 : memref<128xi32, #tpu.memory_space<vmem>>) target_semaphore(%arg14 : memref<!tpu.dma_semaphore, #tpu.memory_space<semaphore_mem>>)
      } else {
      }
      %dma_wait3A_98 = arith.constant 0 : i32
      %dma_wait3A_99 = tpu.memref_slice %arg4[%select_n3A_8, %dma_wait3A_98] : memref<2688x128xi32, #tpu.memory_space<hbm>> -> memref<1x128xi32, #tpu.memory_space<hbm>>
      %dma_wait3A_100 = tpu.memref_squeeze %dma_wait3A_99 : memref<1x128xi32, #tpu.memory_space<hbm>> -> memref<128xi32, #tpu.memory_space<hbm>>
      %dma_wait3A_101 = arith.constant 0 : i32
      %dma_wait3A_102 = tpu.memref_slice %arg4[%select_n3A_8, %dma_wait3A_101] : memref<2688x128xi32, #tpu.memory_space<hbm>> -> memref<1x128xi32, #tpu.memory_space<hbm>>
      %dma_wait3A_103 = tpu.memref_squeeze %dma_wait3A_102 : memref<1x128xi32, #tpu.memory_space<hbm>> -> memref<128xi32, #tpu.memory_space<hbm>>
      tpu.wait_dma2 semaphore(%arg15 : memref<!tpu.dma_semaphore, #tpu.memory_space<semaphore_mem>>) src(%dma_wait3A_103 : memref<128xi32, #tpu.memory_space<hbm>>) dst(%arg10 : memref<128xi32, #tpu.memory_space<vmem>>)
      "tpu.region"() ({
        %run_scoped3A = tpu.sem_alloc : memref<!tpu.dma_semaphore, #tpu.memory_space<semaphore_mem>>
        %dma_start3A_109 = arith.constant 0 : i32
        %dma_start3A_110 = arith.constant 0 : i32
        %dma_start3A_111 = tpu.memref_slice %arg11[%dma_start3A_109, %dma_start3A_110] : memref<10112x128xf32, #tpu.memory_space<vmem_shared>> -> memref<10112x128xf32, #tpu.memory_space<vmem_shared>>
        tpu.enqueue_indirect_dma source(%arg7 : memref<128x128xf32, #tpu.memory_space<vmem>>) target(%dma_start3A_111 : memref<10112x128xf32, #tpu.memory_space<vmem_shared>>) offsets(%arg10 : memref<128xi32, #tpu.memory_space<vmem>>) semaphore(%run_scoped3A : memref<!tpu.dma_semaphore, #tpu.memory_space<semaphore_mem>>) {add = true}
        %dma_wait3A_112 = arith.constant 0 : i32
        %dma_wait3A_113 = arith.constant 0 : i32
        %dma_wait3A_114 = tpu.memref_slice %arg11[%dma_wait3A_112, %dma_wait3A_113] : memref<10112x128xf32, #tpu.memory_space<vmem_shared>> -> memref<10112x128xf32, #tpu.memory_space<vmem_shared>>
        tpu.wait_indirect_dma semaphore(%run_scoped3A : memref<!tpu.dma_semaphore, #tpu.memory_space<semaphore_mem>>) src(%arg7 : memref<128x128xf32, #tpu.memory_space<vmem>>) dst(%dma_wait3A_114 : memref<10112x128xf32, #tpu.memory_space<vmem_shared>>)
        tpu.yield
      }) : () -> ()
      %not3A_104 = arith.constant true
      %not3A_105 = arith.xori %ge3A, %not3A_104 : i1
      %convert_element_type3A_106 = arith.extui %not3A_105 : i1 to i32
      %cond3A_107 = arith.constant 0 : i32
      %cond3A_108 = arith.cmpi ne, %convert_element_type3A_106, %cond3A_107 : i32
      scf.if %cond3A_108 {
        %mul3A_109 = arith.constant 2 : i32
        %mul3A_110 = arith.muli %mul3A_109, %while3A_63 : i32
        %add3A_111 = arith.addi %select_n3A_8, %mul3A_110 : i32
        %add3A_112 = arith.constant 3 : i32
        %add3A_113 = arith.addi %add3A_111, %add3A_112 : i32
        %dma_start3A_114 = arith.constant 0 : i32
        %dma_start3A_115 = tpu.memref_slice %arg4[%add3A_113, %dma_start3A_114] : memref<2688x128xi32, #tpu.memory_space<hbm>> -> memref<1x128xi32, #tpu.memory_space<hbm>>
        %dma_start3A_116 = tpu.memref_squeeze %dma_start3A_115 : memref<1x128xi32, #tpu.memory_space<hbm>> -> memref<128xi32, #tpu.memory_space<hbm>>
        %dma_start3A_117 = arith.constant 0 : i32
        %dma_start3A_118 = tpu.memref_slice %arg4[%add3A_113, %dma_start3A_117] : memref<2688x128xi32, #tpu.memory_space<hbm>> -> memref<1x128xi32, #tpu.memory_space<hbm>>
        %dma_start3A_119 = tpu.memref_squeeze %dma_start3A_118 : memref<1x128xi32, #tpu.memory_space<hbm>> -> memref<128xi32, #tpu.memory_space<hbm>>
        tpu.enqueue_dma source(%dma_start3A_119 : memref<128xi32, #tpu.memory_space<hbm>>) target(%arg10 : memref<128xi32, #tpu.memory_space<vmem>>) target_semaphore(%arg15 : memref<!tpu.dma_semaphore, #tpu.memory_space<semaphore_mem>>)
      } else {
      }
    }
    %barrier3A_58 = arith.constant 0 : index
    tpu.barrier barrier_id(%barrier3A_58)
    %mul3A_59 = arith.constant 632 : i32
    %mul3A_60 = arith.muli %arg1, %mul3A_59 : i32
    %mul3A_61 = arith.constant 632 : i32
    %mul3A_62 = arith.muli %arg1, %mul3A_61 : i32
    "tpu.region"() ({
      %run_scoped3A = tpu.sem_alloc : memref<!tpu.dma_semaphore, #tpu.memory_space<semaphore_mem>>
      %dma_start3A_63 = arith.constant 0 : i32
      %dma_start3A_64 = tpu.memref_slice %arg5[%arg0, %mul3A_62, %dma_start3A_63] : memref<2x10112x128xf32, #tpu.memory_space<hbm>> -> memref<1x632x128xf32, #tpu.memory_space<hbm>>
      %dma_start3A_65 = tpu.memref_squeeze %dma_start3A_64 : memref<1x632x128xf32, #tpu.memory_space<hbm>> -> memref<632x128xf32, #tpu.memory_space<hbm>>
      %dma_start3A_66 = arith.constant 0 : i32
      %dma_start3A_67 = tpu.memref_slice %arg11[%mul3A_60, %dma_start3A_66] : memref<10112x128xf32, #tpu.memory_space<vmem_shared>> -> memref<632x128xf32, #tpu.memory_space<vmem_shared>>
      tpu.enqueue_dma source(%dma_start3A_67 : memref<632x128xf32, #tpu.memory_space<vmem_shared>>) target(%dma_start3A_65 : memref<632x128xf32, #tpu.memory_space<hbm>>) target_semaphore(%run_scoped3A : memref<!tpu.dma_semaphore, #tpu.memory_space<semaphore_mem>>)
      %dma_wait3A_68 = arith.constant 0 : i32
      %dma_wait3A_69 = tpu.memref_slice %arg5[%arg0, %mul3A_62, %dma_wait3A_68] : memref<2x10112x128xf32, #tpu.memory_space<hbm>> -> memref<1x632x128xf32, #tpu.memory_space<hbm>>
      %dma_wait3A_70 = tpu.memref_squeeze %dma_wait3A_69 : memref<1x632x128xf32, #tpu.memory_space<hbm>> -> memref<632x128xf32, #tpu.memory_space<hbm>>
      %dma_wait3A_71 = arith.constant 0 : i32
      %dma_wait3A_72 = tpu.memref_slice %arg11[%mul3A_60, %dma_wait3A_71] : memref<10112x128xf32, #tpu.memory_space<vmem_shared>> -> memref<632x128xf32, #tpu.memory_space<vmem_shared>>
      tpu.wait_dma2 semaphore(%run_scoped3A : memref<!tpu.dma_semaphore, #tpu.memory_space<semaphore_mem>>) src(%dma_wait3A_72 : memref<632x128xf32, #tpu.memory_space<vmem_shared>>) dst(%dma_wait3A_70 : memref<632x128xf32, #tpu.memory_space<hbm>>)
      tpu.yield
    }) : () -> ()
    return
  }
}

module attributes {stable_mosaic.version = 14 : i64} {
  func.func @_tc1_body(%arg0: i32, %arg1: memref<1000x128xf32, #tpu.memory_space<vmem>>, %arg2: memref<128x128xf32, #tpu.memory_space<vmem>>, %arg3: memref<1000x1xf32, #tpu.memory_space<vmem>>, %arg4: memref<1000x1xf32, #tpu.memory_space<vmem>>, %arg5: memref<1000x128xf32, #tpu.memory_space<vmem>>) attributes {dimension_semantics = [#tpu.dimension_semantics<arbitrary>], iteration_bounds = array<i64: 10>, scalar_prefetch = 0 : i64, scratch_operands = 0 : i64, tpu.core_type = #tpu.core_type<tc>, window_params = [{transform_indices = @transform_0, window_bounds = array<i64: 1000, 128>}, {pipeline_mode = #tpu.pipeline_mode<synchronous>, transform_indices = @transform_1, window_bounds = array<i64: 128, 128>}, {transform_indices = @transform_2, window_bounds = array<i64: 1000, 1>}, {transform_indices = @transform_3, window_bounds = array<i64: 1000, 1>}, {transform_indices = @transform_4, window_bounds = array<i64: 1000, 128>}]} {
    %get3A = arith.constant 0 : index
    %get3A_0 = arith.constant 0 : index
    %get3A_1 = vector.load %arg3[%get3A, %get3A_0] : memref<1000x1xf32, #tpu.memory_space<vmem>>, vector<1000x1xf32>
    %add3A = arith.constant 1.000000e+00 : f32
    %add3A_2 = vector.broadcast %add3A : f32 to vector<1000x1xf32>
    %add3A_3 = arith.addf %add3A_2, %get3A_1 : vector<1000x1xf32>
    %get3A_4 = arith.constant 0 : index
    %get3A_5 = arith.constant 0 : index
    %get3A_6 = vector.load %arg4[%get3A_4, %get3A_5] : memref<1000x1xf32, #tpu.memory_space<vmem>>, vector<1000x1xf32>
    %add3A_7 = arith.addf %add3A_3, %get3A_6 : vector<1000x1xf32>
    %rsqrt3A = math.rsqrt %add3A_7 : vector<1000x1xf32>
    %get3A_8 = arith.constant 0 : index
    %get3A_9 = arith.constant 0 : index
    %get3A_10 = vector.load %arg1[%get3A_8, %get3A_9] : memref<1000x128xf32, #tpu.memory_space<vmem>>, vector<1000x128xf32>
    %get3A_11 = arith.constant 0 : index
    %get3A_12 = arith.constant 0 : index
    %get3A_13 = vector.load %arg2[%get3A_11, %get3A_12] : memref<128x128xf32, #tpu.memory_space<vmem>>, vector<128x128xf32>
    %dot_general3A = arith.constant dense<0.000000e+00> : vector<1000x128xf32>
    %dot_general3A_14 = tpu.matmul %get3A_10, %get3A_13, %dot_general3A {dimension_numbers = #tpu.dot_dimension_numbers<[1], [0], [0], [1], [0, 0, 1, 1], [], []>, transpose_lhs_hint = false} : vector<1000x128xf32>, vector<128x128xf32>, vector<1000x128xf32> -> vector<1000x128xf32>
    %mul3A = vector.broadcast %rsqrt3A : vector<1000x1xf32> to vector<1000x128xf32>
    %mul3A_15 = arith.mulf %dot_general3A_14, %mul3A : vector<1000x128xf32>
    %swap3A = arith.constant 0 : index
    %swap3A_16 = arith.constant 0 : index
    %swap3A_17 = vector.load %arg5[%swap3A, %swap3A_16] : memref<1000x128xf32, #tpu.memory_space<vmem>>, vector<1000x128xf32>
    tpu.vector_store %arg5[%swap3A, %swap3A_16], %mul3A_15 {strides = array<i32>} : memref<1000x128xf32, #tpu.memory_space<vmem>>, vector<1000x128xf32>,
    return
  }
  func.func @transform_0(%arg0: i32) -> (i32, i32) {
    %c0_i32 = arith.constant 0 : i32
    %c0_i32_0 = arith.constant 0 : i32
    return %arg0, %c0_i32 : i32, i32
  }
  func.func @transform_1(%arg0: i32) -> (i32, i32) {
    %c0_i32 = arith.constant 0 : i32
    %c0_i32_0 = arith.constant 0 : i32
    %c0_i32_1 = arith.constant 0 : i32
    return %c0_i32, %c0_i32_0 : i32, i32
  }
  func.func @transform_2(%arg0: i32) -> (i32, i32) {
    %c0_i32 = arith.constant 0 : i32
    %c0_i32_0 = arith.constant 0 : i32
    return %arg0, %c0_i32 : i32, i32
  }
  func.func @transform_3(%arg0: i32) -> (i32, i32) {
    %c0_i32 = arith.constant 0 : i32
    %c0_i32_0 = arith.constant 0 : i32
    return %arg0, %c0_i32 : i32, i32
  }
  func.func @transform_4(%arg0: i32) -> (i32, i32) {
    %c0_i32 = arith.constant 0 : i32
    %c0_i32_0 = arith.constant 0 : i32
    return %arg0, %c0_i32 : i32, i32
  }
}

module attributes {stable_mosaic.version = 14 : i64} {
  func.func @_tc2_body(%arg0: i32, %arg1: memref<1000x128xf32, #tpu.memory_space<vmem>>, %arg2: memref<1000x128xf32, #tpu.memory_space<vmem>>, %arg3: memref<1000x128xf32, #tpu.memory_space<vmem>>, %arg4: memref<1000x1xf32, #tpu.memory_space<vmem>>, %arg5: memref<1000x1xf32, #tpu.memory_space<vmem>>, %arg6: memref<1x128xf32, #tpu.memory_space<vmem>>, %arg7: memref<128x128xf32, #tpu.memory_space<vmem>>, %arg8: memref<1000x1xf32, #tpu.memory_space<vmem>>, %arg9: memref<1000x1xf32, #tpu.memory_space<vmem>>, %arg10: memref<1000x128xf32, #tpu.memory_space<vmem>>) attributes {dimension_semantics = [#tpu.dimension_semantics<arbitrary>], iteration_bounds = array<i64: 10>, scalar_prefetch = 0 : i64, scratch_operands = 0 : i64, tpu.core_type = #tpu.core_type<tc>, window_params = [{transform_indices = @transform_0, window_bounds = array<i64: 1000, 128>}, {transform_indices = @transform_1, window_bounds = array<i64: 1000, 128>}, {transform_indices = @transform_2, window_bounds = array<i64: 1000, 128>}, {transform_indices = @transform_3, window_bounds = array<i64: 1000, 1>}, {transform_indices = @transform_4, window_bounds = array<i64: 1000, 1>}, {pipeline_mode = #tpu.pipeline_mode<synchronous>, transform_indices = @transform_5, window_bounds = array<i64: 1, 128>}, {pipeline_mode = #tpu.pipeline_mode<synchronous>, transform_indices = @transform_6, window_bounds = array<i64: 128, 128>}, {transform_indices = @transform_7, window_bounds = array<i64: 1000, 1>}, {transform_indices = @transform_8, window_bounds = array<i64: 1000, 1>}, {transform_indices = @transform_9, window_bounds = array<i64: 1000, 128>}]} {
    %get3A = arith.constant 0 : index
    %get3A_0 = arith.constant 0 : index
    %get3A_1 = vector.load %arg4[%get3A, %get3A_0] : memref<1000x1xf32, #tpu.memory_space<vmem>>, vector<1000x1xf32>
    %add3A = arith.constant 1.000000e+00 : f32
    %add3A_2 = vector.broadcast %add3A : f32 to vector<1000x1xf32>
    %add3A_3 = arith.addf %add3A_2, %get3A_1 : vector<1000x1xf32>
    %get3A_4 = arith.constant 0 : index
    %get3A_5 = arith.constant 0 : index
    %get3A_6 = vector.load %arg5[%get3A_4, %get3A_5] : memref<1000x1xf32, #tpu.memory_space<vmem>>, vector<1000x1xf32>
    %add3A_7 = arith.addf %add3A_3, %get3A_6 : vector<1000x1xf32>
    %rsqrt3A = math.rsqrt %add3A_7 : vector<1000x1xf32>
    %get3A_8 = arith.constant 0 : index
    %get3A_9 = arith.constant 0 : index
    %get3A_10 = vector.load %arg1[%get3A_8, %get3A_9] : memref<1000x128xf32, #tpu.memory_space<vmem>>, vector<1000x128xf32>
    %get3A_11 = arith.constant 0 : index
    %get3A_12 = arith.constant 0 : index
    %get3A_13 = vector.load %arg2[%get3A_11, %get3A_12] : memref<1000x128xf32, #tpu.memory_space<vmem>>, vector<1000x128xf32>
    %add3A_14 = arith.addf %get3A_10, %get3A_13 : vector<1000x128xf32>
    %get3A_15 = arith.constant 0 : index
    %get3A_16 = arith.constant 0 : index
    %get3A_17 = vector.load %arg3[%get3A_15, %get3A_16] : memref<1000x128xf32, #tpu.memory_space<vmem>>, vector<1000x128xf32>
    %add3A_18 = arith.addf %add3A_14, %get3A_17 : vector<1000x128xf32>
    %mul3A = vector.broadcast %rsqrt3A : vector<1000x1xf32> to vector<1000x128xf32>
    %mul3A_19 = arith.mulf %mul3A, %add3A_18 : vector<1000x128xf32>
    %get3A_20 = arith.constant 0 : index
    %get3A_21 = arith.constant 0 : index
    %get3A_22 = vector.load %arg6[%get3A_20, %get3A_21] : memref<1x128xf32, #tpu.memory_space<vmem>>, vector<1x128xf32>
    %add3A_23 = vector.broadcast %get3A_22 : vector<1x128xf32> to vector<1000x128xf32>
    %add3A_24 = arith.addf %mul3A_19, %add3A_23 : vector<1000x128xf32>
    %max3A = arith.constant 0.000000e+00 : f32
    %max3A_25 = vector.broadcast %max3A : f32 to vector<1000x128xf32>
    %max3A_26 = arith.maximumf %add3A_24, %max3A_25 : vector<1000x128xf32>
    %get3A_27 = arith.constant 0 : index
    %get3A_28 = arith.constant 0 : index
    %get3A_29 = vector.load %arg8[%get3A_27, %get3A_28] : memref<1000x1xf32, #tpu.memory_space<vmem>>, vector<1000x1xf32>
    %add3A_30 = arith.constant 1.000000e+00 : f32
    %add3A_31 = vector.broadcast %add3A_30 : f32 to vector<1000x1xf32>
    %add3A_32 = arith.addf %add3A_31, %get3A_29 : vector<1000x1xf32>
    %get3A_33 = arith.constant 0 : index
    %get3A_34 = arith.constant 0 : index
    %get3A_35 = vector.load %arg9[%get3A_33, %get3A_34] : memref<1000x1xf32, #tpu.memory_space<vmem>>, vector<1000x1xf32>
    %add3A_36 = arith.addf %add3A_32, %get3A_35 : vector<1000x1xf32>
    %rsqrt3A_37 = math.rsqrt %add3A_36 : vector<1000x1xf32>
    %get3A_38 = arith.constant 0 : index
    %get3A_39 = arith.constant 0 : index
    %get3A_40 = vector.load %arg7[%get3A_38, %get3A_39] : memref<128x128xf32, #tpu.memory_space<vmem>>, vector<128x128xf32>
    %dot_general3A = arith.constant dense<0.000000e+00> : vector<1000x128xf32>
    %dot_general3A_41 = tpu.matmul %max3A_26, %get3A_40, %dot_general3A {dimension_numbers = #tpu.dot_dimension_numbers<[1], [0], [0], [1], [0, 0, 1, 1], [], []>, transpose_lhs_hint = false} : vector<1000x128xf32>, vector<128x128xf32>, vector<1000x128xf32> -> vector<1000x128xf32>
    %mul3A_42 = vector.broadcast %rsqrt3A_37 : vector<1000x1xf32> to vector<1000x128xf32>
    %mul3A_43 = arith.mulf %dot_general3A_41, %mul3A_42 : vector<1000x128xf32>
    %swap3A = arith.constant 0 : index
    %swap3A_44 = arith.constant 0 : index
    %swap3A_45 = vector.load %arg10[%swap3A, %swap3A_44] : memref<1000x128xf32, #tpu.memory_space<vmem>>, vector<1000x128xf32>
    tpu.vector_store %arg10[%swap3A, %swap3A_44], %mul3A_43 {strides = array<i32>} : memref<1000x128xf32, #tpu.memory_space<vmem>>, vector<1000x128xf32>,
    return
  }
  func.func @transform_0(%arg0: i32) -> (i32, i32) {
    %c0_i32 = arith.constant 0 : i32
    %c0_i32_0 = arith.constant 0 : i32
    return %arg0, %c0_i32 : i32, i32
  }
  func.func @transform_1(%arg0: i32) -> (i32, i32) {
    %c0_i32 = arith.constant 0 : i32
    %c0_i32_0 = arith.constant 0 : i32
    return %arg0, %c0_i32 : i32, i32
  }
  func.func @transform_2(%arg0: i32) -> (i32, i32) {
    %c0_i32 = arith.constant 0 : i32
    %c0_i32_0 = arith.constant 0 : i32
    return %arg0, %c0_i32 : i32, i32
  }
  func.func @transform_3(%arg0: i32) -> (i32, i32) {
    %c0_i32 = arith.constant 0 : i32
    %c0_i32_0 = arith.constant 0 : i32
    return %arg0, %c0_i32 : i32, i32
  }
  func.func @transform_4(%arg0: i32) -> (i32, i32) {
    %c0_i32 = arith.constant 0 : i32
    %c0_i32_0 = arith.constant 0 : i32
    return %arg0, %c0_i32 : i32, i32
  }
  func.func @transform_5(%arg0: i32) -> (i32, i32) {
    %c0_i32 = arith.constant 0 : i32
    %c0_i32_0 = arith.constant 0 : i32
    %c0_i32_1 = arith.constant 0 : i32
    return %c0_i32, %c0_i32_0 : i32, i32
  }
  func.func @transform_6(%arg0: i32) -> (i32, i32) {
    %c0_i32 = arith.constant 0 : i32
    %c0_i32_0 = arith.constant 0 : i32
    %c0_i32_1 = arith.constant 0 : i32
    return %c0_i32, %c0_i32_0 : i32, i32
  }
  func.func @transform_7(%arg0: i32) -> (i32, i32) {
    %c0_i32 = arith.constant 0 : i32
    %c0_i32_0 = arith.constant 0 : i32
    return %arg0, %c0_i32 : i32, i32
  }
  func.func @transform_8(%arg0: i32) -> (i32, i32) {
    %c0_i32 = arith.constant 0 : i32
    %c0_i32_0 = arith.constant 0 : i32
    return %arg0, %c0_i32 : i32, i32
  }
  func.func @transform_9(%arg0: i32) -> (i32, i32) {
    %c0_i32 = arith.constant 0 : i32
    %c0_i32_0 = arith.constant 0 : i32
    return %arg0, %c0_i32 : i32, i32
  }
}

module attributes {stable_mosaic.version = 14 : i64} {
  func.func @_tc3_body(%arg0: i32, %arg1: memref<1000x128xf32, #tpu.memory_space<vmem>>, %arg2: memref<1000x128xf32, #tpu.memory_space<vmem>>, %arg3: memref<1000x128xf32, #tpu.memory_space<vmem>>, %arg4: memref<1000x1xf32, #tpu.memory_space<vmem>>, %arg5: memref<1000x1xf32, #tpu.memory_space<vmem>>, %arg6: memref<1x128xf32, #tpu.memory_space<vmem>>, %arg7: memref<1000x128xf32, #tpu.memory_space<vmem>>) attributes {dimension_semantics = [#tpu.dimension_semantics<arbitrary>], iteration_bounds = array<i64: 10>, scalar_prefetch = 0 : i64, scratch_operands = 0 : i64, tpu.core_type = #tpu.core_type<tc>, window_params = [{transform_indices = @transform_0, window_bounds = array<i64: 1000, 128>}, {transform_indices = @transform_1, window_bounds = array<i64: 1000, 128>}, {transform_indices = @transform_2, window_bounds = array<i64: 1000, 128>}, {transform_indices = @transform_3, window_bounds = array<i64: 1000, 1>}, {transform_indices = @transform_4, window_bounds = array<i64: 1000, 1>}, {pipeline_mode = #tpu.pipeline_mode<synchronous>, transform_indices = @transform_5, window_bounds = array<i64: 1, 128>}, {transform_indices = @transform_6, window_bounds = array<i64: 1000, 128>}]} {
    %get3A = arith.constant 0 : index
    %get3A_0 = arith.constant 0 : index
    %get3A_1 = vector.load %arg4[%get3A, %get3A_0] : memref<1000x1xf32, #tpu.memory_space<vmem>>, vector<1000x1xf32>
    %add3A = arith.constant 1.000000e+00 : f32
    %add3A_2 = vector.broadcast %add3A : f32 to vector<1000x1xf32>
    %add3A_3 = arith.addf %add3A_2, %get3A_1 : vector<1000x1xf32>
    %get3A_4 = arith.constant 0 : index
    %get3A_5 = arith.constant 0 : index
    %get3A_6 = vector.load %arg5[%get3A_4, %get3A_5] : memref<1000x1xf32, #tpu.memory_space<vmem>>, vector<1000x1xf32>
    %add3A_7 = arith.addf %add3A_3, %get3A_6 : vector<1000x1xf32>
    %rsqrt3A = math.rsqrt %add3A_7 : vector<1000x1xf32>
    %get3A_8 = arith.constant 0 : index
    %get3A_9 = arith.constant 0 : index
    %get3A_10 = vector.load %arg1[%get3A_8, %get3A_9] : memref<1000x128xf32, #tpu.memory_space<vmem>>, vector<1000x128xf32>
    %get3A_11 = arith.constant 0 : index
    %get3A_12 = arith.constant 0 : index
    %get3A_13 = vector.load %arg2[%get3A_11, %get3A_12] : memref<1000x128xf32, #tpu.memory_space<vmem>>, vector<1000x128xf32>
    %add3A_14 = arith.addf %get3A_10, %get3A_13 : vector<1000x128xf32>
    %get3A_15 = arith.constant 0 : index
    %get3A_16 = arith.constant 0 : index
    %get3A_17 = vector.load %arg3[%get3A_15, %get3A_16] : memref<1000x128xf32, #tpu.memory_space<vmem>>, vector<1000x128xf32>
    %add3A_18 = arith.addf %add3A_14, %get3A_17 : vector<1000x128xf32>
    %mul3A = vector.broadcast %rsqrt3A : vector<1000x1xf32> to vector<1000x128xf32>
    %mul3A_19 = arith.mulf %mul3A, %add3A_18 : vector<1000x128xf32>
    %get3A_20 = arith.constant 0 : index
    %get3A_21 = arith.constant 0 : index
    %get3A_22 = vector.load %arg6[%get3A_20, %get3A_21] : memref<1x128xf32, #tpu.memory_space<vmem>>, vector<1x128xf32>
    %add3A_23 = vector.broadcast %get3A_22 : vector<1x128xf32> to vector<1000x128xf32>
    %add3A_24 = arith.addf %mul3A_19, %add3A_23 : vector<1000x128xf32>
    %swap3A = arith.constant 0 : index
    %swap3A_25 = arith.constant 0 : index
    %swap3A_26 = vector.load %arg7[%swap3A, %swap3A_25] : memref<1000x128xf32, #tpu.memory_space<vmem>>, vector<1000x128xf32>
    tpu.vector_store %arg7[%swap3A, %swap3A_25], %add3A_24 {strides = array<i32>} : memref<1000x128xf32, #tpu.memory_space<vmem>>, vector<1000x128xf32>,
    return
  }
  func.func @transform_0(%arg0: i32) -> (i32, i32) {
    %c0_i32 = arith.constant 0 : i32
    %c0_i32_0 = arith.constant 0 : i32
    return %arg0, %c0_i32 : i32, i32
  }
  func.func @transform_1(%arg0: i32) -> (i32, i32) {
    %c0_i32 = arith.constant 0 : i32
    %c0_i32_0 = arith.constant 0 : i32
    return %arg0, %c0_i32 : i32, i32
  }
  func.func @transform_2(%arg0: i32) -> (i32, i32) {
    %c0_i32 = arith.constant 0 : i32
    %c0_i32_0 = arith.constant 0 : i32
    return %arg0, %c0_i32 : i32, i32
  }
  func.func @transform_3(%arg0: i32) -> (i32, i32) {
    %c0_i32 = arith.constant 0 : i32
    %c0_i32_0 = arith.constant 0 : i32
    return %arg0, %c0_i32 : i32, i32
  }
  func.func @transform_4(%arg0: i32) -> (i32, i32) {
    %c0_i32 = arith.constant 0 : i32
    %c0_i32_0 = arith.constant 0 : i32
    return %arg0, %c0_i32 : i32, i32
  }
  func.func @transform_5(%arg0: i32) -> (i32, i32) {
    %c0_i32 = arith.constant 0 : i32
    %c0_i32_0 = arith.constant 0 : i32
    %c0_i32_1 = arith.constant 0 : i32
    return %c0_i32, %c0_i32_0 : i32, i32
  }
  func.func @transform_6(%arg0: i32) -> (i32, i32) {
    %c0_i32 = arith.constant 0 : i32
    %c0_i32_0 = arith.constant 0 : i32
    return %arg0, %c0_i32 : i32, i32
  }
}

</mosaic_0001>

<sc_bundles>
// kernel: kernel.12.cloned.1.call-start
scs
__scs_entry_jumppad:
0x0: {  	(pc) =	sbr.rel $0x88, $3  }
0x1: {  	(tag) =	ssettag $0x0;
	lr =	simm.s32 $0x1  }
0x2: {  	[smem:$0x3F9A] =	sst lr;
	_ =	strace $0xD0000000  }
0x3: {  	_ = 	snop  }
0x4: {  	_ = 	snop  }
0x5: {  	_ = 	snop  }
0x6: {  	_ = 	snop  }
0x7: {  	_ = 	snop  }
__scs_overlays_trampoline_lowered:
0x8: {  	[smem:$0x3FA9] =	sst s0  }
0x9: {  	[smem:$0x3FAA] =	sst s1  }
0xa: {  	[smem:$0x3FAB] =	sst s2  }
0xb: {  	[smem:$0x3FAC] =	sst s3  }
0xc: {  	[smem:$0x3FAD] =	sst s4  }
0xd: {  	[smem:$0x3FAE] =	sst s5  }
0xe: {  	[smem:$0x3FAF] =	sst s6  }
0xf: {  	[smem:$0x3FB0] =	sst s7  }
0x10: {  	[smem:$0x3FB1] =	sst s8  }
0x11: {  	[smem:$0x3FB2] =	sst s9;
	s0 =	simm.s32 @!p0 $0x0  }
0x12: {  	s1 =	sld [smem:$0x3F98];
	s0 =	simm.s32 @p0 $0x1  }
0x13: {  	[smem:$0x3FB3] =	sst s0;
	s0 =	simm.s32 @!p1 $0x0  }
0x14: {  	s2 =	sld [smem:$0x3F97];
	s0 =	simm.s32 @p1 $0x1  }
0x15: {  	[smem:$0x3FB4] =	sst s0;
	s0 =	simm.s32 @!p2 $0x0  }
0x16: {  	s3 =	sld [smem:$0x3FDB];
	s0 =	simm.s32 @p2 $0x1  }
0x17: {  	s4 =	simm.s32 $0x1BF5;
	[smem:$0x3FB6] =	sst s0  }
0x18: {  	s0 =	sld [smem:$0x3F99];
	_ =	swait.ge [sflag:s4], $0x0  }
0x19: {  	s7 =	sld [smem:$0x3F9A]  }
0x1a: {  	s8 =	sadd.s32 $0xFFFFE003, lr  }
0x1b: {  	s9 =	sadd.s32 $0xFFFFFEF7, lr;
	s5 =	simm.s32 $0xFFFFFFFF;
	p2 =	slt.u32 s8, $0xFFFFF086  }
0x1c: {  	p1 =	slt.u32 s9, $0xF7A;
	s5 =	simm.s32 @!p2 $0x0  }
0x1d: {  	s5 =	simm.s32 @p1 $0x1;
	p0 =	seq.s32 s7, s2  }
0x1e: {  	s7 =	smul.u32 @!p0 $0xF7A, s2;
	p2 =	seq.s32 @!p0 s5, $0x0  }
0x1f: {  	s9 =	smul.u32 $0xF7A, s1;
	s8 =	simm.s32 @!p0 $0x1BF5;
	p2 =	por !p2, p0  }
0x20: {  	[sflag:s8] =	ssyncset.s32 @!p0 $0xFFFFF086;
	s6 =	sadd.s32 @!p0 s3, s7;
	s7 =	simm.s32 @!p0 $0x108  }
0x21: {  	s3 =	sadd.s32 s3, s9;
	s6 =	sadd.s32 @!p0 $0x88, s6;
	s7 =	simm.s32 @p2 $0x1082  }
0x22: {  	[simem:s7], [sflag:s8] =	dma.local @!p0 [hbm:s6], $0xF7A  }
0x23: {  	s9 =	sor.u32 $0xD0000000, s2;
	s6 =	simm.s32 $0x108;
	_ =	swait.ge @!p0 [sflag:s8], $0x0  }
0x24: {  	s3 =	sadd.s32 $0x88, s3;
	s6 =	simm.s32 @!p1 $0x1082;
	[sflag:s4] =	ssyncset.s32 $0xFFFFF086  }
0x25: {  	[simem:s6], [sflag:s4] =	dma.local [hbm:s3], $0xF7A  }
0x26: {  	[smem:$0x3F9A] =	sst s1;
	(tag) =	ssettag s2;
	_ =	strace s9  }
0x27: {  	s1 =	sld [smem:$0x3FAA]  }
0x28: {  	s2 =	sld [smem:$0x3FAB]  }
0x29: {  	s4 =	sld [smem:$0x3FAD]  }
0x2a: {  	p0 =	seq.s32 s5, $0x0;
	s5 =	sld [smem:$0x3FAE]  }
0x2b: {  	s6 =	sld [smem:$0x3FAF]  }
0x2c: {  	s7 =	sld [smem:$0x3FB0]  }
0x2d: {  	s3 =	simm.s32 $0x108;
	s8 =	sld [smem:$0x3FB1]  }
0x2e: {  	s3 =	simm.s32 @!p0 $0x1082;
	s9 =	sld [smem:$0x3FB2]  }
0x2f: {  	lr =	sadd.s32 s0, s3;
	s0 =	sld [smem:$0x3FA9]  }
0x30: {  	s3 =	sld [smem:$0x3FAC]  }
0x31: {  	[smem:$0x3FB5] =	sst s10  }
0x32: {  	s10 =	sld [smem:$0x3FB3];
	_ =	sdelay $0x3  }
0x33: {  	p0 =	seq.s32 s10, $0x1;
	s10 =	sld [smem:$0x3FB5];
	_ =	sdelay $0x3  }
0x34: {  	[smem:$0x3FB5] =	sst s10  }
0x35: {  	s10 =	sld [smem:$0x3FB4];
	_ =	sdelay $0x3  }
0x36: {  	p1 =	seq.s32 s10, $0x1;
	s10 =	sld [smem:$0x3FB5];
	_ =	sdelay $0x3  }
0x37: {  	[smem:$0x3FB5] =	sst s10  }
0x38: {  	s10 =	sld [smem:$0x3FB6]  }
0x39: {  	_ = 	snop;
	(pc) =	sbr.ind lr, $3  }
0x3a: {  	_ = 	snop  }
0x3b: {  	_ = 	snop  }
0x3c: {  	p2 =	seq.s32 s10, $0x1;
	s10 =	sld [smem:$0x3FB5]  }
0x3d: {  	_ =	shalt  }
0x3e: {  	_ =	shalt  }
0x3f: {  	_ =	shalt  }
0x40: {  	_ =	shalt  }
0x41: {  	_ =	shalt  }
0x42: {  	_ =	shalt  }
0x43: {  	_ =	shalt  }
0x44: {  	_ =	shalt  }
0x45: {  	_ =	shalt  }
0x46: {  	_ =	shalt  }
0x47: {  	_ =	shalt  }
0x48: {  	_ =	shalt  }
0x49: {  	_ =	shalt  }
0x4a: {  	_ =	shalt  }
0x4b: {  	_ =	shalt  }
0x4c: {  	_ =	shalt  }
0x4d: {  	_ =	shalt  }
0x4e: {  	_ =	shalt  }
0x4f: {  	_ =	shalt  }
0x50: {  	_ =	shalt  }
0x51: {  	_ =	shalt  }
0x52: {  	_ =	shalt  }
0x53: {  	_ =	shalt  }
0x54: {  	_ =	shalt  }
0x55: {  	_ =	shalt  }
0x56: {  	_ =	shalt  }
0x57: {  	_ =	shalt  }
0x58: {  	_ =	shalt  }
0x59: {  	_ =	shalt  }
0x5a: {  	_ =	shalt  }
0x5b: {  	_ =	shalt  }
0x5c: {  	_ =	shalt  }
0x5d: {  	_ =	shalt  }
0x5e: {  	_ =	shalt  }
0x5f: {  	_ =	shalt  }
0x60: {  	_ =	shalt  }
0x61: {  	_ =	shalt  }
0x62: {  	_ =	shalt  }
0x63: {  	_ =	shalt  }
0x64: {  	_ =	shalt  }
0x65: {  	_ =	shalt  }
0x66: {  	_ =	shalt  }
0x67: {  	_ =	shalt  }
0x68: {  	_ =	shalt  }
0x69: {  	_ =	shalt  }
0x6a: {  	_ =	shalt  }
0x6b: {  	_ =	shalt  }
0x6c: {  	_ =	shalt  }
0x6d: {  	_ =	shalt  }
0x6e: {  	_ =	shalt  }
0x6f: {  	_ =	shalt  }
0x70: {  	_ =	shalt  }
0x71: {  	_ =	shalt  }
0x72: {  	_ =	shalt  }
0x73: {  	_ =	shalt  }
0x74: {  	_ =	shalt  }
0x75: {  	_ =	shalt  }
0x76: {  	_ =	shalt  }
0x77: {  	_ =	shalt  }
0x78: {  	_ =	shalt  }
0x79: {  	_ =	shalt  }
0x7a: {  	_ =	shalt  }
0x7b: {  	_ =	shalt  }
0x7c: {  	_ =	shalt  }
0x7d: {  	_ =	shalt  }
0x7e: {  	_ =	shalt  }
0x7f: {  	_ =	shalt  }
0x80: {  	_ =	shalt  }
0x81: {  	_ =	shalt  }
0x82: {  	_ =	shalt  }
0x83: {  	_ =	shalt  }
0x84: {  	_ =	shalt  }
0x85: {  	_ =	shalt  }
0x86: {  	_ =	shalt  }
0x87: {  	_ =	shalt  }
.Lfunc_end0:
.L_simem_size_0:
called_computation.1_lowered:
.L_overlay_start_0:
0x88: {  	s2 =	sld [smem:$0x3FD9]  }
0x89: {  	s3 =	sld [smem:$0x3FFE];
	_ =	sdelay $0x1  }
0x8a: {  	s1 =	srdreg.scid  }
0x8b: {  	s0 =	sand.u32 $0x1, s1  }
0x8c: {  	s17 =	sshll.u32 s0, $0xA;
	s2 =	sadd.s32 s3, s2  }
0x8d: {  	s2 =	sadd.s32 s2, s17  }
0x8e: {  	[smem:$0x3FC1] =	sst s2  }
0x8f: {  	_ = 	snop  }
0x90: {  	(tm) =	ssettm $0x1  }
0x91: {  	s18 =	sld [smem:$0x3FFB];
	_ =	sdelay $0x3  }
0x92: {  	_ =	strace s18  }
0x93: {  	s2 =	sld [smem:$0x3FFC];
	_ =	sdelay $0x3  }
0x94: {  	_ =	strace s2  }
0x95: {  	s2 =	sld [smem:$0x3FFD];
	_ =	sdelay $0x3  }
0x96: {  	_ =	strace s2  }
0x97: {  	_ =	strace $0x8FFFFFFF  }
0x98: {  	s19 =	sld [smem:$0x3FDB];
	_ =	sdelay $0x1  }
0x99: {  	s20 =	simm.s32 $_scs_section_size  }
0x9a: {  	s4 =	simm.s32 $_size__tile_overlayer_lowered;
	s5 =	simm.s32 $_tile_overlayer_lowered  }
0x9b: {  	s6 =	simm.s32 $0x1BFF;
	s21 =	sshll.u32 s5, $0x1;
	s3 =	sadd.s32 s20, s19  }
0x9c: {  	s22 =	simm.s32 $0x0;
	s4 =	sshll.u32 s4, $0x1;
	s5 =	sadd.s32 s21, s3  }
0x9d: {  	[timem:s22], [sflag:s6] =	dma.local [hbm:s5], s4  }
0x9e: {  	_ =	swait.ge [sflag:s6], s4  }
0x9f: {  	s4 =	ssub.s32 $0x0, s4;
	[sflag:s6] =	ssyncset.done $0x0  }
0xa0: {  	[sflag:s6] =	ssyncadd.s32 s4;
	_ =	sdelay $0x1  }
0xa1: {  	s23 =	simm.s32 $0x1B8B  }
0xa2: {  	_ =	swait.ge [sflag:s23], $0x1  }
0xa3: {  	[sflag:s23] =	ssyncset.done $0x0  }
0xa4: {  	[sflag:s23] =	ssyncadd.s32 $0xFFFFFFFF  }
0xa5: {  	s4 =	sld [smem:$0x0]  }
0xa6: {  	s5 =	sand.u32 $0xFFFFFFFE, s1  }
0xa7: {  	p0 =	sne.s32 s1, s5  }
0xa8: {  	s5 =	sshll.u32 @p0 s5, $0xE  }
0xa9: {  	s5 =	sadd.s32 @p0 $0x11B8D, s5;
	s6 =	sshll.u32 @p0 s4, $0x11  }
0xaa: {  	s5 =	sor.u32 @p0 s6, s5  }
0xab: {  	[sflag:s5] =	ssyncadd.remote.s32 @p0 $0x1;
	_ =	sdelay $0x1  }
0xac: {  	s5 =	simm.s32 @p0 $0x1B8D  }
0xad: {  	_ =	swait.eq @p0 [sflag:s5], $0x1  }
0xae: {  	[sflag:s5] =	ssyncadd.s32 @p0 $0xFFFFFFFF  }
0xaf: {  	s6 =	sshll.u32 @!p0 s1, $0xE  }
0xb0: {  	s6 =	sor.u32 @!p0 $0x4000, s6;
	s5 =	simm.s32 @!p0 $0x1B8D  }
0xb1: {  	s4 =	sshll.u32 @!p0 s4, $0x11;
	s6 =	sadd.s32 @!p0 $0x11B8D, s6;
	_ =	swait.eq @!p0 [sflag:s5], $0x1  }
0xb2: {  	s4 =	sor.u32 @!p0 s4, s6;
	[sflag:s5] =	ssyncadd.s32 @!p0 $0xFFFFFFFF  }
0xb3: {  	s25 =	simm.s32 $0x1B8E;
	s24 =	sld [smem:$0x3FFE];
	[sflag:s4] =	ssyncadd.remote.s32 @!p0 $0x1  }
0xb4: {  	s26 =	simm.s32 $execute0_lowered;
	[smem:$0x3FD2] =	sst s25  }
0xb5: {  	s5 =	sshll.u32 s26, $0x1;
	_ =	strace $0x80000049;
	[dreg:$0x1] =	wrdreg $0xFFFFFFFF  }
0xb6: {  	s28 =	simm.s32 $_size_execute0_lowered;
	s3 =	sadd.s32 s3, s5;
	[dreg:$0x0] =	wrdreg $0x0  }
0xb7: {  	s5 =	sshll.u32 s28, $0x1;
	[dreg:$0x2] =	wrdreg s3  }
0xb8: {  	[dreg:$0x3] =	wrdreg s5  }
0xb9: {  	[dreg:$0x4] =	wrdreg $0xC0  }
0xba: {  	_ =	task [dreg:s22], $0x5FFFF  }
0xbb: {  	[dreg:$0x1] =	wrdreg $0xFFFFFFFF  }
0xbc: {  	[dreg:$0x0] =	wrdreg $0x60  }
0xbd: {  	[dreg:$0x2] =	wrdreg s24  }
0xbe: {  	[dreg:$0x3] =	wrdreg $0xA8000  }
0xbf: {  	[dreg:$0x4] =	wrdreg $0x9  }
0xc0: {  	_ =	task.clear_ibuf [dreg:s22], $0x5FFFF;
	_ =	strace $0x90000049  }
0xc1: {  	s29 =	simm.s32 $0x9;
	_ =	strace $0x8000004B  }
0xc2: {  	_ =	swait.ge [sflag:s29], $0x1  }
0xc3: {  	[sflag:s29] =	ssyncadd.s32 $0xFFFFFFFF  }
0xc4: {  	_ =	strace $0x9000004B  }
0xc5: {  	_ =	sfence  }
0xc6: {  	s30 =	sld [smem:$0x0];
	_ =	sdelay $0x2  }
0xc7: {  	s31 =	sshll.u32 s1, $0xD;
	s1 =	sshrl.u32 s1, $0x2  }
0xc8: {  	s4 =	sand.u32 $0x4000, s31;
	s1 =	sadd.s32 s1, s30  }
0xc9: {  	s0 =	sor.u32 s4, s0;
	s1 =	sshll.u32 s1, $0x11  }
0xca: {  	s0 =	sor.u32 s1, s0  }
0xcb: {  	s0 =	sadd.s32 $0x8F2B, s0  }
0xcc: {  	[sflag:s0] =	ssyncadd.remote.s32 $0x1  }
0xcd: {  	_ =	sfence.sel $0xFFFF  }
0xce: {  	[dreg:$0x0] =	wrdreg $0xFFFFFFFF;
	(pc) =	sbr.abs _section_cstart, $3  }
0xcf: {  	[dreg:$0x1] =	wrdreg $0xFFFFFFFF  }
0xd0: {  	_ =	task.clear_ibuf [dreg:s22], $0x2FFFF;
	_ =	strace $0x9FFFFFFF  }
0xd1: {  	(tm) =	ssettm $0x7FFFFFFF  }
tec
execute0_lowered:
.L_overlay_start_1:
0x0: {  	(tag) =	ssettag $0x1  }
0x1: {  	s5 =	rddreg [dreg:$0x0]  }
0x2: {  	s0 =	srdreg.scid;
	s2 =	rddreg [dreg:$0x1]  }
0x3: {  	s3 =	simm.s32 $0x0;
	s12 =	simm.s32 $0x8000;
	s13 =	simm.s32 $0x2  }
0x4: {  	s14 =	simm.s32 $0x1;
	s15 =	simm.s32 $0x80;
	s4 =	sand.u32 $0x1, s0  }
0x5: {  	s16 =	simm.s32 $0x4000;
	s0 =	stileid.u32;
	s7 =	smul.u32 $0x13C000, s4  }
0x6: {  	[smem:$0x7FF] =	sst s3;
	s1 =	sshll.u32 s4, $0x4;
	s8 =	smul.u32 $0x13C00, s0  }
0x7: {  	s9 =	smul.u32 $0x4F000, s0;
	s4 =	ssub.s32 $0x2, s4;
	s17 =	sshll.u32 s0, $0x6  }
0x8: {  	s1 =	sor.u32 s0, s1;
	s31 =	sshrl.u32 s4, $0x1;
	s17 =	sor.u32 $0x1C02, s17  }
0x9: {  	s6 =	smul.u32 $0x500, s1;
	s1 =	rddreg [dreg:$0x2];
	_ =	strace $0x8000004A  }
0xa: {  	s7 =	sadd.s32 s8, s7;
	s9 =	sshrl.u32 s9, $0x2;
	s8 =	ssub.s32 s4, s31  }
0xb: {  	s7 =	sshrl.u32 s7, $0x3;
	s4 =	sadd.s32 s9, s2;
	s8 =	smax.u32 s8, $0x1  }
0xc: {  	s6 =	sadd.s32 s6, s5;
	s7 =	sadd.s32 s7, s5;
	s9 =	sadd.s32 $0x4000, s4  }
0xd: {  	s10 =	sadd.s32 $0x8000, s4;
	s11 =	sadd.s32 $0xC000, s4;
	s18 =	sshrl.u32 s4, $0x3  }
0xe: {  	v0 =	vimm.f32 $0.0e+00;
	v1 =	vimm.f32 $1.000000000e+00;
	s5 =	sadd.s32 $0x71800, s6;
	s6 =	sadd.s32 $0x10000, s4;
	s7 =	sadd.s32 $0x7C000, s7  }
.LBB2_1:
0xf: {  	s19 =	simm.s32 $0x0;
	s20 =	simm.s32 $0x200  }
.LBB2_2:
0x10: {  	p0 =	sne.s32 s20, $0xFE00;
	[tilespmem:s19+$0x4070] =	vst v1  }
0x11: {  	[tilespmem:s19+$0x0] =	vst v0  }
0x12: {  	[tilespmem:s19+$0x4000] =	vst v1  }
0x13: {  	[tilespmem:s19+$0x10] =	vst v0  }
0x14: {  	[tilespmem:s19+$0x4010] =	vst v1  }
0x15: {  	[tilespmem:s19+$0x20] =	vst v0  }
0x16: {  	[tilespmem:s19+$0x4020] =	vst v1  }
0x17: {  	[tilespmem:s19+$0x30] =	vst v0  }
0x18: {  	[tilespmem:s19+$0x4030] =	vst v1  }
0x19: {  	[tilespmem:s19+$0x40] =	vst v0  }
0x1a: {  	[tilespmem:s19+$0x4040] =	vst v1  }
.Ltmp0:
0x1b: {  	[tilespmem:s19+$0x50] =	vst v0;
	(pc) =	sbr.rel @p0 .LBB2_2-.Ltmp0, $4  }
0x1c: {  	[tilespmem:s19+$0x4050] =	vst v1  }
0x1d: {  	[tilespmem:s19+$0x60] =	vst v0  }
0x1e: {  	[tilespmem:s19+$0x4060] =	vst v1  }
0x1f: {  	[tilespmem:s19+$0x70] =	vst v0;
	s19 =	sshra.s32 s20, $0x2;
	s20 =	sadd.s32 $0x200, s20  }
0x20: {  	[tilespmem:s19+$0x4070] =	vst v1  }
0x21: {  	[tilespmem:s19+$0x0] =	vst v0  }
0x22: {  	[tilespmem:s19+$0x4000] =	vst v1  }
0x23: {  	[tilespmem:s19+$0x10] =	vst v0  }
0x24: {  	[tilespmem:s19+$0x4010] =	vst v1  }
0x25: {  	[tilespmem:s19+$0x20] =	vst v0  }
0x26: {  	[tilespmem:s19+$0x4020] =	vst v1  }
0x27: {  	[tilespmem:s19+$0x30] =	vst v0  }
0x28: {  	[tilespmem:s19+$0x4030] =	vst v1  }
0x29: {  	[tilespmem:s19+$0x40] =	vst v0  }
0x2a: {  	[tilespmem:s19+$0x4040] =	vst v1  }
0x2b: {  	[tilespmem:s19+$0x50] =	vst v0  }
0x2c: {  	[tilespmem:s19+$0x4050] =	vst v1  }
0x2d: {  	[tilespmem:s19+$0x60] =	vst v0  }
0x2e: {  	[tilespmem:s19+$0x4060] =	vst v1  }
0x2f: {  	[tilespmem:s19+$0x70] =	vst v0;
	s30 =	simm.s32 $0x0  }
0x30: {  	[tilespmem:s12], [sflag:$0x1] =	stream.linear.gather [hbm4b:s5+s30], $0x2800, $0x38;
	[tilespmem:$0x1E400] =	vst v63  }
0x31: {  	_ = 	snop  }
0x32: {  	[spmem:s4] =	stream.linear.scatter [tilespmem:s30], [sflag:$0x2], $0x4000, $0x38;
	[tilespmem:$0x1E400] =	vst v63  }
0x33: {  	_ =	swait.ge [sflag:s13], $0x4000  }
0x34: {  	[sflag:s13] =	ssyncset.done $0x0  }
0x35: {  	[sflag:s13] =	ssyncadd.s32 $0xFFFFC000  }
0x36: {  	[spmem:s9] =	stream.linear.scatter [tilespmem:s30], [sflag:$0x2], $0x4000, $0x38;
	[tilespmem:$0x1E400] =	vst v63  }
0x37: {  	_ =	swait.ge [sflag:s13], $0x4000  }
0x38: {  	[sflag:s13] =	ssyncset.done $0x0  }
0x39: {  	[sflag:s13] =	ssyncadd.s32 $0xFFFFC000  }
0x3a: {  	[spmem:s10] =	stream.linear.scatter [tilespmem:s30], [sflag:$0x2], $0x4000, $0x38;
	[tilespmem:$0x1E400] =	vst v63  }
0x3b: {  	_ =	swait.ge [sflag:s13], $0x4000  }
0x3c: {  	[sflag:s13] =	ssyncset.done $0x0  }
0x3d: {  	[sflag:s13] =	ssyncadd.s32 $0xFFFFC000  }
0x3e: {  	[spmem:s11] =	stream.linear.scatter [tilespmem:s30], [sflag:$0x2], $0x4000, $0x38;
	[tilespmem:$0x1E400] =	vst v63  }
0x3f: {  	_ =	swait.ge [sflag:s13], $0x4000  }
0x40: {  	[sflag:s13] =	ssyncset.done $0x0  }
0x41: {  	[sflag:s13] =	ssyncadd.s32 $0xFFFFC000  }
0x42: {  	[spmem:s6] =	stream.linear.scatter [tilespmem:s30], [sflag:$0x2], $0x3C00, $0x38;
	[tilespmem:$0x1E400] =	vst v63  }
0x43: {  	_ =	swait.ge [sflag:s13], $0x3C00  }
0x44: {  	[sflag:s13] =	ssyncset.done $0x0  }
0x45: {  	[sflag:s13] =	ssyncadd.s32 $0xFFFFC400  }
0x46: {  	_ =	swait.ge [sflag:s14], $0x2800  }
0x47: {  	[sflag:s14] =	ssyncset.done $0x0  }
0x48: {  	[sflag:s14] =	ssyncadd.s32 $0xFFFFD800  }
0x49: {  	s31 =	simm.s32 $0x8000;
	[bflag:$0x0] =	sbarrier.arrive $0xFFFF  }
0x4a: {  	[spmem:s2] =	stream.indirect.scatter.add.f32 [tilespmem:s16], [sflag:$0x2], $0x80, s31, s15, $0xb8;
	[tilespmem:$0x1E400] =	vst v63  }
0x4b: {  	s19 =	simm.s32 $0x200;
	_ =	swait.ge [sflag:s13], $0x4000  }
.LBB2_4:
0x4c: {  	s20 =	sshra.s32 s19, $0x2;
	[sflag:s13] =	ssyncset.done $0x0;
	p0 =	sne.s32 s19, $0x9E00  }
.Ltmp1:
0x4d: {  	s20 =	sadd.s32 $0x8000, s20;
	[sflag:s13] =	ssyncadd.s32 $0xFFFFC000;
	(pc) =	sbr.rel @p0 .LBB2_4-.Ltmp1, $3  }
0x4e: {  	[spmem:s2] =	stream.indirect.scatter.add.f32 [tilespmem:s16], [sflag:$0x2], $0x80, s20, s15, $0xb8;
	[tilespmem:$0x1E400] =	vst v63  }
0x4f: {  	s19 =	sadd.s32 $0x200, s19;
	_ =	sdelay $0x1  }
0x50: {  	_ =	swait.ge [sflag:s13], $0x4000  }
0x51: {  	[sflag:s13] =	ssyncset.done $0x0;
	s3 =	sadd.s32 $0x1, s3  }
0x52: {  	[sflag:s13] =	ssyncadd.s32 $0xFFFFC000;
	p0 =	sne.s32 s3, s8  }
.Ltmp2:
0x53: {  	[bflag:$0x0] =	sbarrier.arrive $0xFFFF;
	(pc) =	sbr.rel @p0 .LBB2_1-.Ltmp2, $4  }
0x54: {  	[hbm:s7], [sflag:s17] =	dma.local [spmem:s18], $0x2780  }
0x55: {  	_ =	swait.ge [sflag:s13], $0x2780  }
0x56: {  	[sflag:s13] =	ssyncset.done $0x0  }
0x57: {  	[sflag:s13] =	ssyncadd.s32 $0xFFFFD880  }
0x58: {  	_ =	sfence.sel $0x180000  }
0x59: {  	[bflag:$0x0] =	sbarrier.arrive $0xFFFF  }
0x5a: {  	p0 =	sne.s32 s0, $0x0;
	_ =	strace $0x9000004A  }
0x5b: {  	s0 =	sadd.s32 @!p0 $0x100000, s1;
	[bflag:$0x2] =	sbarrier.arrive $0xFFFF  }
0x5c: {  	[sflag:s0] =	ssyncadd.tile.s32 @!p0 $0x1;
	_ =	shalt  }
.Lfunc_end2:
_tile_overlayer_lowered:
.L_overlay_start_2:
0x5d: {  	(tag) =	ssettag $0x2  }
0x5e: {  	s0 =	rddreg [dreg:$0x0];
	s2 =	stileid.u32  }
0x5f: {  	s1 =	rddreg [dreg:$0x1];
	p0 =	sne.s32 s2, $0x0  }
0x60: {  	s3 =	rddreg [dreg:$0x2];
	[bflag:$0x3] =	sbarrier.arrive $0xFFFF;
	s2 =	simm.s32 @!p0 $0x1C02  }
0x61: {  	[timem:s3], [sflag:s2] =	dma.local @!p0 [hbm:s0], s1  }
0x62: {  	s0 =	simm.s32 @!p0 $0x2  }
0x63: {  	_ =	swait.ge @!p0 [sflag:s0], s1  }
0x64: {  	s1 =	ssub.s32 @!p0 $0x0, s1;
	[sflag:s0] =	ssyncset.done @!p0 $0x0  }
0x65: {  	[sflag:s0] =	ssyncadd.s32 @!p0 s1  }
0x66: {  	[bflag:$0x3] =	sbarrier.arrive $0xFFFF  }
0x67: {  	_ =	shalt  }

// kernel: kernel.15.cloned.1.call-start
scs
__scs_entry_jumppad:
0x0: {  	(pc) =	sbr.rel $0x88, $3  }
0x1: {  	(tag) =	ssettag $0x0;
	lr =	simm.s32 $0x1  }
0x2: {  	[smem:$0x3F9A] =	sst lr;
	_ =	strace $0xD0000000  }
0x3: {  	_ = 	snop  }
0x4: {  	_ = 	snop  }
0x5: {  	_ = 	snop  }
0x6: {  	_ = 	snop  }
0x7: {  	_ = 	snop  }
__scs_overlays_trampoline_lowered:
0x8: {  	[smem:$0x3FA9] =	sst s0  }
0x9: {  	[smem:$0x3FAA] =	sst s1  }
0xa: {  	[smem:$0x3FAB] =	sst s2  }
0xb: {  	[smem:$0x3FAC] =	sst s3  }
0xc: {  	[smem:$0x3FAD] =	sst s4  }
0xd: {  	[smem:$0x3FAE] =	sst s5  }
0xe: {  	[smem:$0x3FAF] =	sst s6  }
0xf: {  	[smem:$0x3FB0] =	sst s7  }
0x10: {  	[smem:$0x3FB1] =	sst s8  }
0x11: {  	[smem:$0x3FB2] =	sst s9;
	s0 =	simm.s32 @!p0 $0x0  }
0x12: {  	s1 =	sld [smem:$0x3F98];
	s0 =	simm.s32 @p0 $0x1  }
0x13: {  	[smem:$0x3FB3] =	sst s0;
	s0 =	simm.s32 @!p1 $0x0  }
0x14: {  	s2 =	sld [smem:$0x3F97];
	s0 =	simm.s32 @p1 $0x1  }
0x15: {  	[smem:$0x3FB4] =	sst s0;
	s0 =	simm.s32 @!p2 $0x0  }
0x16: {  	s3 =	sld [smem:$0x3FDB];
	s0 =	simm.s32 @p2 $0x1  }
0x17: {  	s4 =	simm.s32 $0x1BF5;
	[smem:$0x3FB6] =	sst s0  }
0x18: {  	s0 =	sld [smem:$0x3F99];
	_ =	swait.ge [sflag:s4], $0x0  }
0x19: {  	s7 =	sld [smem:$0x3F9A]  }
0x1a: {  	s8 =	sadd.s32 $0xFFFFE003, lr  }
0x1b: {  	s9 =	sadd.s32 $0xFFFFFEF7, lr;
	s5 =	simm.s32 $0xFFFFFFFF;
	p2 =	slt.u32 s8, $0xFFFFF086  }
0x1c: {  	p1 =	slt.u32 s9, $0xF7A;
	s5 =	simm.s32 @!p2 $0x0  }
0x1d: {  	s5 =	simm.s32 @p1 $0x1;
	p0 =	seq.s32 s7, s2  }
0x1e: {  	s7 =	smul.u32 @!p0 $0xF7A, s2;
	p2 =	seq.s32 @!p0 s5, $0x0  }
0x1f: {  	s9 =	smul.u32 $0xF7A, s1;
	s8 =	simm.s32 @!p0 $0x1BF5;
	p2 =	por !p2, p0  }
0x20: {  	[sflag:s8] =	ssyncset.s32 @!p0 $0xFFFFF086;
	s6 =	sadd.s32 @!p0 s3, s7;
	s7 =	simm.s32 @!p0 $0x108  }
0x21: {  	s3 =	sadd.s32 s3, s9;
	s6 =	sadd.s32 @!p0 $0x88, s6;
	s7 =	simm.s32 @p2 $0x1082  }
0x22: {  	[simem:s7], [sflag:s8] =	dma.local @!p0 [hbm:s6], $0xF7A  }
0x23: {  	s9 =	sor.u32 $0xD0000000, s2;
	s6 =	simm.s32 $0x108;
	_ =	swait.ge @!p0 [sflag:s8], $0x0  }
0x24: {  	s3 =	sadd.s32 $0x88, s3;
	s6 =	simm.s32 @!p1 $0x1082;
	[sflag:s4] =	ssyncset.s32 $0xFFFFF086  }
0x25: {  	[simem:s6], [sflag:s4] =	dma.local [hbm:s3], $0xF7A  }
0x26: {  	[smem:$0x3F9A] =	sst s1;
	(tag) =	ssettag s2;
	_ =	strace s9  }
0x27: {  	s1 =	sld [smem:$0x3FAA]  }
0x28: {  	s2 =	sld [smem:$0x3FAB]  }
0x29: {  	s4 =	sld [smem:$0x3FAD]  }
0x2a: {  	p0 =	seq.s32 s5, $0x0;
	s5 =	sld [smem:$0x3FAE]  }
0x2b: {  	s6 =	sld [smem:$0x3FAF]  }
0x2c: {  	s7 =	sld [smem:$0x3FB0]  }
0x2d: {  	s3 =	simm.s32 $0x108;
	s8 =	sld [smem:$0x3FB1]  }
0x2e: {  	s3 =	simm.s32 @!p0 $0x1082;
	s9 =	sld [smem:$0x3FB2]  }
0x2f: {  	lr =	sadd.s32 s0, s3;
	s0 =	sld [smem:$0x3FA9]  }
0x30: {  	s3 =	sld [smem:$0x3FAC]  }
0x31: {  	[smem:$0x3FB5] =	sst s10  }
0x32: {  	s10 =	sld [smem:$0x3FB3];
	_ =	sdelay $0x3  }
0x33: {  	p0 =	seq.s32 s10, $0x1;
	s10 =	sld [smem:$0x3FB5];
	_ =	sdelay $0x3  }
0x34: {  	[smem:$0x3FB5] =	sst s10  }
0x35: {  	s10 =	sld [smem:$0x3FB4];
	_ =	sdelay $0x3  }
0x36: {  	p1 =	seq.s32 s10, $0x1;
	s10 =	sld [smem:$0x3FB5];
	_ =	sdelay $0x3  }
0x37: {  	[smem:$0x3FB5] =	sst s10  }
0x38: {  	s10 =	sld [smem:$0x3FB6]  }
0x39: {  	_ = 	snop;
	(pc) =	sbr.ind lr, $3  }
0x3a: {  	_ = 	snop  }
0x3b: {  	_ = 	snop  }
0x3c: {  	p2 =	seq.s32 s10, $0x1;
	s10 =	sld [smem:$0x3FB5]  }
0x3d: {  	_ =	shalt  }
0x3e: {  	_ =	shalt  }
0x3f: {  	_ =	shalt  }
0x40: {  	_ =	shalt  }
0x41: {  	_ =	shalt  }
0x42: {  	_ =	shalt  }
0x43: {  	_ =	shalt  }
0x44: {  	_ =	shalt  }
0x45: {  	_ =	shalt  }
0x46: {  	_ =	shalt  }
0x47: {  	_ =	shalt  }
0x48: {  	_ =	shalt  }
0x49: {  	_ =	shalt  }
0x4a: {  	_ =	shalt  }
0x4b: {  	_ =	shalt  }
0x4c: {  	_ =	shalt  }
0x4d: {  	_ =	shalt  }
0x4e: {  	_ =	shalt  }
0x4f: {  	_ =	shalt  }
0x50: {  	_ =	shalt  }
0x51: {  	_ =	shalt  }
0x52: {  	_ =	shalt  }
0x53: {  	_ =	shalt  }
0x54: {  	_ =	shalt  }
0x55: {  	_ =	shalt  }
0x56: {  	_ =	shalt  }
0x57: {  	_ =	shalt  }
0x58: {  	_ =	shalt  }
0x59: {  	_ =	shalt  }
0x5a: {  	_ =	shalt  }
0x5b: {  	_ =	shalt  }
0x5c: {  	_ =	shalt  }
0x5d: {  	_ =	shalt  }
0x5e: {  	_ =	shalt  }
0x5f: {  	_ =	shalt  }
0x60: {  	_ =	shalt  }
0x61: {  	_ =	shalt  }
0x62: {  	_ =	shalt  }
0x63: {  	_ =	shalt  }
0x64: {  	_ =	shalt  }
0x65: {  	_ =	shalt  }
0x66: {  	_ =	shalt  }
0x67: {  	_ =	shalt  }
0x68: {  	_ =	shalt  }
0x69: {  	_ =	shalt  }
0x6a: {  	_ =	shalt  }
0x6b: {  	_ =	shalt  }
0x6c: {  	_ =	shalt  }
0x6d: {  	_ =	shalt  }
0x6e: {  	_ =	shalt  }
0x6f: {  	_ =	shalt  }
0x70: {  	_ =	shalt  }
0x71: {  	_ =	shalt  }
0x72: {  	_ =	shalt  }
0x73: {  	_ =	shalt  }
0x74: {  	_ =	shalt  }
0x75: {  	_ =	shalt  }
0x76: {  	_ =	shalt  }
0x77: {  	_ =	shalt  }
0x78: {  	_ =	shalt  }
0x79: {  	_ =	shalt  }
0x7a: {  	_ =	shalt  }
0x7b: {  	_ =	shalt  }
0x7c: {  	_ =	shalt  }
0x7d: {  	_ =	shalt  }
0x7e: {  	_ =	shalt  }
0x7f: {  	_ =	shalt  }
0x80: {  	_ =	shalt  }
0x81: {  	_ =	shalt  }
0x82: {  	_ =	shalt  }
0x83: {  	_ =	shalt  }
0x84: {  	_ =	shalt  }
0x85: {  	_ =	shalt  }
0x86: {  	_ =	shalt  }
0x87: {  	_ =	shalt  }
.Lfunc_end0:
.L_simem_size_0:
called_computation.2_lowered:
.L_overlay_start_0:
0x88: {  	s2 =	sld [smem:$0x3FD9]  }
0x89: {  	s3 =	sld [smem:$0x3FFE];
	_ =	sdelay $0x1  }
0x8a: {  	s1 =	srdreg.scid  }
0x8b: {  	s0 =	sand.u32 $0x1, s1  }
0x8c: {  	s17 =	sshll.u32 s0, $0xA;
	s2 =	sadd.s32 s3, s2  }
0x8d: {  	s2 =	sadd.s32 s2, s17  }
0x8e: {  	[smem:$0x3FC1] =	sst s2  }
0x8f: {  	_ = 	snop  }
0x90: {  	s18 =	sld [smem:$0x3FD0];
	(tm) =	ssettm $0x1  }
0x91: {  	s19 =	sld [smem:$0x3FFB];
	_ =	sdelay $0x3  }
0x92: {  	_ =	strace s19  }
0x93: {  	s2 =	sld [smem:$0x3FFC];
	_ =	sdelay $0x3  }
0x94: {  	_ =	strace s2  }
0x95: {  	s2 =	sld [smem:$0x3FFD];
	_ =	sdelay $0x3  }
0x96: {  	_ =	strace s2  }
0x97: {  	_ =	strace $0x8FFFFFFF  }
0x98: {  	s20 =	sld [smem:$0x3FDB];
	_ =	sdelay $0x1  }
0x99: {  	s4 =	simm.s32 $_scs_section_size  }
0x9a: {  	s5 =	simm.s32 $_size__tile_overlayer_lowered;
	s6 =	simm.s32 $_tile_overlayer_lowered  }
0x9b: {  	s7 =	simm.s32 $0x1BFF;
	s21 =	sshll.u32 s6, $0x1;
	s4 =	sadd.s32 s4, s20  }
0x9c: {  	s22 =	simm.s32 $0x0;
	s5 =	sshll.u32 s5, $0x1;
	s6 =	sadd.s32 s21, s4  }
0x9d: {  	[timem:s22], [sflag:s7] =	dma.local [hbm:s6], s5  }
0x9e: {  	_ =	swait.ge [sflag:s7], s5  }
0x9f: {  	s5 =	ssub.s32 $0x0, s5;
	[sflag:s7] =	ssyncset.done $0x0  }
0xa0: {  	[sflag:s7] =	ssyncadd.s32 s5;
	_ =	sdelay $0x1  }
0xa1: {  	s23 =	simm.s32 $0x1B8B  }
0xa2: {  	_ =	swait.ge [sflag:s23], $0x1  }
0xa3: {  	[sflag:s23] =	ssyncset.done $0x0  }
0xa4: {  	[sflag:s23] =	ssyncadd.s32 $0xFFFFFFFF  }
0xa5: {  	s5 =	sld [smem:$0x0]  }
0xa6: {  	s6 =	sand.u32 $0xFFFFFFFE, s1  }
0xa7: {  	p0 =	sne.s32 s1, s6  }
0xa8: {  	s6 =	sshll.u32 @p0 s6, $0xE  }
0xa9: {  	s6 =	sadd.s32 @p0 $0x11B8D, s6;
	s7 =	sshll.u32 @p0 s5, $0x11  }
0xaa: {  	s6 =	sor.u32 @p0 s7, s6  }
0xab: {  	[sflag:s6] =	ssyncadd.remote.s32 @p0 $0x1;
	_ =	sdelay $0x1  }
0xac: {  	s6 =	simm.s32 @p0 $0x1B8D  }
0xad: {  	_ =	swait.eq @p0 [sflag:s6], $0x1  }
0xae: {  	[sflag:s6] =	ssyncadd.s32 @p0 $0xFFFFFFFF  }
0xaf: {  	s7 =	sshll.u32 @!p0 s1, $0xE  }
0xb0: {  	s7 =	sor.u32 @!p0 $0x4000, s7;
	s6 =	simm.s32 @!p0 $0x1B8D  }
0xb1: {  	s5 =	sshll.u32 @!p0 s5, $0x11;
	s7 =	sadd.s32 @!p0 $0x11B8D, s7;
	_ =	swait.eq @!p0 [sflag:s6], $0x1  }
0xb2: {  	s5 =	sor.u32 @!p0 s5, s7;
	[sflag:s6] =	ssyncadd.s32 @!p0 $0xFFFFFFFF  }
0xb3: {  	s25 =	simm.s32 $0x1B8E;
	s24 =	sld [smem:$0x3FFE];
	[sflag:s5] =	ssyncadd.remote.s32 @!p0 $0x1  }
0xb4: {  	s26 =	simm.s32 $execute0_lowered;
	[smem:$0x3FD2] =	sst s25  }
0xb5: {  	s6 =	sshll.u32 s26, $0x1;
	_ =	strace $0x8000004C;
	[dreg:$0x1] =	wrdreg $0xFFFFFFFF  }
0xb6: {  	s28 =	simm.s32 $_size_execute0_lowered;
	s4 =	sadd.s32 s4, s6;
	[dreg:$0x0] =	wrdreg $0x0  }
0xb7: {  	s6 =	sshll.u32 s28, $0x1;
	[dreg:$0x2] =	wrdreg s4  }
0xb8: {  	[dreg:$0x3] =	wrdreg s6  }
0xb9: {  	[dreg:$0x4] =	wrdreg $0xC0  }
0xba: {  	_ =	task [dreg:s22], $0x5FFFF  }
0xbb: {  	[dreg:$0x1] =	wrdreg $0xFFFFFFFF  }
0xbc: {  	[dreg:$0x0] =	wrdreg $0x60  }
0xbd: {  	[dreg:$0x2] =	wrdreg s18  }
0xbe: {  	[dreg:$0x3] =	wrdreg s24  }
0xbf: {  	[dreg:$0x4] =	wrdreg $0xC1000  }
0xc0: {  	[dreg:$0x5] =	wrdreg $0xA  }
0xc1: {  	_ =	task.clear_ibuf [dreg:s22], $0x6FFFF;
	_ =	strace $0x9000004C  }
0xc2: {  	s29 =	simm.s32 $0xA;
	_ =	strace $0x8000004E  }
0xc3: {  	_ =	swait.ge [sflag:s29], $0x1  }
0xc4: {  	[sflag:s29] =	ssyncadd.s32 $0xFFFFFFFF  }
0xc5: {  	_ =	strace $0x9000004E  }
0xc6: {  	_ =	sfence  }
0xc7: {  	s30 =	sld [smem:$0x0];
	_ =	sdelay $0x2  }
0xc8: {  	s31 =	sshll.u32 s1, $0xD;
	s1 =	sshrl.u32 s1, $0x2  }
0xc9: {  	s4 =	sand.u32 $0x4000, s31;
	s1 =	sadd.s32 s1, s30  }
0xca: {  	s0 =	sor.u32 s4, s0;
	s1 =	sshll.u32 s1, $0x11  }
0xcb: {  	s0 =	sor.u32 s1, s0  }
0xcc: {  	s0 =	sadd.s32 $0x8F2B, s0  }
0xcd: {  	[sflag:s0] =	ssyncadd.remote.s32 $0x1  }
0xce: {  	_ =	sfence.sel $0xFFFF  }
0xcf: {  	[dreg:$0x0] =	wrdreg $0xFFFFFFFF;
	(pc) =	sbr.abs _section_cstart, $3  }
0xd0: {  	[dreg:$0x1] =	wrdreg $0xFFFFFFFF  }
0xd1: {  	_ =	task.clear_ibuf [dreg:s22], $0x2FFFF;
	_ =	strace $0x9FFFFFFF  }
0xd2: {  	(tm) =	ssettm $0x7FFFFFFF  }
0xd3: {  	_ =	shalt  }
tec
execute0_lowered:
.L_overlay_start_1:
0x0: {  	(tag) =	ssettag $0x1  }
0x1: {  	s1 =	rddreg [dreg:$0x0]  }
0x2: {  	s0 =	rddreg [dreg:$0x1]  }
0x3: {  	s3 =	rddreg [dreg:$0x2];
	s2 =	srdreg.scid;
	s4 =	simm.s32 $0x0  }
0x4: {  	s10 =	stileid.u32;
	s18 =	simm.s32 $0x8000;
	s19 =	simm.s32 $0x5  }
0x5: {  	s20 =	simm.s32 $0x1;
	s21 =	simm.s32 $0x80;
	s31 =	simm.s32 $0x4000  }
0x6: {  	s22 =	simm.s32 $0xC000;
	s2 =	sand.u32 $0x1, s2;
	s23 =	smul.u32 $0x13C00, s10  }
0x7: {  	s5 =	sshll.u32 s10, $0x5;
	s7 =	sshll.u32 s10, $0x7;
	s10 =	smul.u32 $0x4F000, s10  }
0x8: {  	[smem:$0x7FF] =	sst s4;
	p0 =	seq.s32 s2, $0x0;
	s6 =	smul.u32 $0x13C000, s2  }
0x9: {  	s17 =	sor.u32 $0x800, s5;
	_ =	strace $0x8000004D;
	s5 =	sadd.s32 $0xD800, s0  }
0xa: {  	s2 =	ssub.s32 $0x2, s2;
	[dreg:$0x4] =	wrdreg s31;
	s17 =	smov.u32 @p0 s7  }
0xb: {  	s25 =	sshrl.u32 s2, $0x1;
	s10 =	sshrl.u32 s10, $0x2;
	s8 =	sshll.u32 s17, $0x4  }
0xc: {  	s6 =	sadd.s32 s23, s6;
	s2 =	ssub.s32 s2, s25;
	s7 =	sadd.s32 s10, s3  }
0xd: {  	s30 =	sshll.u32 s17, $0x7;
	s25 =	simm.s32 $0x2;
	s9 =	sadd.s32 s8, s0  }
0xe: {  	s24 =	sshrl.u32 s6, $0x3;
	s6 =	simm.s32 $0x40;
	s8 =	sadd.s32 s5, s8  }
0xf: {  	s28 =	sadd.s32 $0x10000, s7;
	s13 =	smax.u32 s2, $0x1;
	s14 =	sadd.s32 $0x4000, s7  }
0x10: {  	s15 =	sadd.s32 $0x8000, s7;
	s16 =	sadd.s32 $0xC000, s7;
	s17 =	sor.u32 $0x100, s30  }
0x11: {  	s0 =	sadd.s32 s24, s0;
	s9 =	sadd.s32 $0x3000, s9;
	[dreg:$0x7] =	wrdreg s28  }
0x12: {  	s6 =	simm.s32 @!p0 $0x10;
	s29 =	sadd.s32 $0x10, s8;
	[dreg:$0x6] =	wrdreg s9  }
0x13: {  	s24 =	simm.s32 $0x3;
	s26 =	sadd.s32 $0xFFFFFFFF, s6;
	[dreg:$0x8] =	wrdreg s29  }
0x14: {  	v0 =	vimm.f32 $0.0e+00;
	s12 =	sadd.s32 $0xCB000, s0;
	[dreg:$0x5] =	wrdreg s26;
	s26 =	simm.s32 $0x0  }
.LBB2_1:
0x15: {  	s0 =	rddreg [dreg:$0x6]  }
0x16: {  	[tilespmem:s18], [sflag:$0x1] =	stream.linear.gather [hbm4b:s0+s4], $0x4000, $0x38;
	[tilespmem:$0x1FD00] =	vst v63  }
0x17: {  	s2 =	simm.s32 $0x200;
	s0 =	simm.s32 $0x0  }
.LBB2_2:
0x18: {  	p0 =	sne.s32 s2, $0xFE00;
	[tilespmem:s0+$0x70] =	vst v0  }
0x19: {  	[tilespmem:s0+$0x0] =	vst v0  }
0x1a: {  	[tilespmem:s0+$0x10] =	vst v0  }
.Ltmp0:
0x1b: {  	[tilespmem:s0+$0x20] =	vst v0;
	(pc) =	sbr.rel @p0 .LBB2_2-.Ltmp0, $4  }
0x1c: {  	[tilespmem:s0+$0x30] =	vst v0  }
0x1d: {  	[tilespmem:s0+$0x40] =	vst v0  }
0x1e: {  	[tilespmem:s0+$0x50] =	vst v0  }
0x1f: {  	[tilespmem:s0+$0x60] =	vst v0;
	s0 =	sshra.s32 s2, $0x2;
	s2 =	sadd.s32 $0x200, s2  }
0x20: {  	[tilespmem:s0+$0x70] =	vst v0  }
0x21: {  	[tilespmem:s0+$0x0] =	vst v0  }
0x22: {  	[tilespmem:s0+$0x10] =	vst v0  }
0x23: {  	[tilespmem:s0+$0x20] =	vst v0  }
0x24: {  	[tilespmem:s0+$0x30] =	vst v0  }
0x25: {  	[tilespmem:s0+$0x40] =	vst v0  }
0x26: {  	[tilespmem:s0+$0x50] =	vst v0  }
0x27: {  	[tilespmem:s0+$0x60] =	vst v0;
	s11 =	simm.s32 $0x0  }
0x28: {  	[spmem:s7] =	stream.linear.scatter [tilespmem:s11], [sflag:$0x5], $0x4000, $0x38;
	[tilespmem:$0x1FD00] =	vst v63  }
0x29: {  	_ =	swait.ge [sflag:s19], $0x4000  }
0x2a: {  	[sflag:s19] =	ssyncset.done $0x0  }
0x2b: {  	[sflag:s19] =	ssyncadd.s32 $0xFFFFC000  }
0x2c: {  	[spmem:s14] =	stream.linear.scatter [tilespmem:s11], [sflag:$0x5], $0x4000, $0x38;
	[tilespmem:$0x1FD00] =	vst v63  }
0x2d: {  	_ =	swait.ge [sflag:s19], $0x4000  }
0x2e: {  	[sflag:s19] =	ssyncset.done $0x0  }
0x2f: {  	[sflag:s19] =	ssyncadd.s32 $0xFFFFC000  }
0x30: {  	[spmem:s15] =	stream.linear.scatter [tilespmem:s11], [sflag:$0x5], $0x4000, $0x38;
	[tilespmem:$0x1FD00] =	vst v63  }
0x31: {  	_ =	swait.ge [sflag:s19], $0x4000  }
0x32: {  	[sflag:s19] =	ssyncset.done $0x0  }
0x33: {  	[sflag:s19] =	ssyncadd.s32 $0xFFFFC000  }
0x34: {  	[spmem:s16] =	stream.linear.scatter [tilespmem:s11], [sflag:$0x5], $0x4000, $0x38;
	[tilespmem:$0x1FD00] =	vst v63  }
0x35: {  	_ =	swait.ge [sflag:s19], $0x4000  }
0x36: {  	[sflag:s19] =	ssyncset.done $0x0  }
0x37: {  	s2 =	rddreg [dreg:$0x7];
	[sflag:s19] =	ssyncadd.s32 $0xFFFFC000  }
0x38: {  	[spmem:s2] =	stream.linear.scatter [tilespmem:s11], [sflag:$0x5], $0x3C00, $0x38;
	[tilespmem:$0x1FD00] =	vst v63  }
0x39: {  	_ =	swait.ge [sflag:s19], $0x3C00  }
0x3a: {  	[sflag:s19] =	ssyncset.done $0x0  }
0x3b: {  	[sflag:s19] =	ssyncadd.s32 $0xFFFFC400  }
0x3c: {  	_ =	swait.ge [sflag:s20], $0x4000  }
0x3d: {  	[sflag:s20] =	ssyncset.done $0x0  }
0x3e: {  	[sflag:s20] =	ssyncadd.s32 $0xFFFFC000  }
0x3f: {  	[bflag:$0x0] =	sbarrier.arrive $0xFFFF  }
0x40: {  	[tilespmem:s11], [sflag:$0x1] =	stream.indirect.gather [hbm4b:s1+s21], $0x80, s18, s21, $0xb8;
	[tilespmem:$0x1FD00] =	vst v63  }
0x41: {  	_ = 	snop  }
0x42: {  	[tilespmem:s22], [sflag:$0x3] =	stream.linear.gather [hbm4b:s8+s11], $0x80, $0x38;
	[tilespmem:$0x1FD00] =	vst v63  }
0x43: {  	s9 =	simm.s32 $0xC080;
	s23 =	rddreg [dreg:$0x8]  }
0x44: {  	[tilespmem:s9], [sflag:$0x4] =	stream.linear.gather [hbm4b:s23+s11], $0x80, $0x38;
	[tilespmem:$0x1FD00] =	vst v63  }
0x45: {  	_ =	swait.ge [sflag:s20], $0x4000  }
0x46: {  	[sflag:s20] =	ssyncset.done $0x0  }
0x47: {  	s11 =	simm.s32 $0x8080;
	s10 =	rddreg [dreg:$0x4];
	[sflag:s20] =	ssyncadd.s32 $0xFFFFC000  }
0x48: {  	[tilespmem:s10], [sflag:$0x2] =	stream.indirect.gather [hbm4b:s1+s21], $0x80, s11, s21, $0xb8;
	[tilespmem:$0x1FD00] =	vst v63  }
0x49: {  	_ =	swait.ge [sflag:s24], $0x80  }
0x4a: {  	[sflag:s24] =	ssyncset.done $0x0  }
0x4b: {  	[sflag:s24] =	ssyncadd.s32 $0xFFFFFF80  }
0x4c: {  	[spmem:s3] =	stream.indirect.scatter.add.f32 [tilespmem:s4], [sflag:$0x5], $0x80, s22, s21, $0xb8;
	[tilespmem:$0x1FD00] =	vst v63  }
0x4d: {  	_ =	swait.ge [sflag:s19], $0x4000  }
0x4e: {  	[sflag:s19] =	ssyncset.done $0x0  }
0x4f: {  	[sflag:s19] =	ssyncadd.s32 $0xFFFFC000  }
0x50: {  	_ =	swait.ge [sflag:s25], $0x4000  }
0x51: {  	s23 =	rddreg [dreg:$0x5]  }
0x52: {  	[sflag:s25] =	ssyncset.done $0x0;
	p0 =	sle.s32 s23, $0x0  }
0x53: {  	[sflag:s25] =	ssyncadd.s32 $0xFFFFC000;
	s0 =	simm.s32 @p0 $0x4  }
0x54: {  	_ =	swait.ge @p0 [sflag:s0], $0x80  }
0x55: {  	s2 =	simm.s32 @p0 $0x4000;
	s28 =	simm.s32 @p0 $0x5;
	[sflag:s0] =	ssyncset.done @p0 $0x0  }
0x56: {  	s29 =	simm.s32 @p0 $0xC080;
	[sflag:s0] =	ssyncadd.s32 @p0 $0xFFFFFF80;
	s0 =	simm.s32 @p0 $0x80  }
0x57: {  	[spmem:s3] =	stream.indirect.scatter.add.f32 @p0 [tilespmem:s2], [sflag:$0x5], $0x80, s29, s0, $0xb8;
	[tilespmem:$0x1FD00] =	vst v63  }
0x58: {  	_ =	swait.ge @p0 [sflag:s28], $0x4000  }
0x59: {  	s31 =	simm.s32 @!p0 $0x0;
	s0 =	simm.s32 $0x8100;
	[sflag:s28] =	ssyncset.done @p0 $0x0  }
0x5a: {  	s2 =	sshrl.u32 @!p0 s17, $0x3;
	[sflag:s28] =	ssyncadd.s32 @p0 $0xFFFFC000;
	s28 =	simm.s32 @!p0 $0x80  }
0x5b: {  	[tilespmem:s31], [sflag:$0x1] =	stream.indirect.gather @!p0 [hbm4b:s1+s28], $0x80, s0, s28, $0xb8;
	[tilespmem:$0x1FD00] =	vst v63  }
0x5c: {  	s29 =	simm.s32 @!p0 $0x4;
	s0 =	sadd.s32 @!p0 s5, s2;
	s2 =	simm.s32 @!p0 $0xC000  }
0x5d: {  	[tilespmem:s2], [sflag:$0x3] =	stream.linear.gather @!p0 [hbm4b:s0+s31], $0x80, $0x38;
	[tilespmem:$0x1FD00] =	vst v63  }
0x5e: {  	p1 =	sne.s32 s6, $0x1;
	s30 =	simm.s32 @!p0 $0x4000;
	_ =	swait.ge @!p0 [sflag:s29], $0x80  }
0x5f: {  	s23 =	simm.s32 @!p0 $0x5;
	s0 =	sadd.s32 @!p0 $0x80, s17;
	[sflag:s29] =	ssyncset.done @!p0 $0x0  }
.Ltmp1:
0x60: {  	s2 =	simm.s32 @!p0 $0xC080;
	[sflag:s29] =	ssyncadd.s32 @!p0 $0xFFFFFF80;
	(pc) =	sbr.rel @!p1 .LBB2_5-.Ltmp1, $4  }
0x61: {  	[spmem:s3] =	stream.indirect.scatter.add.f32 @!p0 [tilespmem:s30], [sflag:$0x5], $0x80, s2, s28, $0xb8;
	[tilespmem:$0x1FD00] =	vst v63  }
0x62: {  	s0 =	sshrl.u32 @!p0 s0, $0x3;
	_ =	swait.ge @!p0 [sflag:s23], $0x4000  }
0x63: {  	s0 =	sadd.s32 @!p0 s5, s0;
	s29 =	sadd.s32 $0x100, s17;
	[sflag:s23] =	ssyncset.done @!p0 $0x0  }
0x64: {  	s28 =	simm.s32 $0x1;
	s30 =	simm.s32 $0x8200;
	[sflag:s23] =	ssyncadd.s32 @!p0 $0xFFFFC000  }
.LBB2_4:
0x65: {  	[tilespmem:s2], [sflag:$0x4] =	stream.linear.gather @!p0 [hbm4b:s0+s31], $0x80, $0x38;
	[tilespmem:$0x1FD00] =	vst v63  }
0x66: {  	_ =	swait.ge [sflag:s20], $0x4000  }
0x67: {  	[sflag:s20] =	ssyncset.done $0x0  }
0x68: {  	s23 =	sadd.s32 $0xFFFFFF80, s30;
	s11 =	rddreg [dreg:$0x4];
	[sflag:s20] =	ssyncadd.s32 $0xFFFFC000  }
0x69: {  	[tilespmem:s11], [sflag:$0x2] =	stream.indirect.gather [hbm4b:s1+s21], $0x80, s23, s21, $0xb8;
	[tilespmem:$0x1FD00] =	vst v63  }
0x6a: {  	_ =	swait.ge [sflag:s24], $0x80  }
0x6b: {  	[sflag:s24] =	ssyncset.done $0x0  }
0x6c: {  	[sflag:s24] =	ssyncadd.s32 $0xFFFFFF80  }
0x6d: {  	[spmem:s3] =	stream.indirect.scatter.add.f32 [tilespmem:s4], [sflag:$0x5], $0x80, s22, s21, $0xb8;
	[tilespmem:$0x1FD00] =	vst v63  }
0x6e: {  	_ =	swait.ge [sflag:s19], $0x4000  }
0x6f: {  	[sflag:s19] =	ssyncset.done $0x0  }
0x70: {  	[sflag:s19] =	ssyncadd.s32 $0xFFFFC000  }
0x71: {  	_ =	swait.ge [sflag:s25], $0x4000  }
0x72: {  	s10 =	smov.u32 s28;
	s23 =	rddreg [dreg:$0x5]  }
0x73: {  	[sflag:s25] =	ssyncset.done $0x0;
	p0 =	sge.s32 s10, s23  }
0x74: {  	[sflag:s25] =	ssyncadd.s32 $0xFFFFC000;
	s0 =	simm.s32 @p0 $0x4  }
0x75: {  	s28 =	sadd.s32 $0x1, s28;
	_ =	swait.ge @p0 [sflag:s0], $0x80  }
0x76: {  	s31 =	simm.s32 @p0 $0x4000;
	s9 =	simm.s32 @p0 $0x5;
	[sflag:s0] =	ssyncset.done @p0 $0x0  }
0x77: {  	s10 =	simm.s32 @p0 $0xC080;
	[sflag:s0] =	ssyncadd.s32 @p0 $0xFFFFFF80;
	s0 =	simm.s32 @p0 $0x80  }
0x78: {  	[spmem:s3] =	stream.indirect.scatter.add.f32 @p0 [tilespmem:s31], [sflag:$0x5], $0x80, s10, s0, $0xb8;
	[tilespmem:$0x1FD00] =	vst v63  }
0x79: {  	s2 =	sshrl.u32 @!p0 s29, $0x3;
	s23 =	sadd.s32 @!p0 $0x80, s29;
	_ =	swait.ge @p0 [sflag:s9], $0x4000  }
0x7a: {  	s2 =	sadd.s32 @!p0 s5, s2;
	s23 =	sshrl.u32 @!p0 s23, $0x3;
	[sflag:s9] =	ssyncset.done @p0 $0x0  }
0x7b: {  	s31 =	simm.s32 @!p0 $0x0;
	[sflag:s9] =	ssyncadd.s32 @p0 $0xFFFFC000;
	s9 =	simm.s32 @!p0 $0x80  }
0x7c: {  	[tilespmem:s31], [sflag:$0x1] =	stream.indirect.gather @!p0 [hbm4b:s1+s9], $0x80, s30, s9, $0xb8;
	[tilespmem:$0x1FD00] =	vst v63  }
0x7d: {  	s0 =	sadd.s32 @!p0 s5, s23;
	s10 =	simm.s32 @!p0 $0xC000;
	s23 =	simm.s32 @!p0 $0x4  }
0x7e: {  	[tilespmem:s10], [sflag:$0x3] =	stream.linear.gather @!p0 [hbm4b:s2+s31], $0x80, $0x38;
	[tilespmem:$0x1FD00] =	vst v63  }
0x7f: {  	p1 =	sne.s32 s6, s28;
	_ =	swait.ge @!p0 [sflag:s23], $0x80  }
0x80: {  	s11 =	simm.s32 @!p0 $0x5;
	s10 =	simm.s32 @!p0 $0x4000;
	[sflag:s23] =	ssyncset.done @!p0 $0x0  }
.Ltmp2:
0x81: {  	s2 =	simm.s32 @!p0 $0xC080;
	[sflag:s23] =	ssyncadd.s32 @!p0 $0xFFFFFF80;
	(pc) =	sbr.rel @p1 .LBB2_4-.Ltmp2, $4  }
0x82: {  	[spmem:s3] =	stream.indirect.scatter.add.f32 @!p0 [tilespmem:s10], [sflag:$0x5], $0x80, s2, s9, $0xb8;
	[tilespmem:$0x1FD00] =	vst v63  }
0x83: {  	_ =	swait.ge @!p0 [sflag:s11], $0x4000  }
0x84: {  	[sflag:s11] =	ssyncset.done @!p0 $0x0  }
0x85: {  	s29 =	sadd.s32 $0x100, s29;
	s30 =	sadd.s32 $0x100, s30;
	[sflag:s11] =	ssyncadd.s32 @!p0 $0xFFFFC000  }
.LBB2_5:
0x86: {  	[tilespmem:s2], [sflag:$0x4] =	stream.linear.gather @!p0 [hbm4b:s0+s31], $0x80, $0x38;
	[tilespmem:$0x1FD00] =	vst v63  }
0x87: {  	s30 =	stileid.u32;
	s26 =	sadd.s32 $0x1, s26  }
0x88: {  	s31 =	sshrl.u32 s7, $0x3;
	s0 =	sshll.u32 s30, $0x6;
	p0 =	sne.s32 s26, s13  }
.Ltmp3:
0x89: {  	[bflag:$0x0] =	sbarrier.arrive $0xFFFF;
	s0 =	sor.u32 $0x1C05, s0;
	(pc) =	sbr.rel @p0 .LBB2_1-.Ltmp3, $4  }
0x8a: {  	[hbm:s12], [sflag:s0] =	dma.local [spmem:s31], $0x2780  }
0x8b: {  	_ =	swait.ge [sflag:s19], $0x2780  }
0x8c: {  	[sflag:s19] =	ssyncset.done $0x0  }
0x8d: {  	[sflag:s19] =	ssyncadd.s32 $0xFFFFD880  }
0x8e: {  	_ =	sfence.sel $0x180000  }
0x8f: {  	[bflag:$0x0] =	sbarrier.arrive $0xFFFF  }
0x90: {  	_ =	strace $0x9000004D  }
0x91: {  	s0 =	stileid.u32;
	[bflag:$0x2] =	sbarrier.arrive $0xFFFF  }
0x92: {  	p0 =	sne.s32 s0, $0x0;
	s0 =	rddreg [dreg:$0x3]  }
0x93: {  	s0 =	sadd.s32 @!p0 $0x100000, s0  }
0x94: {  	[sflag:s0] =	ssyncadd.tile.s32 @!p0 $0x1;
	_ =	shalt  }
.Lfunc_end2:
_tile_overlayer_lowered:
.L_overlay_start_2:
0x95: {  	(tag) =	ssettag $0x2  }
0x96: {  	s0 =	rddreg [dreg:$0x0];
	s2 =	stileid.u32  }
0x97: {  	s1 =	rddreg [dreg:$0x1];
	p0 =	sne.s32 s2, $0x0  }
0x98: {  	s3 =	rddreg [dreg:$0x2];
	[bflag:$0x3] =	sbarrier.arrive $0xFFFF;
	s2 =	simm.s32 @!p0 $0x1C05  }
0x99: {  	[timem:s3], [sflag:s2] =	dma.local @!p0 [hbm:s0], s1  }
0x9a: {  	s0 =	simm.s32 @!p0 $0x5  }
0x9b: {  	_ =	swait.ge @!p0 [sflag:s0], s1  }
0x9c: {  	s1 =	ssub.s32 @!p0 $0x0, s1;
	[sflag:s0] =	ssyncset.done @!p0 $0x0  }
0x9d: {  	[sflag:s0] =	ssyncadd.s32 @!p0 s1  }
0x9e: {  	[bflag:$0x3] =	sbarrier.arrive $0xFFFF  }
0x9f: {  	_ =	shalt  }

// kernel: kernel.18.cloned.1.call-start
scs
__scs_entry_jumppad:
0x0: {  	(pc) =	sbr.rel $0x88, $3  }
0x1: {  	(tag) =	ssettag $0x0;
	lr =	simm.s32 $0x1  }
0x2: {  	[smem:$0x3F9A] =	sst lr;
	_ =	strace $0xD0000000  }
0x3: {  	_ = 	snop  }
0x4: {  	_ = 	snop  }
0x5: {  	_ = 	snop  }
0x6: {  	_ = 	snop  }
0x7: {  	_ = 	snop  }
__scs_overlays_trampoline_lowered:
0x8: {  	[smem:$0x3FA9] =	sst s0  }
0x9: {  	[smem:$0x3FAA] =	sst s1  }
0xa: {  	[smem:$0x3FAB] =	sst s2  }
0xb: {  	[smem:$0x3FAC] =	sst s3  }
0xc: {  	[smem:$0x3FAD] =	sst s4  }
0xd: {  	[smem:$0x3FAE] =	sst s5  }
0xe: {  	[smem:$0x3FAF] =	sst s6  }
0xf: {  	[smem:$0x3FB0] =	sst s7  }
0x10: {  	[smem:$0x3FB1] =	sst s8  }
0x11: {  	[smem:$0x3FB2] =	sst s9;
	s0 =	simm.s32 @!p0 $0x0  }
0x12: {  	s1 =	sld [smem:$0x3F98];
	s0 =	simm.s32 @p0 $0x1  }
0x13: {  	[smem:$0x3FB3] =	sst s0;
	s0 =	simm.s32 @!p1 $0x0  }
0x14: {  	s2 =	sld [smem:$0x3F97];
	s0 =	simm.s32 @p1 $0x1  }
0x15: {  	[smem:$0x3FB4] =	sst s0;
	s0 =	simm.s32 @!p2 $0x0  }
0x16: {  	s3 =	sld [smem:$0x3FDB];
	s0 =	simm.s32 @p2 $0x1  }
0x17: {  	s4 =	simm.s32 $0x1BF5;
	[smem:$0x3FB6] =	sst s0  }
0x18: {  	s0 =	sld [smem:$0x3F99];
	_ =	swait.ge [sflag:s4], $0x0  }
0x19: {  	s7 =	sld [smem:$0x3F9A]  }
0x1a: {  	s8 =	sadd.s32 $0xFFFFE003, lr  }
0x1b: {  	s9 =	sadd.s32 $0xFFFFFEF7, lr;
	s5 =	simm.s32 $0xFFFFFFFF;
	p2 =	slt.u32 s8, $0xFFFFF086  }
0x1c: {  	p1 =	slt.u32 s9, $0xF7A;
	s5 =	simm.s32 @!p2 $0x0  }
0x1d: {  	s5 =	simm.s32 @p1 $0x1;
	p0 =	seq.s32 s7, s2  }
0x1e: {  	s7 =	smul.u32 @!p0 $0xF7A, s2;
	p2 =	seq.s32 @!p0 s5, $0x0  }
0x1f: {  	s9 =	smul.u32 $0xF7A, s1;
	s8 =	simm.s32 @!p0 $0x1BF5;
	p2 =	por !p2, p0  }
0x20: {  	[sflag:s8] =	ssyncset.s32 @!p0 $0xFFFFF086;
	s6 =	sadd.s32 @!p0 s3, s7;
	s7 =	simm.s32 @!p0 $0x108  }
0x21: {  	s3 =	sadd.s32 s3, s9;
	s6 =	sadd.s32 @!p0 $0x88, s6;
	s7 =	simm.s32 @p2 $0x1082  }
0x22: {  	[simem:s7], [sflag:s8] =	dma.local @!p0 [hbm:s6], $0xF7A  }
0x23: {  	s9 =	sor.u32 $0xD0000000, s2;
	s6 =	simm.s32 $0x108;
	_ =	swait.ge @!p0 [sflag:s8], $0x0  }
0x24: {  	s3 =	sadd.s32 $0x88, s3;
	s6 =	simm.s32 @!p1 $0x1082;
	[sflag:s4] =	ssyncset.s32 $0xFFFFF086  }
0x25: {  	[simem:s6], [sflag:s4] =	dma.local [hbm:s3], $0xF7A  }
0x26: {  	[smem:$0x3F9A] =	sst s1;
	(tag) =	ssettag s2;
	_ =	strace s9  }
0x27: {  	s1 =	sld [smem:$0x3FAA]  }
0x28: {  	s2 =	sld [smem:$0x3FAB]  }
0x29: {  	s4 =	sld [smem:$0x3FAD]  }
0x2a: {  	p0 =	seq.s32 s5, $0x0;
	s5 =	sld [smem:$0x3FAE]  }
0x2b: {  	s6 =	sld [smem:$0x3FAF]  }
0x2c: {  	s7 =	sld [smem:$0x3FB0]  }
0x2d: {  	s3 =	simm.s32 $0x108;
	s8 =	sld [smem:$0x3FB1]  }
0x2e: {  	s3 =	simm.s32 @!p0 $0x1082;
	s9 =	sld [smem:$0x3FB2]  }
0x2f: {  	lr =	sadd.s32 s0, s3;
	s0 =	sld [smem:$0x3FA9]  }
0x30: {  	s3 =	sld [smem:$0x3FAC]  }
0x31: {  	[smem:$0x3FB5] =	sst s10  }
0x32: {  	s10 =	sld [smem:$0x3FB3];
	_ =	sdelay $0x3  }
0x33: {  	p0 =	seq.s32 s10, $0x1;
	s10 =	sld [smem:$0x3FB5];
	_ =	sdelay $0x3  }
0x34: {  	[smem:$0x3FB5] =	sst s10  }
0x35: {  	s10 =	sld [smem:$0x3FB4];
	_ =	sdelay $0x3  }
0x36: {  	p1 =	seq.s32 s10, $0x1;
	s10 =	sld [smem:$0x3FB5];
	_ =	sdelay $0x3  }
0x37: {  	[smem:$0x3FB5] =	sst s10  }
0x38: {  	s10 =	sld [smem:$0x3FB6]  }
0x39: {  	_ = 	snop;
	(pc) =	sbr.ind lr, $3  }
0x3a: {  	_ = 	snop  }
0x3b: {  	_ = 	snop  }
0x3c: {  	p2 =	seq.s32 s10, $0x1;
	s10 =	sld [smem:$0x3FB5]  }
0x3d: {  	_ =	shalt  }
0x3e: {  	_ =	shalt  }
0x3f: {  	_ =	shalt  }
0x40: {  	_ =	shalt  }
0x41: {  	_ =	shalt  }
0x42: {  	_ =	shalt  }
0x43: {  	_ =	shalt  }
0x44: {  	_ =	shalt  }
0x45: {  	_ =	shalt  }
0x46: {  	_ =	shalt  }
0x47: {  	_ =	shalt  }
0x48: {  	_ =	shalt  }
0x49: {  	_ =	shalt  }
0x4a: {  	_ =	shalt  }
0x4b: {  	_ =	shalt  }
0x4c: {  	_ =	shalt  }
0x4d: {  	_ =	shalt  }
0x4e: {  	_ =	shalt  }
0x4f: {  	_ =	shalt  }
0x50: {  	_ =	shalt  }
0x51: {  	_ =	shalt  }
0x52: {  	_ =	shalt  }
0x53: {  	_ =	shalt  }
0x54: {  	_ =	shalt  }
0x55: {  	_ =	shalt  }
0x56: {  	_ =	shalt  }
0x57: {  	_ =	shalt  }
0x58: {  	_ =	shalt  }
0x59: {  	_ =	shalt  }
0x5a: {  	_ =	shalt  }
0x5b: {  	_ =	shalt  }
0x5c: {  	_ =	shalt  }
0x5d: {  	_ =	shalt  }
0x5e: {  	_ =	shalt  }
0x5f: {  	_ =	shalt  }
0x60: {  	_ =	shalt  }
0x61: {  	_ =	shalt  }
0x62: {  	_ =	shalt  }
0x63: {  	_ =	shalt  }
0x64: {  	_ =	shalt  }
0x65: {  	_ =	shalt  }
0x66: {  	_ =	shalt  }
0x67: {  	_ =	shalt  }
0x68: {  	_ =	shalt  }
0x69: {  	_ =	shalt  }
0x6a: {  	_ =	shalt  }
0x6b: {  	_ =	shalt  }
0x6c: {  	_ =	shalt  }
0x6d: {  	_ =	shalt  }
0x6e: {  	_ =	shalt  }
0x6f: {  	_ =	shalt  }
0x70: {  	_ =	shalt  }
0x71: {  	_ =	shalt  }
0x72: {  	_ =	shalt  }
0x73: {  	_ =	shalt  }
0x74: {  	_ =	shalt  }
0x75: {  	_ =	shalt  }
0x76: {  	_ =	shalt  }
0x77: {  	_ =	shalt  }
0x78: {  	_ =	shalt  }
0x79: {  	_ =	shalt  }
0x7a: {  	_ =	shalt  }
0x7b: {  	_ =	shalt  }
0x7c: {  	_ =	shalt  }
0x7d: {  	_ =	shalt  }
0x7e: {  	_ =	shalt  }
0x7f: {  	_ =	shalt  }
0x80: {  	_ =	shalt  }
0x81: {  	_ =	shalt  }
0x82: {  	_ =	shalt  }
0x83: {  	_ =	shalt  }
0x84: {  	_ =	shalt  }
0x85: {  	_ =	shalt  }
0x86: {  	_ =	shalt  }
0x87: {  	_ =	shalt  }
.Lfunc_end0:
.L_simem_size_0:
called_computation.3_lowered:
.L_overlay_start_0:
0x88: {  	s2 =	sld [smem:$0x3FD9]  }
0x89: {  	s3 =	sld [smem:$0x3FFE];
	_ =	sdelay $0x1  }
0x8a: {  	s1 =	srdreg.scid  }
0x8b: {  	s0 =	sand.u32 $0x1, s1  }
0x8c: {  	s17 =	sshll.u32 s0, $0xA;
	s2 =	sadd.s32 s3, s2  }
0x8d: {  	s2 =	sadd.s32 s2, s17  }
0x8e: {  	[smem:$0x3FC1] =	sst s2  }
0x8f: {  	_ = 	snop  }
0x90: {  	s2 =	sld [smem:$0x3FD0];
	(tm) =	ssettm $0x1  }
0x91: {  	s18 =	sld [smem:$0x3FFB];
	_ =	sdelay $0x3  }
0x92: {  	_ =	strace s18  }
0x93: {  	s3 =	sld [smem:$0x3FFC];
	_ =	sdelay $0x3  }
0x94: {  	_ =	strace s3  }
0x95: {  	s3 =	sld [smem:$0x3FFD];
	_ =	sdelay $0x3  }
0x96: {  	_ =	strace s3  }
0x97: {  	_ =	strace $0x8FFFFFFF  }
0x98: {  	s19 =	sld [smem:$0x3FDB];
	_ =	sdelay $0x1  }
0x99: {  	s4 =	simm.s32 $_scs_section_size  }
0x9a: {  	s5 =	simm.s32 $_size__tile_overlayer_lowered;
	s6 =	simm.s32 $_tile_overlayer_lowered  }
0x9b: {  	s22 =	simm.s32 $0x1BFF;
	s21 =	sshll.u32 s6, $0x1;
	s3 =	sadd.s32 s4, s19  }
0x9c: {  	s7 =	simm.s32 $0x0;
	s20 =	sshll.u32 s5, $0x1;
	s5 =	sadd.s32 s21, s3  }
0x9d: {  	[timem:s7], [sflag:s22] =	dma.local [hbm:s5], s20  }
0x9e: {  	_ =	swait.ge [sflag:s22], s20  }
0x9f: {  	s4 =	ssub.s32 $0x0, s20;
	[sflag:s22] =	ssyncset.done $0x0  }
0xa0: {  	[sflag:s22] =	ssyncadd.s32 s4;
	_ =	sdelay $0x1  }
0xa1: {  	s23 =	simm.s32 $0x1B8B  }
0xa2: {  	_ =	swait.ge [sflag:s23], $0x1  }
0xa3: {  	[sflag:s23] =	ssyncset.done $0x0  }
0xa4: {  	s25 =	simm.s32 $0x1B8E;
	s24 =	sld [smem:$0x3FFE];
	[sflag:s23] =	ssyncadd.s32 $0xFFFFFFFF  }
0xa5: {  	s26 =	simm.s32 $execute0_lowered;
	[smem:$0x3FD2] =	sst s25  }
0xa6: {  	s5 =	sshll.u32 s26, $0x1;
	_ =	strace $0x8000004F;
	[dreg:$0x1] =	wrdreg $0xFFFFFFFF  }
0xa7: {  	s28 =	simm.s32 $_size_execute0_lowered;
	s3 =	sadd.s32 s3, s5;
	[dreg:$0x0] =	wrdreg $0x0  }
0xa8: {  	s5 =	sshll.u32 s28, $0x1;
	[dreg:$0x2] =	wrdreg s3  }
0xa9: {  	[dreg:$0x3] =	wrdreg s5  }
0xaa: {  	[dreg:$0x4] =	wrdreg $0xC0  }
0xab: {  	_ =	task [dreg:s7], $0x5FFFF  }
0xac: {  	[dreg:$0x1] =	wrdreg $0xFFFFFFFF  }
0xad: {  	[dreg:$0x0] =	wrdreg $0x60  }
0xae: {  	[dreg:$0x2] =	wrdreg s2  }
0xaf: {  	[dreg:$0x3] =	wrdreg s24  }
0xb0: {  	[dreg:$0x4] =	wrdreg $0xC1000  }
0xb1: {  	[dreg:$0x5] =	wrdreg $0x9  }
0xb2: {  	_ =	task.clear_ibuf [dreg:s7], $0x6FFFF;
	_ =	strace $0x9000004F  }
0xb3: {  	s29 =	simm.s32 $0x9;
	_ =	strace $0x80000051  }
0xb4: {  	_ =	swait.ge [sflag:s29], $0x1  }
0xb5: {  	[sflag:s29] =	ssyncadd.s32 $0xFFFFFFFF  }
0xb6: {  	_ =	strace $0x90000051  }
0xb7: {  	_ =	sfence  }
0xb8: {  	s30 =	sld [smem:$0x0];
	_ =	sdelay $0x2  }
0xb9: {  	s31 =	sshll.u32 s1, $0xD;
	s1 =	sshrl.u32 s1, $0x2  }
0xba: {  	s3 =	sand.u32 $0x4000, s31;
	s1 =	sadd.s32 s1, s30  }
0xbb: {  	s0 =	sor.u32 s3, s0;
	s1 =	sshll.u32 s1, $0x11  }
0xbc: {  	s0 =	sor.u32 s1, s0  }
0xbd: {  	s0 =	sadd.s32 $0x8F2B, s0  }
0xbe: {  	[sflag:s0] =	ssyncadd.remote.s32 $0x1  }
0xbf: {  	_ =	sfence.sel $0xFFFF  }
0xc0: {  	[dreg:$0x0] =	wrdreg $0xFFFFFFFF;
	(pc) =	sbr.abs _section_cstart, $3  }
0xc1: {  	[dreg:$0x1] =	wrdreg $0xFFFFFFFF  }
0xc2: {  	_ =	task.clear_ibuf [dreg:s7], $0x2FFFF;
	_ =	strace $0x9FFFFFFF  }
0xc3: {  	(tm) =	ssettm $0x7FFFFFFF  }
tec
execute0_lowered:
.L_overlay_start_1:
0x0: {  	(tag) =	ssettag $0x1  }
0x1: {  	s1 =	rddreg [dreg:$0x0]  }
0x2: {  	s0 =	rddreg [dreg:$0x1]  }
0x3: {  	s3 =	rddreg [dreg:$0x2];
	s2 =	srdreg.scid;
	s4 =	simm.s32 $0x0  }
0x4: {  	s10 =	stileid.u32;
	s18 =	simm.s32 $0x8000;
	s19 =	simm.s32 $0x5  }
0x5: {  	s20 =	simm.s32 $0x1;
	s21 =	simm.s32 $0x80;
	s31 =	simm.s32 $0x4000  }
0x6: {  	s22 =	simm.s32 $0xC000;
	s2 =	sand.u32 $0x1, s2;
	s23 =	smul.u32 $0x13C00, s10  }
0x7: {  	s5 =	sshll.u32 s10, $0x5;
	s7 =	sshll.u32 s10, $0x7;
	s10 =	smul.u32 $0x4F000, s10  }
0x8: {  	[smem:$0x7FF] =	sst s4;
	p0 =	seq.s32 s2, $0x0;
	s6 =	smul.u32 $0x13C000, s2  }
0x9: {  	s17 =	sor.u32 $0x800, s5;
	_ =	strace $0x80000050;
	s5 =	sadd.s32 $0x71800, s0  }
0xa: {  	s2 =	ssub.s32 $0x2, s2;
	[dreg:$0x4] =	wrdreg s31;
	s17 =	smov.u32 @p0 s7  }
0xb: {  	s25 =	sshrl.u32 s2, $0x1;
	s10 =	sshrl.u32 s10, $0x2;
	s8 =	sshll.u32 s17, $0x4  }
0xc: {  	s6 =	sadd.s32 s23, s6;
	s2 =	ssub.s32 s2, s25;
	s7 =	sadd.s32 s10, s3  }
0xd: {  	s30 =	sshll.u32 s17, $0x7;
	s25 =	simm.s32 $0x2;
	s9 =	sadd.s32 s8, s0  }
0xe: {  	s24 =	sshrl.u32 s6, $0x3;
	s6 =	simm.s32 $0x40;
	s8 =	sadd.s32 s5, s8  }
0xf: {  	s28 =	sadd.s32 $0x10000, s7;
	s13 =	smax.u32 s2, $0x1;
	s14 =	sadd.s32 $0x4000, s7  }
0x10: {  	s15 =	sadd.s32 $0x8000, s7;
	s16 =	sadd.s32 $0xC000, s7;
	s17 =	sor.u32 $0x100, s30  }
0x11: {  	s0 =	sadd.s32 s24, s0;
	s9 =	sadd.s32 $0x67000, s9;
	[dreg:$0x7] =	wrdreg s28  }
0x12: {  	s6 =	simm.s32 @!p0 $0x10;
	s29 =	sadd.s32 $0x10, s8;
	[dreg:$0x6] =	wrdreg s9  }
0x13: {  	s24 =	simm.s32 $0x3;
	s26 =	sadd.s32 $0xFFFFFFFF, s6;
	[dreg:$0x8] =	wrdreg s29  }
0x14: {  	v0 =	vimm.f32 $0.0e+00;
	s12 =	sadd.s32 $0x3000, s0;
	[dreg:$0x5] =	wrdreg s26;
	s26 =	simm.s32 $0x0  }
.LBB2_1:
0x15: {  	s0 =	rddreg [dreg:$0x6]  }
0x16: {  	[tilespmem:s18], [sflag:$0x1] =	stream.linear.gather [hbm4b:s0+s4], $0x4000, $0x38;
	[tilespmem:$0x1FD00] =	vst v63  }
0x17: {  	s2 =	simm.s32 $0x200;
	s0 =	simm.s32 $0x0  }
.LBB2_2:
0x18: {  	p0 =	sne.s32 s2, $0xFE00;
	[tilespmem:s0+$0x70] =	vst v0  }
0x19: {  	[tilespmem:s0+$0x0] =	vst v0  }
0x1a: {  	[tilespmem:s0+$0x10] =	vst v0  }
.Ltmp0:
0x1b: {  	[tilespmem:s0+$0x20] =	vst v0;
	(pc) =	sbr.rel @p0 .LBB2_2-.Ltmp0, $4  }
0x1c: {  	[tilespmem:s0+$0x30] =	vst v0  }
0x1d: {  	[tilespmem:s0+$0x40] =	vst v0  }
0x1e: {  	[tilespmem:s0+$0x50] =	vst v0  }
0x1f: {  	[tilespmem:s0+$0x60] =	vst v0;
	s0 =	sshra.s32 s2, $0x2;
	s2 =	sadd.s32 $0x200, s2  }
0x20: {  	[tilespmem:s0+$0x70] =	vst v0  }
0x21: {  	[tilespmem:s0+$0x0] =	vst v0  }
0x22: {  	[tilespmem:s0+$0x10] =	vst v0  }
0x23: {  	[tilespmem:s0+$0x20] =	vst v0  }
0x24: {  	[tilespmem:s0+$0x30] =	vst v0  }
0x25: {  	[tilespmem:s0+$0x40] =	vst v0  }
0x26: {  	[tilespmem:s0+$0x50] =	vst v0  }
0x27: {  	[tilespmem:s0+$0x60] =	vst v0;
	s11 =	simm.s32 $0x0  }
0x28: {  	[spmem:s7] =	stream.linear.scatter [tilespmem:s11], [sflag:$0x5], $0x4000, $0x38;
	[tilespmem:$0x1FD00] =	vst v63  }
0x29: {  	_ =	swait.ge [sflag:s19], $0x4000  }
0x2a: {  	[sflag:s19] =	ssyncset.done $0x0  }
0x2b: {  	[sflag:s19] =	ssyncadd.s32 $0xFFFFC000  }
0x2c: {  	[spmem:s14] =	stream.linear.scatter [tilespmem:s11], [sflag:$0x5], $0x4000, $0x38;
	[tilespmem:$0x1FD00] =	vst v63  }
0x2d: {  	_ =	swait.ge [sflag:s19], $0x4000  }
0x2e: {  	[sflag:s19] =	ssyncset.done $0x0  }
0x2f: {  	[sflag:s19] =	ssyncadd.s32 $0xFFFFC000  }
0x30: {  	[spmem:s15] =	stream.linear.scatter [tilespmem:s11], [sflag:$0x5], $0x4000, $0x38;
	[tilespmem:$0x1FD00] =	vst v63  }
0x31: {  	_ =	swait.ge [sflag:s19], $0x4000  }
0x32: {  	[sflag:s19] =	ssyncset.done $0x0  }
0x33: {  	[sflag:s19] =	ssyncadd.s32 $0xFFFFC000  }
0x34: {  	[spmem:s16] =	stream.linear.scatter [tilespmem:s11], [sflag:$0x5], $0x4000, $0x38;
	[tilespmem:$0x1FD00] =	vst v63  }
0x35: {  	_ =	swait.ge [sflag:s19], $0x4000  }
0x36: {  	[sflag:s19] =	ssyncset.done $0x0  }
0x37: {  	s2 =	rddreg [dreg:$0x7];
	[sflag:s19] =	ssyncadd.s32 $0xFFFFC000  }
0x38: {  	[spmem:s2] =	stream.linear.scatter [tilespmem:s11], [sflag:$0x5], $0x3C00, $0x38;
	[tilespmem:$0x1FD00] =	vst v63  }
0x39: {  	_ =	swait.ge [sflag:s19], $0x3C00  }
0x3a: {  	[sflag:s19] =	ssyncset.done $0x0  }
0x3b: {  	[sflag:s19] =	ssyncadd.s32 $0xFFFFC400  }
0x3c: {  	_ =	swait.ge [sflag:s20], $0x4000  }
0x3d: {  	[sflag:s20] =	ssyncset.done $0x0  }
0x3e: {  	[sflag:s20] =	ssyncadd.s32 $0xFFFFC000  }
0x3f: {  	[bflag:$0x0] =	sbarrier.arrive $0xFFFF  }
0x40: {  	[tilespmem:s11], [sflag:$0x1] =	stream.indirect.gather [hbm4b:s1+s21], $0x80, s18, s21, $0xb8;
	[tilespmem:$0x1FD00] =	vst v63  }
0x41: {  	_ = 	snop  }
0x42: {  	[tilespmem:s22], [sflag:$0x3] =	stream.linear.gather [hbm4b:s8+s11], $0x80, $0x38;
	[tilespmem:$0x1FD00] =	vst v63  }
0x43: {  	s9 =	simm.s32 $0xC080;
	s23 =	rddreg [dreg:$0x8]  }
0x44: {  	[tilespmem:s9], [sflag:$0x4] =	stream.linear.gather [hbm4b:s23+s11], $0x80, $0x38;
	[tilespmem:$0x1FD00] =	vst v63  }
0x45: {  	_ =	swait.ge [sflag:s20], $0x4000  }
0x46: {  	[sflag:s20] =	ssyncset.done $0x0  }
0x47: {  	s11 =	simm.s32 $0x8080;
	s10 =	rddreg [dreg:$0x4];
	[sflag:s20] =	ssyncadd.s32 $0xFFFFC000  }
0x48: {  	[tilespmem:s10], [sflag:$0x2] =	stream.indirect.gather [hbm4b:s1+s21], $0x80, s11, s21, $0xb8;
	[tilespmem:$0x1FD00] =	vst v63  }
0x49: {  	_ =	swait.ge [sflag:s24], $0x80  }
0x4a: {  	[sflag:s24] =	ssyncset.done $0x0  }
0x4b: {  	[sflag:s24] =	ssyncadd.s32 $0xFFFFFF80  }
0x4c: {  	[spmem:s3] =	stream.indirect.scatter.add.f32 [tilespmem:s4], [sflag:$0x5], $0x80, s22, s21, $0xb8;
	[tilespmem:$0x1FD00] =	vst v63  }
0x4d: {  	_ =	swait.ge [sflag:s19], $0x4000  }
0x4e: {  	[sflag:s19] =	ssyncset.done $0x0  }
0x4f: {  	[sflag:s19] =	ssyncadd.s32 $0xFFFFC000  }
0x50: {  	_ =	swait.ge [sflag:s25], $0x4000  }
0x51: {  	s23 =	rddreg [dreg:$0x5]  }
0x52: {  	[sflag:s25] =	ssyncset.done $0x0;
	p0 =	sle.s32 s23, $0x0  }
0x53: {  	[sflag:s25] =	ssyncadd.s32 $0xFFFFC000;
	s0 =	simm.s32 @p0 $0x4  }
0x54: {  	_ =	swait.ge @p0 [sflag:s0], $0x80  }
0x55: {  	s2 =	simm.s32 @p0 $0x4000;
	s28 =	simm.s32 @p0 $0x5;
	[sflag:s0] =	ssyncset.done @p0 $0x0  }
0x56: {  	s29 =	simm.s32 @p0 $0xC080;
	[sflag:s0] =	ssyncadd.s32 @p0 $0xFFFFFF80;
	s0 =	simm.s32 @p0 $0x80  }
0x57: {  	[spmem:s3] =	stream.indirect.scatter.add.f32 @p0 [tilespmem:s2], [sflag:$0x5], $0x80, s29, s0, $0xb8;
	[tilespmem:$0x1FD00] =	vst v63  }
0x58: {  	_ =	swait.ge @p0 [sflag:s28], $0x4000  }
0x59: {  	s31 =	simm.s32 @!p0 $0x0;
	s0 =	simm.s32 $0x8100;
	[sflag:s28] =	ssyncset.done @p0 $0x0  }
0x5a: {  	s2 =	sshrl.u32 @!p0 s17, $0x3;
	[sflag:s28] =	ssyncadd.s32 @p0 $0xFFFFC000;
	s28 =	simm.s32 @!p0 $0x80  }
0x5b: {  	[tilespmem:s31], [sflag:$0x1] =	stream.indirect.gather @!p0 [hbm4b:s1+s28], $0x80, s0, s28, $0xb8;
	[tilespmem:$0x1FD00] =	vst v63  }
0x5c: {  	s29 =	simm.s32 @!p0 $0x4;
	s0 =	sadd.s32 @!p0 s5, s2;
	s2 =	simm.s32 @!p0 $0xC000  }
0x5d: {  	[tilespmem:s2], [sflag:$0x3] =	stream.linear.gather @!p0 [hbm4b:s0+s31], $0x80, $0x38;
	[tilespmem:$0x1FD00] =	vst v63  }
0x5e: {  	p1 =	sne.s32 s6, $0x1;
	s30 =	simm.s32 @!p0 $0x4000;
	_ =	swait.ge @!p0 [sflag:s29], $0x80  }
0x5f: {  	s23 =	simm.s32 @!p0 $0x5;
	s0 =	sadd.s32 @!p0 $0x80, s17;
	[sflag:s29] =	ssyncset.done @!p0 $0x0  }
.Ltmp1:
0x60: {  	s2 =	simm.s32 @!p0 $0xC080;
	[sflag:s29] =	ssyncadd.s32 @!p0 $0xFFFFFF80;
	(pc) =	sbr.rel @!p1 .LBB2_5-.Ltmp1, $4  }
0x61: {  	[spmem:s3] =	stream.indirect.scatter.add.f32 @!p0 [tilespmem:s30], [sflag:$0x5], $0x80, s2, s28, $0xb8;
	[tilespmem:$0x1FD00] =	vst v63  }
0x62: {  	s0 =	sshrl.u32 @!p0 s0, $0x3;
	_ =	swait.ge @!p0 [sflag:s23], $0x4000  }
0x63: {  	s0 =	sadd.s32 @!p0 s5, s0;
	s29 =	sadd.s32 $0x100, s17;
	[sflag:s23] =	ssyncset.done @!p0 $0x0  }
0x64: {  	s28 =	simm.s32 $0x1;
	s30 =	simm.s32 $0x8200;
	[sflag:s23] =	ssyncadd.s32 @!p0 $0xFFFFC000  }
.LBB2_4:
0x65: {  	[tilespmem:s2], [sflag:$0x4] =	stream.linear.gather @!p0 [hbm4b:s0+s31], $0x80, $0x38;
	[tilespmem:$0x1FD00] =	vst v63  }
0x66: {  	_ =	swait.ge [sflag:s20], $0x4000  }
0x67: {  	[sflag:s20] =	ssyncset.done $0x0  }
0x68: {  	s23 =	sadd.s32 $0xFFFFFF80, s30;
	s11 =	rddreg [dreg:$0x4];
	[sflag:s20] =	ssyncadd.s32 $0xFFFFC000  }
0x69: {  	[tilespmem:s11], [sflag:$0x2] =	stream.indirect.gather [hbm4b:s1+s21], $0x80, s23, s21, $0xb8;
	[tilespmem:$0x1FD00] =	vst v63  }
0x6a: {  	_ =	swait.ge [sflag:s24], $0x80  }
0x6b: {  	[sflag:s24] =	ssyncset.done $0x0  }
0x6c: {  	[sflag:s24] =	ssyncadd.s32 $0xFFFFFF80  }
0x6d: {  	[spmem:s3] =	stream.indirect.scatter.add.f32 [tilespmem:s4], [sflag:$0x5], $0x80, s22, s21, $0xb8;
	[tilespmem:$0x1FD00] =	vst v63  }
0x6e: {  	_ =	swait.ge [sflag:s19], $0x4000  }
0x6f: {  	[sflag:s19] =	ssyncset.done $0x0  }
0x70: {  	[sflag:s19] =	ssyncadd.s32 $0xFFFFC000  }
0x71: {  	_ =	swait.ge [sflag:s25], $0x4000  }
0x72: {  	s10 =	smov.u32 s28;
	s23 =	rddreg [dreg:$0x5]  }
0x73: {  	[sflag:s25] =	ssyncset.done $0x0;
	p0 =	sge.s32 s10, s23  }
0x74: {  	[sflag:s25] =	ssyncadd.s32 $0xFFFFC000;
	s0 =	simm.s32 @p0 $0x4  }
0x75: {  	s28 =	sadd.s32 $0x1, s28;
	_ =	swait.ge @p0 [sflag:s0], $0x80  }
0x76: {  	s31 =	simm.s32 @p0 $0x4000;
	s9 =	simm.s32 @p0 $0x5;
	[sflag:s0] =	ssyncset.done @p0 $0x0  }
0x77: {  	s10 =	simm.s32 @p0 $0xC080;
	[sflag:s0] =	ssyncadd.s32 @p0 $0xFFFFFF80;
	s0 =	simm.s32 @p0 $0x80  }
0x78: {  	[spmem:s3] =	stream.indirect.scatter.add.f32 @p0 [tilespmem:s31], [sflag:$0x5], $0x80, s10, s0, $0xb8;
	[tilespmem:$0x1FD00] =	vst v63  }
0x79: {  	s2 =	sshrl.u32 @!p0 s29, $0x3;
	s23 =	sadd.s32 @!p0 $0x80, s29;
	_ =	swait.ge @p0 [sflag:s9], $0x4000  }
0x7a: {  	s2 =	sadd.s32 @!p0 s5, s2;
	s23 =	sshrl.u32 @!p0 s23, $0x3;
	[sflag:s9] =	ssyncset.done @p0 $0x0  }
0x7b: {  	s31 =	simm.s32 @!p0 $0x0;
	[sflag:s9] =	ssyncadd.s32 @p0 $0xFFFFC000;
	s9 =	simm.s32 @!p0 $0x80  }
0x7c: {  	[tilespmem:s31], [sflag:$0x1] =	stream.indirect.gather @!p0 [hbm4b:s1+s9], $0x80, s30, s9, $0xb8;
	[tilespmem:$0x1FD00] =	vst v63  }
0x7d: {  	s0 =	sadd.s32 @!p0 s5, s23;
	s10 =	simm.s32 @!p0 $0xC000;
	s23 =	simm.s32 @!p0 $0x4  }
0x7e: {  	[tilespmem:s10], [sflag:$0x3] =	stream.linear.gather @!p0 [hbm4b:s2+s31], $0x80, $0x38;
	[tilespmem:$0x1FD00] =	vst v63  }
0x7f: {  	p1 =	sne.s32 s6, s28;
	_ =	swait.ge @!p0 [sflag:s23], $0x80  }
0x80: {  	s11 =	simm.s32 @!p0 $0x5;
	s10 =	simm.s32 @!p0 $0x4000;
	[sflag:s23] =	ssyncset.done @!p0 $0x0  }
.Ltmp2:
0x81: {  	s2 =	simm.s32 @!p0 $0xC080;
	[sflag:s23] =	ssyncadd.s32 @!p0 $0xFFFFFF80;
	(pc) =	sbr.rel @p1 .LBB2_4-.Ltmp2, $4  }
0x82: {  	[spmem:s3] =	stream.indirect.scatter.add.f32 @!p0 [tilespmem:s10], [sflag:$0x5], $0x80, s2, s9, $0xb8;
	[tilespmem:$0x1FD00] =	vst v63  }
0x83: {  	_ =	swait.ge @!p0 [sflag:s11], $0x4000  }
0x84: {  	[sflag:s11] =	ssyncset.done @!p0 $0x0  }
0x85: {  	s29 =	sadd.s32 $0x100, s29;
	s30 =	sadd.s32 $0x100, s30;
	[sflag:s11] =	ssyncadd.s32 @!p0 $0xFFFFC000  }
.LBB2_5:
0x86: {  	[tilespmem:s2], [sflag:$0x4] =	stream.linear.gather @!p0 [hbm4b:s0+s31], $0x80, $0x38;
	[tilespmem:$0x1FD00] =	vst v63  }
0x87: {  	s30 =	stileid.u32;
	s26 =	sadd.s32 $0x1, s26  }
0x88: {  	s31 =	sshrl.u32 s7, $0x3;
	s0 =	sshll.u32 s30, $0x6;
	p0 =	sne.s32 s26, s13  }
.Ltmp3:
0x89: {  	[bflag:$0x0] =	sbarrier.arrive $0xFFFF;
	s0 =	sor.u32 $0x1C05, s0;
	(pc) =	sbr.rel @p0 .LBB2_1-.Ltmp3, $4  }
0x8a: {  	[hbm:s12], [sflag:s0] =	dma.local [spmem:s31], $0x2780  }
0x8b: {  	_ =	swait.ge [sflag:s19], $0x2780  }
0x8c: {  	[sflag:s19] =	ssyncset.done $0x0  }
0x8d: {  	[sflag:s19] =	ssyncadd.s32 $0xFFFFD880  }
0x8e: {  	_ =	sfence.sel $0x180000  }
0x8f: {  	[bflag:$0x0] =	sbarrier.arrive $0xFFFF  }
0x90: {  	_ =	strace $0x90000050  }
0x91: {  	s0 =	stileid.u32;
	[bflag:$0x2] =	sbarrier.arrive $0xFFFF  }
0x92: {  	p0 =	sne.s32 s0, $0x0;
	s0 =	rddreg [dreg:$0x3]  }
0x93: {  	s0 =	sadd.s32 @!p0 $0x100000, s0  }
0x94: {  	[sflag:s0] =	ssyncadd.tile.s32 @!p0 $0x1;
	_ =	shalt  }
.Lfunc_end2:
_tile_overlayer_lowered:
.L_overlay_start_2:
0x95: {  	(tag) =	ssettag $0x2  }
0x96: {  	s0 =	rddreg [dreg:$0x0];
	s2 =	stileid.u32  }
0x97: {  	s1 =	rddreg [dreg:$0x1];
	p0 =	sne.s32 s2, $0x0  }
0x98: {  	s3 =	rddreg [dreg:$0x2];
	[bflag:$0x3] =	sbarrier.arrive $0xFFFF;
	s2 =	simm.s32 @!p0 $0x1C05  }
0x99: {  	[timem:s3], [sflag:s2] =	dma.local @!p0 [hbm:s0], s1  }
0x9a: {  	s0 =	simm.s32 @!p0 $0x5  }
0x9b: {  	_ =	swait.ge @!p0 [sflag:s0], s1  }
0x9c: {  	s1 =	ssub.s32 @!p0 $0x0, s1;
	[sflag:s0] =	ssyncset.done @!p0 $0x0  }
0x9d: {  	[sflag:s0] =	ssyncadd.s32 @!p0 s1  }
0x9e: {  	[bflag:$0x3] =	sbarrier.arrive $0xFFFF  }
0x9f: {  	_ =	shalt  }

// kernel: kernel.9.cloned.1.call-start
scs
__scs_entry_jumppad:
0x0: {  	(pc) =	sbr.rel $0x88, $3  }
0x1: {  	(tag) =	ssettag $0x0;
	lr =	simm.s32 $0x1  }
0x2: {  	[smem:$0x3F9A] =	sst lr;
	_ =	strace $0xD0000000  }
0x3: {  	_ = 	snop  }
0x4: {  	_ = 	snop  }
0x5: {  	_ = 	snop  }
0x6: {  	_ = 	snop  }
0x7: {  	_ = 	snop  }
__scs_overlays_trampoline_lowered:
0x8: {  	[smem:$0x3FA9] =	sst s0  }
0x9: {  	[smem:$0x3FAA] =	sst s1  }
0xa: {  	[smem:$0x3FAB] =	sst s2  }
0xb: {  	[smem:$0x3FAC] =	sst s3  }
0xc: {  	[smem:$0x3FAD] =	sst s4  }
0xd: {  	[smem:$0x3FAE] =	sst s5  }
0xe: {  	[smem:$0x3FAF] =	sst s6  }
0xf: {  	[smem:$0x3FB0] =	sst s7  }
0x10: {  	[smem:$0x3FB1] =	sst s8  }
0x11: {  	[smem:$0x3FB2] =	sst s9;
	s0 =	simm.s32 @!p0 $0x0  }
0x12: {  	s1 =	sld [smem:$0x3F98];
	s0 =	simm.s32 @p0 $0x1  }
0x13: {  	[smem:$0x3FB3] =	sst s0;
	s0 =	simm.s32 @!p1 $0x0  }
0x14: {  	s2 =	sld [smem:$0x3F97];
	s0 =	simm.s32 @p1 $0x1  }
0x15: {  	[smem:$0x3FB4] =	sst s0;
	s0 =	simm.s32 @!p2 $0x0  }
0x16: {  	s3 =	sld [smem:$0x3FDB];
	s0 =	simm.s32 @p2 $0x1  }
0x17: {  	s4 =	simm.s32 $0x1BF5;
	[smem:$0x3FB6] =	sst s0  }
0x18: {  	s0 =	sld [smem:$0x3F99];
	_ =	swait.ge [sflag:s4], $0x0  }
0x19: {  	s7 =	sld [smem:$0x3F9A]  }
0x1a: {  	s8 =	sadd.s32 $0xFFFFE003, lr  }
0x1b: {  	s9 =	sadd.s32 $0xFFFFFEF7, lr;
	s5 =	simm.s32 $0xFFFFFFFF;
	p2 =	slt.u32 s8, $0xFFFFF086  }
0x1c: {  	p1 =	slt.u32 s9, $0xF7A;
	s5 =	simm.s32 @!p2 $0x0  }
0x1d: {  	s5 =	simm.s32 @p1 $0x1;
	p0 =	seq.s32 s7, s2  }
0x1e: {  	s7 =	smul.u32 @!p0 $0xF7A, s2;
	p2 =	seq.s32 @!p0 s5, $0x0  }
0x1f: {  	s9 =	smul.u32 $0xF7A, s1;
	s8 =	simm.s32 @!p0 $0x1BF5;
	p2 =	por !p2, p0  }
0x20: {  	[sflag:s8] =	ssyncset.s32 @!p0 $0xFFFFF086;
	s6 =	sadd.s32 @!p0 s3, s7;
	s7 =	simm.s32 @!p0 $0x108  }
0x21: {  	s3 =	sadd.s32 s3, s9;
	s6 =	sadd.s32 @!p0 $0x88, s6;
	s7 =	simm.s32 @p2 $0x1082  }
0x22: {  	[simem:s7], [sflag:s8] =	dma.local @!p0 [hbm:s6], $0xF7A  }
0x23: {  	s9 =	sor.u32 $0xD0000000, s2;
	s6 =	simm.s32 $0x108;
	_ =	swait.ge @!p0 [sflag:s8], $0x0  }
0x24: {  	s3 =	sadd.s32 $0x88, s3;
	s6 =	simm.s32 @!p1 $0x1082;
	[sflag:s4] =	ssyncset.s32 $0xFFFFF086  }
0x25: {  	[simem:s6], [sflag:s4] =	dma.local [hbm:s3], $0xF7A  }
0x26: {  	[smem:$0x3F9A] =	sst s1;
	(tag) =	ssettag s2;
	_ =	strace s9  }
0x27: {  	s1 =	sld [smem:$0x3FAA]  }
0x28: {  	s2 =	sld [smem:$0x3FAB]  }
0x29: {  	s4 =	sld [smem:$0x3FAD]  }
0x2a: {  	p0 =	seq.s32 s5, $0x0;
	s5 =	sld [smem:$0x3FAE]  }
0x2b: {  	s6 =	sld [smem:$0x3FAF]  }
0x2c: {  	s7 =	sld [smem:$0x3FB0]  }
0x2d: {  	s3 =	simm.s32 $0x108;
	s8 =	sld [smem:$0x3FB1]  }
0x2e: {  	s3 =	simm.s32 @!p0 $0x1082;
	s9 =	sld [smem:$0x3FB2]  }
0x2f: {  	lr =	sadd.s32 s0, s3;
	s0 =	sld [smem:$0x3FA9]  }
0x30: {  	s3 =	sld [smem:$0x3FAC]  }
0x31: {  	[smem:$0x3FB5] =	sst s10  }
0x32: {  	s10 =	sld [smem:$0x3FB3];
	_ =	sdelay $0x3  }
0x33: {  	p0 =	seq.s32 s10, $0x1;
	s10 =	sld [smem:$0x3FB5];
	_ =	sdelay $0x3  }
0x34: {  	[smem:$0x3FB5] =	sst s10  }
0x35: {  	s10 =	sld [smem:$0x3FB4];
	_ =	sdelay $0x3  }
0x36: {  	p1 =	seq.s32 s10, $0x1;
	s10 =	sld [smem:$0x3FB5];
	_ =	sdelay $0x3  }
0x37: {  	[smem:$0x3FB5] =	sst s10  }
0x38: {  	s10 =	sld [smem:$0x3FB6]  }
0x39: {  	_ = 	snop;
	(pc) =	sbr.ind lr, $3  }
0x3a: {  	_ = 	snop  }
0x3b: {  	_ = 	snop  }
0x3c: {  	p2 =	seq.s32 s10, $0x1;
	s10 =	sld [smem:$0x3FB5]  }
0x3d: {  	_ =	shalt  }
0x3e: {  	_ =	shalt  }
0x3f: {  	_ =	shalt  }
0x40: {  	_ =	shalt  }
0x41: {  	_ =	shalt  }
0x42: {  	_ =	shalt  }
0x43: {  	_ =	shalt  }
0x44: {  	_ =	shalt  }
0x45: {  	_ =	shalt  }
0x46: {  	_ =	shalt  }
0x47: {  	_ =	shalt  }
0x48: {  	_ =	shalt  }
0x49: {  	_ =	shalt  }
0x4a: {  	_ =	shalt  }
0x4b: {  	_ =	shalt  }
0x4c: {  	_ =	shalt  }
0x4d: {  	_ =	shalt  }
0x4e: {  	_ =	shalt  }
0x4f: {  	_ =	shalt  }
0x50: {  	_ =	shalt  }
0x51: {  	_ =	shalt  }
0x52: {  	_ =	shalt  }
0x53: {  	_ =	shalt  }
0x54: {  	_ =	shalt  }
0x55: {  	_ =	shalt  }
0x56: {  	_ =	shalt  }
0x57: {  	_ =	shalt  }
0x58: {  	_ =	shalt  }
0x59: {  	_ =	shalt  }
0x5a: {  	_ =	shalt  }
0x5b: {  	_ =	shalt  }
0x5c: {  	_ =	shalt  }
0x5d: {  	_ =	shalt  }
0x5e: {  	_ =	shalt  }
0x5f: {  	_ =	shalt  }
0x60: {  	_ =	shalt  }
0x61: {  	_ =	shalt  }
0x62: {  	_ =	shalt  }
0x63: {  	_ =	shalt  }
0x64: {  	_ =	shalt  }
0x65: {  	_ =	shalt  }
0x66: {  	_ =	shalt  }
0x67: {  	_ =	shalt  }
0x68: {  	_ =	shalt  }
0x69: {  	_ =	shalt  }
0x6a: {  	_ =	shalt  }
0x6b: {  	_ =	shalt  }
0x6c: {  	_ =	shalt  }
0x6d: {  	_ =	shalt  }
0x6e: {  	_ =	shalt  }
0x6f: {  	_ =	shalt  }
0x70: {  	_ =	shalt  }
0x71: {  	_ =	shalt  }
0x72: {  	_ =	shalt  }
0x73: {  	_ =	shalt  }
0x74: {  	_ =	shalt  }
0x75: {  	_ =	shalt  }
0x76: {  	_ =	shalt  }
0x77: {  	_ =	shalt  }
0x78: {  	_ =	shalt  }
0x79: {  	_ =	shalt  }
0x7a: {  	_ =	shalt  }
0x7b: {  	_ =	shalt  }
0x7c: {  	_ =	shalt  }
0x7d: {  	_ =	shalt  }
0x7e: {  	_ =	shalt  }
0x7f: {  	_ =	shalt  }
0x80: {  	_ =	shalt  }
0x81: {  	_ =	shalt  }
0x82: {  	_ =	shalt  }
0x83: {  	_ =	shalt  }
0x84: {  	_ =	shalt  }
0x85: {  	_ =	shalt  }
0x86: {  	_ =	shalt  }
0x87: {  	_ =	shalt  }
.Lfunc_end0:
.L_simem_size_0:
called_computation_lowered:
.L_overlay_start_0:
0x88: {  	s2 =	sld [smem:$0x3FD9]  }
0x89: {  	s3 =	sld [smem:$0x3FFE];
	_ =	sdelay $0x1  }
0x8a: {  	s1 =	srdreg.scid  }
0x8b: {  	s0 =	sand.u32 $0x1, s1  }
0x8c: {  	s16 =	sshll.u32 s0, $0xA;
	s2 =	sadd.s32 s3, s2  }
0x8d: {  	s2 =	sadd.s32 s2, s16  }
0x8e: {  	[smem:$0x3FC1] =	sst s2  }
0x8f: {  	_ = 	snop  }
0x90: {  	(tm) =	ssettm $0x1  }
0x91: {  	s17 =	sld [smem:$0x3FFB];
	_ =	sdelay $0x3  }
0x92: {  	_ =	strace s17  }
0x93: {  	s2 =	sld [smem:$0x3FFC];
	_ =	sdelay $0x3  }
0x94: {  	_ =	strace s2  }
0x95: {  	s2 =	sld [smem:$0x3FFD];
	_ =	sdelay $0x3  }
0x96: {  	_ =	strace s2  }
0x97: {  	_ =	strace $0x8FFFFFFF  }
0x98: {  	s18 =	sld [smem:$0x3FDB];
	_ =	sdelay $0x1  }
0x99: {  	s19 =	simm.s32 $_scs_section_size  }
0x9a: {  	s4 =	simm.s32 $_size__tile_overlayer_lowered;
	s5 =	simm.s32 $_tile_overlayer_lowered  }
0x9b: {  	s22 =	simm.s32 $0x1BFF;
	s21 =	sshll.u32 s5, $0x1;
	s2 =	sadd.s32 s19, s18  }
0x9c: {  	s6 =	simm.s32 $0x0;
	s20 =	sshll.u32 s4, $0x1;
	s4 =	sadd.s32 s21, s2  }
0x9d: {  	[timem:s6], [sflag:s22] =	dma.local [hbm:s4], s20  }
0x9e: {  	_ =	swait.ge [sflag:s22], s20  }
0x9f: {  	s3 =	ssub.s32 $0x0, s20;
	[sflag:s22] =	ssyncset.done $0x0  }
0xa0: {  	[sflag:s22] =	ssyncadd.s32 s3;
	_ =	sdelay $0x1  }
0xa1: {  	s23 =	simm.s32 $0x1B8B  }
0xa2: {  	_ =	swait.ge [sflag:s23], $0x1  }
0xa3: {  	[sflag:s23] =	ssyncset.done $0x0  }
0xa4: {  	s25 =	simm.s32 $0x1B8E;
	s24 =	sld [smem:$0x3FFE];
	[sflag:s23] =	ssyncadd.s32 $0xFFFFFFFF  }
0xa5: {  	s26 =	simm.s32 $execute0_lowered;
	[smem:$0x3FD2] =	sst s25  }
0xa6: {  	s4 =	sshll.u32 s26, $0x1;
	_ =	strace $0x80000046;
	[dreg:$0x1] =	wrdreg $0xFFFFFFFF  }
0xa7: {  	s28 =	simm.s32 $_size_execute0_lowered;
	s2 =	sadd.s32 s2, s4;
	[dreg:$0x0] =	wrdreg $0x0  }
0xa8: {  	s4 =	sshll.u32 s28, $0x1;
	[dreg:$0x2] =	wrdreg s2  }
0xa9: {  	[dreg:$0x3] =	wrdreg s4  }
0xaa: {  	[dreg:$0x4] =	wrdreg $0xC0  }
0xab: {  	_ =	task [dreg:s6], $0x5FFFF  }
0xac: {  	[dreg:$0x1] =	wrdreg $0xFFFFFFFF  }
0xad: {  	[dreg:$0x0] =	wrdreg $0x60  }
0xae: {  	[dreg:$0x2] =	wrdreg s24  }
0xaf: {  	[dreg:$0x3] =	wrdreg $0xA8000  }
0xb0: {  	[dreg:$0x4] =	wrdreg $0xA  }
0xb1: {  	_ =	task.clear_ibuf [dreg:s6], $0x5FFFF;
	_ =	strace $0x90000046  }
0xb2: {  	s29 =	simm.s32 $0xA;
	_ =	strace $0x80000048  }
0xb3: {  	_ =	swait.ge [sflag:s29], $0x1  }
0xb4: {  	[sflag:s29] =	ssyncadd.s32 $0xFFFFFFFF  }
0xb5: {  	_ =	strace $0x90000048  }
0xb6: {  	_ =	sfence  }
0xb7: {  	s30 =	sld [smem:$0x0];
	_ =	sdelay $0x2  }
0xb8: {  	s31 =	sshll.u32 s1, $0xD;
	s1 =	sshrl.u32 s1, $0x2  }
0xb9: {  	s3 =	sand.u32 $0x4000, s31;
	s1 =	sadd.s32 s1, s30  }
0xba: {  	s0 =	sor.u32 s3, s0;
	s1 =	sshll.u32 s1, $0x11  }
0xbb: {  	s0 =	sor.u32 s1, s0  }
0xbc: {  	s0 =	sadd.s32 $0x8F2B, s0  }
0xbd: {  	[sflag:s0] =	ssyncadd.remote.s32 $0x1  }
0xbe: {  	_ =	sfence.sel $0xFFFF  }
0xbf: {  	[dreg:$0x0] =	wrdreg $0xFFFFFFFF;
	(pc) =	sbr.abs _section_cstart, $3  }
0xc0: {  	[dreg:$0x1] =	wrdreg $0xFFFFFFFF  }
0xc1: {  	_ =	task.clear_ibuf [dreg:s6], $0x2FFFF;
	_ =	strace $0x9FFFFFFF  }
0xc2: {  	(tm) =	ssettm $0x7FFFFFFF  }
0xc3: {  	_ =	shalt  }
tec
execute0_lowered:
.L_overlay_start_1:
0x0: {  	(tag) =	ssettag $0x1  }
0x1: {  	s5 =	rddreg [dreg:$0x0]  }
0x2: {  	s0 =	srdreg.scid;
	s2 =	rddreg [dreg:$0x1]  }
0x3: {  	s3 =	simm.s32 $0x0;
	s12 =	simm.s32 $0x8000;
	s13 =	simm.s32 $0x2  }
0x4: {  	s14 =	simm.s32 $0x1;
	s15 =	simm.s32 $0x80;
	s4 =	sand.u32 $0x1, s0  }
0x5: {  	s16 =	simm.s32 $0x4000;
	s0 =	stileid.u32;
	s7 =	smul.u32 $0x13C000, s4  }
0x6: {  	[smem:$0x7FF] =	sst s3;
	s1 =	sshll.u32 s4, $0x4;
	s8 =	smul.u32 $0x13C00, s0  }
0x7: {  	s9 =	smul.u32 $0x4F000, s0;
	s4 =	ssub.s32 $0x2, s4;
	s17 =	sshll.u32 s0, $0x6  }
0x8: {  	s1 =	sor.u32 s0, s1;
	s31 =	sshrl.u32 s4, $0x1;
	s17 =	sor.u32 $0x1C02, s17  }
0x9: {  	s6 =	smul.u32 $0x500, s1;
	s1 =	rddreg [dreg:$0x2];
	_ =	strace $0x80000047  }
0xa: {  	s7 =	sadd.s32 s8, s7;
	s9 =	sshrl.u32 s9, $0x2;
	s8 =	ssub.s32 s4, s31  }
0xb: {  	s7 =	sshrl.u32 s7, $0x3;
	s4 =	sadd.s32 s9, s2;
	s8 =	smax.u32 s8, $0x1  }
0xc: {  	s6 =	sadd.s32 s6, s5;
	s7 =	sadd.s32 s7, s5;
	s9 =	sadd.s32 $0x4000, s4  }
0xd: {  	s10 =	sadd.s32 $0x8000, s4;
	s11 =	sadd.s32 $0xC000, s4;
	s18 =	sshrl.u32 s4, $0x3  }
0xe: {  	v0 =	vimm.f32 $0.0e+00;
	v1 =	vimm.f32 $1.000000000e+00;
	s5 =	sadd.s32 $0xD800, s6;
	s6 =	sadd.s32 $0x10000, s4;
	s7 =	sadd.s32 $0x18000, s7  }
.LBB2_1:
0xf: {  	s19 =	simm.s32 $0x0;
	s20 =	simm.s32 $0x200  }
.LBB2_2:
0x10: {  	p0 =	sne.s32 s20, $0xFE00;
	[tilespmem:s19+$0x4070] =	vst v1  }
0x11: {  	[tilespmem:s19+$0x0] =	vst v0  }
0x12: {  	[tilespmem:s19+$0x4000] =	vst v1  }
0x13: {  	[tilespmem:s19+$0x10] =	vst v0  }
0x14: {  	[tilespmem:s19+$0x4010] =	vst v1  }
0x15: {  	[tilespmem:s19+$0x20] =	vst v0  }
0x16: {  	[tilespmem:s19+$0x4020] =	vst v1  }
0x17: {  	[tilespmem:s19+$0x30] =	vst v0  }
0x18: {  	[tilespmem:s19+$0x4030] =	vst v1  }
0x19: {  	[tilespmem:s19+$0x40] =	vst v0  }
0x1a: {  	[tilespmem:s19+$0x4040] =	vst v1  }
.Ltmp0:
0x1b: {  	[tilespmem:s19+$0x50] =	vst v0;
	(pc) =	sbr.rel @p0 .LBB2_2-.Ltmp0, $4  }
0x1c: {  	[tilespmem:s19+$0x4050] =	vst v1  }
0x1d: {  	[tilespmem:s19+$0x60] =	vst v0  }
0x1e: {  	[tilespmem:s19+$0x4060] =	vst v1  }
0x1f: {  	[tilespmem:s19+$0x70] =	vst v0;
	s19 =	sshra.s32 s20, $0x2;
	s20 =	sadd.s32 $0x200, s20  }
0x20: {  	[tilespmem:s19+$0x4070] =	vst v1  }
0x21: {  	[tilespmem:s19+$0x0] =	vst v0  }
0x22: {  	[tilespmem:s19+$0x4000] =	vst v1  }
0x23: {  	[tilespmem:s19+$0x10] =	vst v0  }
0x24: {  	[tilespmem:s19+$0x4010] =	vst v1  }
0x25: {  	[tilespmem:s19+$0x20] =	vst v0  }
0x26: {  	[tilespmem:s19+$0x4020] =	vst v1  }
0x27: {  	[tilespmem:s19+$0x30] =	vst v0  }
0x28: {  	[tilespmem:s19+$0x4030] =	vst v1  }
0x29: {  	[tilespmem:s19+$0x40] =	vst v0  }
0x2a: {  	[tilespmem:s19+$0x4040] =	vst v1  }
0x2b: {  	[tilespmem:s19+$0x50] =	vst v0  }
0x2c: {  	[tilespmem:s19+$0x4050] =	vst v1  }
0x2d: {  	[tilespmem:s19+$0x60] =	vst v0  }
0x2e: {  	[tilespmem:s19+$0x4060] =	vst v1  }
0x2f: {  	[tilespmem:s19+$0x70] =	vst v0;
	s30 =	simm.s32 $0x0  }
0x30: {  	[tilespmem:s12], [sflag:$0x1] =	stream.linear.gather [hbm4b:s5+s30], $0x2800, $0x38;
	[tilespmem:$0x1E400] =	vst v63  }
0x31: {  	_ = 	snop  }
0x32: {  	[spmem:s4] =	stream.linear.scatter [tilespmem:s30], [sflag:$0x2], $0x4000, $0x38;
	[tilespmem:$0x1E400] =	vst v63  }
0x33: {  	_ =	swait.ge [sflag:s13], $0x4000  }
0x34: {  	[sflag:s13] =	ssyncset.done $0x0  }
0x35: {  	[sflag:s13] =	ssyncadd.s32 $0xFFFFC000  }
0x36: {  	[spmem:s9] =	stream.linear.scatter [tilespmem:s30], [sflag:$0x2], $0x4000, $0x38;
	[tilespmem:$0x1E400] =	vst v63  }
0x37: {  	_ =	swait.ge [sflag:s13], $0x4000  }
0x38: {  	[sflag:s13] =	ssyncset.done $0x0  }
0x39: {  	[sflag:s13] =	ssyncadd.s32 $0xFFFFC000  }
0x3a: {  	[spmem:s10] =	stream.linear.scatter [tilespmem:s30], [sflag:$0x2], $0x4000, $0x38;
	[tilespmem:$0x1E400] =	vst v63  }
0x3b: {  	_ =	swait.ge [sflag:s13], $0x4000  }
0x3c: {  	[sflag:s13] =	ssyncset.done $0x0  }
0x3d: {  	[sflag:s13] =	ssyncadd.s32 $0xFFFFC000  }
0x3e: {  	[spmem:s11] =	stream.linear.scatter [tilespmem:s30], [sflag:$0x2], $0x4000, $0x38;
	[tilespmem:$0x1E400] =	vst v63  }
0x3f: {  	_ =	swait.ge [sflag:s13], $0x4000  }
0x40: {  	[sflag:s13] =	ssyncset.done $0x0  }
0x41: {  	[sflag:s13] =	ssyncadd.s32 $0xFFFFC000  }
0x42: {  	[spmem:s6] =	stream.linear.scatter [tilespmem:s30], [sflag:$0x2], $0x3C00, $0x38;
	[tilespmem:$0x1E400] =	vst v63  }
0x43: {  	_ =	swait.ge [sflag:s13], $0x3C00  }
0x44: {  	[sflag:s13] =	ssyncset.done $0x0  }
0x45: {  	[sflag:s13] =	ssyncadd.s32 $0xFFFFC400  }
0x46: {  	_ =	swait.ge [sflag:s14], $0x2800  }
0x47: {  	[sflag:s14] =	ssyncset.done $0x0  }
0x48: {  	[sflag:s14] =	ssyncadd.s32 $0xFFFFD800  }
0x49: {  	s31 =	simm.s32 $0x8000;
	[bflag:$0x0] =	sbarrier.arrive $0xFFFF  }
0x4a: {  	[spmem:s2] =	stream.indirect.scatter.add.f32 [tilespmem:s16], [sflag:$0x2], $0x80, s31, s15, $0xb8;
	[tilespmem:$0x1E400] =	vst v63  }
0x4b: {  	s19 =	simm.s32 $0x200;
	_ =	swait.ge [sflag:s13], $0x4000  }
.LBB2_4:
0x4c: {  	s20 =	sshra.s32 s19, $0x2;
	[sflag:s13] =	ssyncset.done $0x0;
	p0 =	sne.s32 s19, $0x9E00  }
.Ltmp1:
0x4d: {  	s20 =	sadd.s32 $0x8000, s20;
	[sflag:s13] =	ssyncadd.s32 $0xFFFFC000;
	(pc) =	sbr.rel @p0 .LBB2_4-.Ltmp1, $3  }
0x4e: {  	[spmem:s2] =	stream.indirect.scatter.add.f32 [tilespmem:s16], [sflag:$0x2], $0x80, s20, s15, $0xb8;
	[tilespmem:$0x1E400] =	vst v63  }
0x4f: {  	s19 =	sadd.s32 $0x200, s19;
	_ =	sdelay $0x1  }
0x50: {  	_ =	swait.ge [sflag:s13], $0x4000  }
0x51: {  	[sflag:s13] =	ssyncset.done $0x0;
	s3 =	sadd.s32 $0x1, s3  }
0x52: {  	[sflag:s13] =	ssyncadd.s32 $0xFFFFC000;
	p0 =	sne.s32 s3, s8  }
.Ltmp2:
0x53: {  	[bflag:$0x0] =	sbarrier.arrive $0xFFFF;
	(pc) =	sbr.rel @p0 .LBB2_1-.Ltmp2, $4  }
0x54: {  	[hbm:s7], [sflag:s17] =	dma.local [spmem:s18], $0x2780  }
0x55: {  	_ =	swait.ge [sflag:s13], $0x2780  }
0x56: {  	[sflag:s13] =	ssyncset.done $0x0  }
0x57: {  	[sflag:s13] =	ssyncadd.s32 $0xFFFFD880  }
0x58: {  	_ =	sfence.sel $0x180000  }
0x59: {  	[bflag:$0x0] =	sbarrier.arrive $0xFFFF  }
0x5a: {  	p0 =	sne.s32 s0, $0x0;
	_ =	strace $0x90000047  }
0x5b: {  	s0 =	sadd.s32 @!p0 $0x100000, s1;
	[bflag:$0x2] =	sbarrier.arrive $0xFFFF  }
0x5c: {  	[sflag:s0] =	ssyncadd.tile.s32 @!p0 $0x1;
	_ =	shalt  }
.Lfunc_end2:
_tile_overlayer_lowered:
.L_overlay_start_2:
0x5d: {  	(tag) =	ssettag $0x2  }
0x5e: {  	s0 =	rddreg [dreg:$0x0];
	s2 =	stileid.u32  }
0x5f: {  	s1 =	rddreg [dreg:$0x1];
	p0 =	sne.s32 s2, $0x0  }
0x60: {  	s3 =	rddreg [dreg:$0x2];
	[bflag:$0x3] =	sbarrier.arrive $0xFFFF;
	s2 =	simm.s32 @!p0 $0x1C02  }
0x61: {  	[timem:s3], [sflag:s2] =	dma.local @!p0 [hbm:s0], s1  }
0x62: {  	s0 =	simm.s32 @!p0 $0x2  }
0x63: {  	_ =	swait.ge @!p0 [sflag:s0], s1  }
0x64: {  	s1 =	ssub.s32 @!p0 $0x0, s1;
	[sflag:s0] =	ssyncset.done @!p0 $0x0  }
0x65: {  	[sflag:s0] =	ssyncadd.s32 @!p0 s1  }
0x66: {  	[bflag:$0x3] =	sbarrier.arrive $0xFFFF  }
0x67: {  	_ =	shalt  }

</sc_bundles>
